<compile_context>
chip_gen: v7x
topology: tpu7x:2x2x1
jax: 0.10.2.dev20260603
libtpu: 0.0.44.dev20260713+nightly
codegen_flags: <defaults>
</compile_context>

<pallas_src>
import functools

import jax
import jax.numpy as jnp
from jax import lax
from jax.experimental import pallas as pl
from jax.experimental.pallas import tpu as pltpu
from jax.experimental.pallas import tpu_sc as plsc

_D = 128
_NBUF = 10
_HALF = 2


@functools.lru_cache(maxsize=None)
def _build(n_seq, seq_len):
    info = plsc.get_sparse_core_info()
    NC, NS = info.num_cores, info.num_subcores
    NW = NC * NS
    assert n_seq % NW == 0
    SPW = n_seq // NW
    CH = SPW // _HALF
    NCH = seq_len * _HALF
    assert NCH % _NBUF == 0
    NOUT = NCH // _NBUF

    mesh = plsc.VectorSubcoreMesh(core_axis_name="c", subcore_axis_name="s")

    @functools.partial(
        pl.kernel,
        mesh=mesh,
        out_type=jax.ShapeDtypeStruct((seq_len, n_seq, _D), jnp.float32),
        scratch_types=[
            pltpu.VMEM((seq_len, SPW), jnp.int32),
            pltpu.VMEM((_NBUF, CH, _D), jnp.float32),
            pltpu.SemaphoreType.DMA((_NBUF,)),
            pltpu.SemaphoreType.DMA((_NBUF,)),
        ],
    )
    def emb(table_hbm, ids_hbm, out_hbm, idx_v, bufs, gsem, osem):
        wid = lax.axis_index("s") * NC + lax.axis_index("c")
        base = wid * SPW
        pltpu.sync_copy(ids_hbm.at[:, pl.ds(base, SPW)], idx_v)

        def idx_of(j):
            return idx_v.at[j // _HALF].at[pl.ds((j % _HALF) * CH, CH)]

        def dst_of(j):
            return out_hbm.at[j // _HALF].at[pl.ds(base + (j % _HALF) * CH, CH)]

        for b in range(_NBUF):
            pltpu.async_copy(table_hbm.at[idx_of(b)], bufs.at[b], gsem.at[b])

        def outer(g, carry):
            for b in range(_NBUF):
                j = g * _NBUF + b
                pltpu.make_async_copy(
                    table_hbm.at[idx_of(j)], bufs.at[b], gsem.at[b]
                ).wait()
                pltpu.async_copy(bufs.at[b], dst_of(j), osem.at[b])

                @pl.when(g < NOUT - 1)
                def _():
                    pltpu.make_async_copy(bufs.at[b], dst_of(j), osem.at[b]).wait()
                    pltpu.async_copy(
                        table_hbm.at[idx_of(j + _NBUF)], bufs.at[b], gsem.at[b]
                    )
            return carry

        lax.fori_loop(0, NOUT, outer, 0)
        for b in range(_NBUF):
            j = (NOUT - 1) * _NBUF + b
            pltpu.make_async_copy(bufs.at[b], dst_of(j), osem.at[b]).wait()

    return emb


def kernel(token_ids, embedding):
    n_seq, seq_len = token_ids.shape
    emb = _build(n_seq, seq_len)
    ids_t = jnp.transpose(token_ids).astype(jnp.int32)
    out_t = emb(embedding, ids_t)
    return jnp.transpose(out_t, (1, 0, 2))

# --- scband reference (transcript-rebuilt; emitter-appended) ---
"""Pipeline reference for scband-embedding-6219112645094 (READ-ONLY COPY).

The authoritative reference and input builder live on the scoring server;
editing this copy changes nothing except your own understanding.
"""

import jax, jax.numpy as jnp
import numpy as np

NUM_EMBEDDINGS = 100000
EMBEDDING_DIM = 128

def setup_inputs(seed: int = 0) -> dict:
    key = jax.random.key(seed)
    k1, k2 = jax.random.split(key)
    token_ids = jax.random.randint(k1, (4096, 50), 0, NUM_EMBEDDINGS, dtype=jnp.int64 if jax.config.jax_enable_x64 else jnp.int32)
    # trunc_normal_(std=1, a=-3, b=3)
    embedding = jax.random.truncated_normal(k2, -3.0, 3.0, (NUM_EMBEDDINGS, EMBEDDING_DIM), dtype=jnp.float32)
    return {"token_ids": token_ids, "embedding": embedding}

def reference(token_ids, embedding):
    # Faithful translation of: return self.embedding[token_ids]
    return jnp.take(embedding, token_ids, axis=0)

if __name__ == "__main__":
    import jax
    _d = setup_inputs()
    print(jax.jit(kernel)(*tuple(_d.values())))

</pallas_src>

<mosaic_0001>
#map = affine_map<(d0, d1) -> (0, 0)>
#map1 = affine_map<(d0, d1) -> (0, 0, 0)>
module attributes {stable_mosaic.version = 14 : i64} {
  func.func @emb(%arg0: i32, %arg1: i32, %arg2: memref<100000x128xf32, #tpu.memory_space<hbm>>, %arg3: memref<50x4096xi32, #tpu.memory_space<hbm>>, %arg4: memref<50x4096x128xf32, #tpu.memory_space<hbm>>, %arg5: memref<50x128xi32, #tpu.memory_space<vmem>>, %arg6: memref<10x64x128xf32, #tpu.memory_space<vmem>>, %arg7: memref<10x!tpu.dma_semaphore, #tpu.memory_space<semaphore_mem>>, %arg8: memref<10x!tpu.dma_semaphore, #tpu.memory_space<semaphore_mem>>) attributes {dimension_semantics = [#tpu.dimension_semantics<core_parallel>, #tpu.dimension_semantics<subcore_parallel>], iteration_bounds = array<i64: 2, 16>, scalar_prefetch = 0 : i64, scratch_operands = 4 : i64, tpu.core_type = #tpu.core_type<sc_vector_subcore>, window_params = [{transform_indices = #map}, {transform_indices = #map}, {transform_indices = #map1}]} {
    %mul3A = arith.constant 2 : i32
    %mul3A_0 = arith.muli %arg1, %mul3A : i32
    %add3A = arith.addi %mul3A_0, %arg0 : i32
    %mul3A_1 = arith.constant 128 : i32
    %mul3A_2 = arith.muli %add3A, %mul3A_1 : i32
    "tpu.region"() ({
      %run_scoped3A = tpu.sem_alloc : memref<!tpu.dma_semaphore, #tpu.memory_space<semaphore_mem>>
      %dma_start3A_446 = arith.constant 0 : i32
      %dma_start3A_447 = tpu.memref_slice %arg3[%dma_start3A_446, %mul3A_2] : memref<50x4096xi32, #tpu.memory_space<hbm>> -> memref<50x128xi32, #tpu.memory_space<hbm>>
      %dma_start3A_448 = arith.constant 0 : i32
      %dma_start3A_449 = tpu.memref_slice %arg3[%dma_start3A_448, %mul3A_2] : memref<50x4096xi32, #tpu.memory_space<hbm>> -> memref<50x128xi32, #tpu.memory_space<hbm>>
      tpu.enqueue_dma source(%dma_start3A_449 : memref<50x128xi32, #tpu.memory_space<hbm>>) target(%arg5 : memref<50x128xi32, #tpu.memory_space<vmem>>) target_semaphore(%run_scoped3A : memref<!tpu.dma_semaphore, #tpu.memory_space<semaphore_mem>>)
      %dma_wait3A_450 = arith.constant 0 : i32
      %dma_wait3A_451 = tpu.memref_slice %arg3[%dma_wait3A_450, %mul3A_2] : memref<50x4096xi32, #tpu.memory_space<hbm>> -> memref<50x128xi32, #tpu.memory_space<hbm>>
      %dma_wait3A_452 = arith.constant 0 : i32
      %dma_wait3A_453 = tpu.memref_slice %arg3[%dma_wait3A_452, %mul3A_2] : memref<50x4096xi32, #tpu.memory_space<hbm>> -> memref<50x128xi32, #tpu.memory_space<hbm>>
      tpu.wait_dma2 semaphore(%run_scoped3A : memref<!tpu.dma_semaphore, #tpu.memory_space<semaphore_mem>>) src(%dma_wait3A_453 : memref<50x128xi32, #tpu.memory_space<hbm>>) dst(%arg5 : memref<50x128xi32, #tpu.memory_space<vmem>>)
      tpu.yield
    }) : () -> ()
    %dma_start3A = arith.constant 0 : i32
    %dma_start3A_3 = arith.constant 0 : i32
    %dma_start3A_4 = arith.constant 0 : i32
    %dma_start3A_5 = arith.constant 0 : i32
    %dma_start3A_6 = arith.constant 0 : i32
    %dma_start3A_7 = tpu.memref_slice %arg6[%dma_start3A_3, %dma_start3A_5, %dma_start3A_6] : memref<10x64x128xf32, #tpu.memory_space<vmem>> -> memref<1x64x128xf32, #tpu.memory_space<vmem>>
    %dma_start3A_8 = tpu.memref_squeeze %dma_start3A_7 : memref<1x64x128xf32, #tpu.memory_space<vmem>> -> memref<64x128xf32, #tpu.memory_space<vmem>>
    %dma_start3A_9 = arith.constant 0 : i32
    %dma_start3A_10 = tpu.memref_slice %arg5[%dma_start3A, %dma_start3A_9] : memref<50x128xi32, #tpu.memory_space<vmem>> -> memref<1x128xi32, #tpu.memory_space<vmem>>
    %dma_start3A_11 = tpu.memref_squeeze %dma_start3A_10 : memref<1x128xi32, #tpu.memory_space<vmem>> -> memref<128xi32, #tpu.memory_space<vmem>>
    %dma_start3A_12 = arith.constant 0 : i32
    %dma_start3A_13 = tpu.memref_slice %dma_start3A_11[%dma_start3A_12] : memref<128xi32, #tpu.memory_space<vmem>> -> memref<64xi32, #tpu.memory_space<vmem>>
    %dma_start3A_14 = arith.constant 0 : i32
    %dma_start3A_15 = arith.constant 0 : i32
    %dma_start3A_16 = tpu.memref_slice %arg2[%dma_start3A_14, %dma_start3A_15] : memref<100000x128xf32, #tpu.memory_space<hbm>> -> memref<100000x128xf32, #tpu.memory_space<hbm>>
    %dma_start3A_17 = tpu.memref_slice %arg7[%dma_start3A_4] : memref<10x!tpu.dma_semaphore, #tpu.memory_space<semaphore_mem>> -> memref<1x!tpu.dma_semaphore, #tpu.memory_space<semaphore_mem>>
    %dma_start3A_18 = tpu.memref_squeeze %dma_start3A_17 : memref<1x!tpu.dma_semaphore, #tpu.memory_space<semaphore_mem>> -> memref<!tpu.dma_semaphore, #tpu.memory_space<semaphore_mem>>
    tpu.enqueue_indirect_dma source(%dma_start3A_16 : memref<100000x128xf32, #tpu.memory_space<hbm>>) target(%dma_start3A_8 : memref<64x128xf32, #tpu.memory_space<vmem>>) offsets(%dma_start3A_13 : memref<64xi32, #tpu.memory_space<vmem>>) semaphore(%dma_start3A_18 : memref<!tpu.dma_semaphore, #tpu.memory_space<semaphore_mem>>)
    %dma_start3A_19 = arith.constant 0 : i32
    %dma_start3A_20 = arith.constant 1 : i32
    %dma_start3A_21 = arith.constant 1 : i32
    %dma_start3A_22 = arith.constant 0 : i32
    %dma_start3A_23 = arith.constant 0 : i32
    %dma_start3A_24 = tpu.memref_slice %arg6[%dma_start3A_20, %dma_start3A_22, %dma_start3A_23] : memref<10x64x128xf32, #tpu.memory_space<vmem>> -> memref<1x64x128xf32, #tpu.memory_space<vmem>>
    %dma_start3A_25 = tpu.memref_squeeze %dma_start3A_24 : memref<1x64x128xf32, #tpu.memory_space<vmem>> -> memref<64x128xf32, #tpu.memory_space<vmem>>
    %dma_start3A_26 = arith.constant 0 : i32
    %dma_start3A_27 = tpu.memref_slice %arg5[%dma_start3A_19, %dma_start3A_26] : memref<50x128xi32, #tpu.memory_space<vmem>> -> memref<1x128xi32, #tpu.memory_space<vmem>>
    %dma_start3A_28 = tpu.memref_squeeze %dma_start3A_27 : memref<1x128xi32, #tpu.memory_space<vmem>> -> memref<128xi32, #tpu.memory_space<vmem>>
    %dma_start3A_29 = arith.constant 64 : i32
    %dma_start3A_30 = tpu.memref_slice %dma_start3A_28[%dma_start3A_29] : memref<128xi32, #tpu.memory_space<vmem>> -> memref<64xi32, #tpu.memory_space<vmem>>
    %dma_start3A_31 = arith.constant 0 : i32
    %dma_start3A_32 = arith.constant 0 : i32
    %dma_start3A_33 = tpu.memref_slice %arg2[%dma_start3A_31, %dma_start3A_32] : memref<100000x128xf32, #tpu.memory_space<hbm>> -> memref<100000x128xf32, #tpu.memory_space<hbm>>
    %dma_start3A_34 = tpu.memref_slice %arg7[%dma_start3A_21] : memref<10x!tpu.dma_semaphore, #tpu.memory_space<semaphore_mem>> -> memref<1x!tpu.dma_semaphore, #tpu.memory_space<semaphore_mem>>
    %dma_start3A_35 = tpu.memref_squeeze %dma_start3A_34 : memref<1x!tpu.dma_semaphore, #tpu.memory_space<semaphore_mem>> -> memref<!tpu.dma_semaphore, #tpu.memory_space<semaphore_mem>>
    tpu.enqueue_indirect_dma source(%dma_start3A_33 : memref<100000x128xf32, #tpu.memory_space<hbm>>) target(%dma_start3A_25 : memref<64x128xf32, #tpu.memory_space<vmem>>) offsets(%dma_start3A_30 : memref<64xi32, #tpu.memory_space<vmem>>) semaphore(%dma_start3A_35 : memref<!tpu.dma_semaphore, #tpu.memory_space<semaphore_mem>>)
    %dma_start3A_36 = arith.constant 1 : i32
    %dma_start3A_37 = arith.constant 2 : i32
    %dma_start3A_38 = arith.constant 2 : i32
    %dma_start3A_39 = arith.constant 0 : i32
    %dma_start3A_40 = arith.constant 0 : i32
    %dma_start3A_41 = tpu.memref_slice %arg6[%dma_start3A_37, %dma_start3A_39, %dma_start3A_40] : memref<10x64x128xf32, #tpu.memory_space<vmem>> -> memref<1x64x128xf32, #tpu.memory_space<vmem>>
    %dma_start3A_42 = tpu.memref_squeeze %dma_start3A_41 : memref<1x64x128xf32, #tpu.memory_space<vmem>> -> memref<64x128xf32, #tpu.memory_space<vmem>>
    %dma_start3A_43 = arith.constant 0 : i32
    %dma_start3A_44 = tpu.memref_slice %arg5[%dma_start3A_36, %dma_start3A_43] : memref<50x128xi32, #tpu.memory_space<vmem>> -> memref<1x128xi32, #tpu.memory_space<vmem>>
    %dma_start3A_45 = tpu.memref_squeeze %dma_start3A_44 : memref<1x128xi32, #tpu.memory_space<vmem>> -> memref<128xi32, #tpu.memory_space<vmem>>
    %dma_start3A_46 = arith.constant 0 : i32
    %dma_start3A_47 = tpu.memref_slice %dma_start3A_45[%dma_start3A_46] : memref<128xi32, #tpu.memory_space<vmem>> -> memref<64xi32, #tpu.memory_space<vmem>>
    %dma_start3A_48 = arith.constant 0 : i32
    %dma_start3A_49 = arith.constant 0 : i32
    %dma_start3A_50 = tpu.memref_slice %arg2[%dma_start3A_48, %dma_start3A_49] : memref<100000x128xf32, #tpu.memory_space<hbm>> -> memref<100000x128xf32, #tpu.memory_space<hbm>>
    %dma_start3A_51 = tpu.memref_slice %arg7[%dma_start3A_38] : memref<10x!tpu.dma_semaphore, #tpu.memory_space<semaphore_mem>> -> memref<1x!tpu.dma_semaphore, #tpu.memory_space<semaphore_mem>>
    %dma_start3A_52 = tpu.memref_squeeze %dma_start3A_51 : memref<1x!tpu.dma_semaphore, #tpu.memory_space<semaphore_mem>> -> memref<!tpu.dma_semaphore, #tpu.memory_space<semaphore_mem>>
    tpu.enqueue_indirect_dma source(%dma_start3A_50 : memref<100000x128xf32, #tpu.memory_space<hbm>>) target(%dma_start3A_42 : memref<64x128xf32, #tpu.memory_space<vmem>>) offsets(%dma_start3A_47 : memref<64xi32, #tpu.memory_space<vmem>>) semaphore(%dma_start3A_52 : memref<!tpu.dma_semaphore, #tpu.memory_space<semaphore_mem>>)
    %dma_start3A_53 = arith.constant 1 : i32
    %dma_start3A_54 = arith.constant 3 : i32
    %dma_start3A_55 = arith.constant 3 : i32
    %dma_start3A_56 = arith.constant 0 : i32
    %dma_start3A_57 = arith.constant 0 : i32
    %dma_start3A_58 = tpu.memref_slice %arg6[%dma_start3A_54, %dma_start3A_56, %dma_start3A_57] : memref<10x64x128xf32, #tpu.memory_space<vmem>> -> memref<1x64x128xf32, #tpu.memory_space<vmem>>
    %dma_start3A_59 = tpu.memref_squeeze %dma_start3A_58 : memref<1x64x128xf32, #tpu.memory_space<vmem>> -> memref<64x128xf32, #tpu.memory_space<vmem>>
    %dma_start3A_60 = arith.constant 0 : i32
    %dma_start3A_61 = tpu.memref_slice %arg5[%dma_start3A_53, %dma_start3A_60] : memref<50x128xi32, #tpu.memory_space<vmem>> -> memref<1x128xi32, #tpu.memory_space<vmem>>
    %dma_start3A_62 = tpu.memref_squeeze %dma_start3A_61 : memref<1x128xi32, #tpu.memory_space<vmem>> -> memref<128xi32, #tpu.memory_space<vmem>>
    %dma_start3A_63 = arith.constant 64 : i32
    %dma_start3A_64 = tpu.memref_slice %dma_start3A_62[%dma_start3A_63] : memref<128xi32, #tpu.memory_space<vmem>> -> memref<64xi32, #tpu.memory_space<vmem>>
    %dma_start3A_65 = arith.constant 0 : i32
    %dma_start3A_66 = arith.constant 0 : i32
    %dma_start3A_67 = tpu.memref_slice %arg2[%dma_start3A_65, %dma_start3A_66] : memref<100000x128xf32, #tpu.memory_space<hbm>> -> memref<100000x128xf32, #tpu.memory_space<hbm>>
    %dma_start3A_68 = tpu.memref_slice %arg7[%dma_start3A_55] : memref<10x!tpu.dma_semaphore, #tpu.memory_space<semaphore_mem>> -> memref<1x!tpu.dma_semaphore, #tpu.memory_space<semaphore_mem>>
    %dma_start3A_69 = tpu.memref_squeeze %dma_start3A_68 : memref<1x!tpu.dma_semaphore, #tpu.memory_space<semaphore_mem>> -> memref<!tpu.dma_semaphore, #tpu.memory_space<semaphore_mem>>
    tpu.enqueue_indirect_dma source(%dma_start3A_67 : memref<100000x128xf32, #tpu.memory_space<hbm>>) target(%dma_start3A_59 : memref<64x128xf32, #tpu.memory_space<vmem>>) offsets(%dma_start3A_64 : memref<64xi32, #tpu.memory_space<vmem>>) semaphore(%dma_start3A_69 : memref<!tpu.dma_semaphore, #tpu.memory_space<semaphore_mem>>)
    %dma_start3A_70 = arith.constant 2 : i32
    %dma_start3A_71 = arith.constant 4 : i32
    %dma_start3A_72 = arith.constant 4 : i32
    %dma_start3A_73 = arith.constant 0 : i32
    %dma_start3A_74 = arith.constant 0 : i32
    %dma_start3A_75 = tpu.memref_slice %arg6[%dma_start3A_71, %dma_start3A_73, %dma_start3A_74] : memref<10x64x128xf32, #tpu.memory_space<vmem>> -> memref<1x64x128xf32, #tpu.memory_space<vmem>>
    %dma_start3A_76 = tpu.memref_squeeze %dma_start3A_75 : memref<1x64x128xf32, #tpu.memory_space<vmem>> -> memref<64x128xf32, #tpu.memory_space<vmem>>
    %dma_start3A_77 = arith.constant 0 : i32
    %dma_start3A_78 = tpu.memref_slice %arg5[%dma_start3A_70, %dma_start3A_77] : memref<50x128xi32, #tpu.memory_space<vmem>> -> memref<1x128xi32, #tpu.memory_space<vmem>>
    %dma_start3A_79 = tpu.memref_squeeze %dma_start3A_78 : memref<1x128xi32, #tpu.memory_space<vmem>> -> memref<128xi32, #tpu.memory_space<vmem>>
    %dma_start3A_80 = arith.constant 0 : i32
    %dma_start3A_81 = tpu.memref_slice %dma_start3A_79[%dma_start3A_80] : memref<128xi32, #tpu.memory_space<vmem>> -> memref<64xi32, #tpu.memory_space<vmem>>
    %dma_start3A_82 = arith.constant 0 : i32
    %dma_start3A_83 = arith.constant 0 : i32
    %dma_start3A_84 = tpu.memref_slice %arg2[%dma_start3A_82, %dma_start3A_83] : memref<100000x128xf32, #tpu.memory_space<hbm>> -> memref<100000x128xf32, #tpu.memory_space<hbm>>
    %dma_start3A_85 = tpu.memref_slice %arg7[%dma_start3A_72] : memref<10x!tpu.dma_semaphore, #tpu.memory_space<semaphore_mem>> -> memref<1x!tpu.dma_semaphore, #tpu.memory_space<semaphore_mem>>
    %dma_start3A_86 = tpu.memref_squeeze %dma_start3A_85 : memref<1x!tpu.dma_semaphore, #tpu.memory_space<semaphore_mem>> -> memref<!tpu.dma_semaphore, #tpu.memory_space<semaphore_mem>>
    tpu.enqueue_indirect_dma source(%dma_start3A_84 : memref<100000x128xf32, #tpu.memory_space<hbm>>) target(%dma_start3A_76 : memref<64x128xf32, #tpu.memory_space<vmem>>) offsets(%dma_start3A_81 : memref<64xi32, #tpu.memory_space<vmem>>) semaphore(%dma_start3A_86 : memref<!tpu.dma_semaphore, #tpu.memory_space<semaphore_mem>>)
    %dma_start3A_87 = arith.constant 2 : i32
    %dma_start3A_88 = arith.constant 5 : i32
    %dma_start3A_89 = arith.constant 5 : i32
    %dma_start3A_90 = arith.constant 0 : i32
    %dma_start3A_91 = arith.constant 0 : i32
    %dma_start3A_92 = tpu.memref_slice %arg6[%dma_start3A_88, %dma_start3A_90, %dma_start3A_91] : memref<10x64x128xf32, #tpu.memory_space<vmem>> -> memref<1x64x128xf32, #tpu.memory_space<vmem>>
    %dma_start3A_93 = tpu.memref_squeeze %dma_start3A_92 : memref<1x64x128xf32, #tpu.memory_space<vmem>> -> memref<64x128xf32, #tpu.memory_space<vmem>>
    %dma_start3A_94 = arith.constant 0 : i32
    %dma_start3A_95 = tpu.memref_slice %arg5[%dma_start3A_87, %dma_start3A_94] : memref<50x128xi32, #tpu.memory_space<vmem>> -> memref<1x128xi32, #tpu.memory_space<vmem>>
    %dma_start3A_96 = tpu.memref_squeeze %dma_start3A_95 : memref<1x128xi32, #tpu.memory_space<vmem>> -> memref<128xi32, #tpu.memory_space<vmem>>
    %dma_start3A_97 = arith.constant 64 : i32
    %dma_start3A_98 = tpu.memref_slice %dma_start3A_96[%dma_start3A_97] : memref<128xi32, #tpu.memory_space<vmem>> -> memref<64xi32, #tpu.memory_space<vmem>>
    %dma_start3A_99 = arith.constant 0 : i32
    %dma_start3A_100 = arith.constant 0 : i32
    %dma_start3A_101 = tpu.memref_slice %arg2[%dma_start3A_99, %dma_start3A_100] : memref<100000x128xf32, #tpu.memory_space<hbm>> -> memref<100000x128xf32, #tpu.memory_space<hbm>>
    %dma_start3A_102 = tpu.memref_slice %arg7[%dma_start3A_89] : memref<10x!tpu.dma_semaphore, #tpu.memory_space<semaphore_mem>> -> memref<1x!tpu.dma_semaphore, #tpu.memory_space<semaphore_mem>>
    %dma_start3A_103 = tpu.memref_squeeze %dma_start3A_102 : memref<1x!tpu.dma_semaphore, #tpu.memory_space<semaphore_mem>> -> memref<!tpu.dma_semaphore, #tpu.memory_space<semaphore_mem>>
    tpu.enqueue_indirect_dma source(%dma_start3A_101 : memref<100000x128xf32, #tpu.memory_space<hbm>>) target(%dma_start3A_93 : memref<64x128xf32, #tpu.memory_space<vmem>>) offsets(%dma_start3A_98 : memref<64xi32, #tpu.memory_space<vmem>>) semaphore(%dma_start3A_103 : memref<!tpu.dma_semaphore, #tpu.memory_space<semaphore_mem>>)
    %dma_start3A_104 = arith.constant 3 : i32
    %dma_start3A_105 = arith.constant 6 : i32
    %dma_start3A_106 = arith.constant 6 : i32
    %dma_start3A_107 = arith.constant 0 : i32
    %dma_start3A_108 = arith.constant 0 : i32
    %dma_start3A_109 = tpu.memref_slice %arg6[%dma_start3A_105, %dma_start3A_107, %dma_start3A_108] : memref<10x64x128xf32, #tpu.memory_space<vmem>> -> memref<1x64x128xf32, #tpu.memory_space<vmem>>
    %dma_start3A_110 = tpu.memref_squeeze %dma_start3A_109 : memref<1x64x128xf32, #tpu.memory_space<vmem>> -> memref<64x128xf32, #tpu.memory_space<vmem>>
    %dma_start3A_111 = arith.constant 0 : i32
    %dma_start3A_112 = tpu.memref_slice %arg5[%dma_start3A_104, %dma_start3A_111] : memref<50x128xi32, #tpu.memory_space<vmem>> -> memref<1x128xi32, #tpu.memory_space<vmem>>
    %dma_start3A_113 = tpu.memref_squeeze %dma_start3A_112 : memref<1x128xi32, #tpu.memory_space<vmem>> -> memref<128xi32, #tpu.memory_space<vmem>>
    %dma_start3A_114 = arith.constant 0 : i32
    %dma_start3A_115 = tpu.memref_slice %dma_start3A_113[%dma_start3A_114] : memref<128xi32, #tpu.memory_space<vmem>> -> memref<64xi32, #tpu.memory_space<vmem>>
    %dma_start3A_116 = arith.constant 0 : i32
    %dma_start3A_117 = arith.constant 0 : i32
    %dma_start3A_118 = tpu.memref_slice %arg2[%dma_start3A_116, %dma_start3A_117] : memref<100000x128xf32, #tpu.memory_space<hbm>> -> memref<100000x128xf32, #tpu.memory_space<hbm>>
    %dma_start3A_119 = tpu.memref_slice %arg7[%dma_start3A_106] : memref<10x!tpu.dma_semaphore, #tpu.memory_space<semaphore_mem>> -> memref<1x!tpu.dma_semaphore, #tpu.memory_space<semaphore_mem>>
    %dma_start3A_120 = tpu.memref_squeeze %dma_start3A_119 : memref<1x!tpu.dma_semaphore, #tpu.memory_space<semaphore_mem>> -> memref<!tpu.dma_semaphore, #tpu.memory_space<semaphore_mem>>
    tpu.enqueue_indirect_dma source(%dma_start3A_118 : memref<100000x128xf32, #tpu.memory_space<hbm>>) target(%dma_start3A_110 : memref<64x128xf32, #tpu.memory_space<vmem>>) offsets(%dma_start3A_115 : memref<64xi32, #tpu.memory_space<vmem>>) semaphore(%dma_start3A_120 : memref<!tpu.dma_semaphore, #tpu.memory_space<semaphore_mem>>)
    %dma_start3A_121 = arith.constant 3 : i32
    %dma_start3A_122 = arith.constant 7 : i32
    %dma_start3A_123 = arith.constant 7 : i32
    %dma_start3A_124 = arith.constant 0 : i32
    %dma_start3A_125 = arith.constant 0 : i32
    %dma_start3A_126 = tpu.memref_slice %arg6[%dma_start3A_122, %dma_start3A_124, %dma_start3A_125] : memref<10x64x128xf32, #tpu.memory_space<vmem>> -> memref<1x64x128xf32, #tpu.memory_space<vmem>>
    %dma_start3A_127 = tpu.memref_squeeze %dma_start3A_126 : memref<1x64x128xf32, #tpu.memory_space<vmem>> -> memref<64x128xf32, #tpu.memory_space<vmem>>
    %dma_start3A_128 = arith.constant 0 : i32
    %dma_start3A_129 = tpu.memref_slice %arg5[%dma_start3A_121, %dma_start3A_128] : memref<50x128xi32, #tpu.memory_space<vmem>> -> memref<1x128xi32, #tpu.memory_space<vmem>>
    %dma_start3A_130 = tpu.memref_squeeze %dma_start3A_129 : memref<1x128xi32, #tpu.memory_space<vmem>> -> memref<128xi32, #tpu.memory_space<vmem>>
    %dma_start3A_131 = arith.constant 64 : i32
    %dma_start3A_132 = tpu.memref_slice %dma_start3A_130[%dma_start3A_131] : memref<128xi32, #tpu.memory_space<vmem>> -> memref<64xi32, #tpu.memory_space<vmem>>
    %dma_start3A_133 = arith.constant 0 : i32
    %dma_start3A_134 = arith.constant 0 : i32
    %dma_start3A_135 = tpu.memref_slice %arg2[%dma_start3A_133, %dma_start3A_134] : memref<100000x128xf32, #tpu.memory_space<hbm>> -> memref<100000x128xf32, #tpu.memory_space<hbm>>
    %dma_start3A_136 = tpu.memref_slice %arg7[%dma_start3A_123] : memref<10x!tpu.dma_semaphore, #tpu.memory_space<semaphore_mem>> -> memref<1x!tpu.dma_semaphore, #tpu.memory_space<semaphore_mem>>
    %dma_start3A_137 = tpu.memref_squeeze %dma_start3A_136 : memref<1x!tpu.dma_semaphore, #tpu.memory_space<semaphore_mem>> -> memref<!tpu.dma_semaphore, #tpu.memory_space<semaphore_mem>>
    tpu.enqueue_indirect_dma source(%dma_start3A_135 : memref<100000x128xf32, #tpu.memory_space<hbm>>) target(%dma_start3A_127 : memref<64x128xf32, #tpu.memory_space<vmem>>) offsets(%dma_start3A_132 : memref<64xi32, #tpu.memory_space<vmem>>) semaphore(%dma_start3A_137 : memref<!tpu.dma_semaphore, #tpu.memory_space<semaphore_mem>>)
    %dma_start3A_138 = arith.constant 4 : i32
    %dma_start3A_139 = arith.constant 8 : i32
    %dma_start3A_140 = arith.constant 8 : i32
    %dma_start3A_141 = arith.constant 0 : i32
    %dma_start3A_142 = arith.constant 0 : i32
    %dma_start3A_143 = tpu.memref_slice %arg6[%dma_start3A_139, %dma_start3A_141, %dma_start3A_142] : memref<10x64x128xf32, #tpu.memory_space<vmem>> -> memref<1x64x128xf32, #tpu.memory_space<vmem>>
    %dma_start3A_144 = tpu.memref_squeeze %dma_start3A_143 : memref<1x64x128xf32, #tpu.memory_space<vmem>> -> memref<64x128xf32, #tpu.memory_space<vmem>>
    %dma_start3A_145 = arith.constant 0 : i32
    %dma_start3A_146 = tpu.memref_slice %arg5[%dma_start3A_138, %dma_start3A_145] : memref<50x128xi32, #tpu.memory_space<vmem>> -> memref<1x128xi32, #tpu.memory_space<vmem>>
    %dma_start3A_147 = tpu.memref_squeeze %dma_start3A_146 : memref<1x128xi32, #tpu.memory_space<vmem>> -> memref<128xi32, #tpu.memory_space<vmem>>
    %dma_start3A_148 = arith.constant 0 : i32
    %dma_start3A_149 = tpu.memref_slice %dma_start3A_147[%dma_start3A_148] : memref<128xi32, #tpu.memory_space<vmem>> -> memref<64xi32, #tpu.memory_space<vmem>>
    %dma_start3A_150 = arith.constant 0 : i32
    %dma_start3A_151 = arith.constant 0 : i32
    %dma_start3A_152 = tpu.memref_slice %arg2[%dma_start3A_150, %dma_start3A_151] : memref<100000x128xf32, #tpu.memory_space<hbm>> -> memref<100000x128xf32, #tpu.memory_space<hbm>>
    %dma_start3A_153 = tpu.memref_slice %arg7[%dma_start3A_140] : memref<10x!tpu.dma_semaphore, #tpu.memory_space<semaphore_mem>> -> memref<1x!tpu.dma_semaphore, #tpu.memory_space<semaphore_mem>>
    %dma_start3A_154 = tpu.memref_squeeze %dma_start3A_153 : memref<1x!tpu.dma_semaphore, #tpu.memory_space<semaphore_mem>> -> memref<!tpu.dma_semaphore, #tpu.memory_space<semaphore_mem>>
    tpu.enqueue_indirect_dma source(%dma_start3A_152 : memref<100000x128xf32, #tpu.memory_space<hbm>>) target(%dma_start3A_144 : memref<64x128xf32, #tpu.memory_space<vmem>>) offsets(%dma_start3A_149 : memref<64xi32, #tpu.memory_space<vmem>>) semaphore(%dma_start3A_154 : memref<!tpu.dma_semaphore, #tpu.memory_space<semaphore_mem>>)
    %dma_start3A_155 = arith.constant 4 : i32
    %dma_start3A_156 = arith.constant 9 : i32
    %dma_start3A_157 = arith.constant 9 : i32
    %dma_start3A_158 = arith.constant 0 : i32
    %dma_start3A_159 = arith.constant 0 : i32
    %dma_start3A_160 = tpu.memref_slice %arg6[%dma_start3A_156, %dma_start3A_158, %dma_start3A_159] : memref<10x64x128xf32, #tpu.memory_space<vmem>> -> memref<1x64x128xf32, #tpu.memory_space<vmem>>
    %dma_start3A_161 = tpu.memref_squeeze %dma_start3A_160 : memref<1x64x128xf32, #tpu.memory_space<vmem>> -> memref<64x128xf32, #tpu.memory_space<vmem>>
    %dma_start3A_162 = arith.constant 0 : i32
    %dma_start3A_163 = tpu.memref_slice %arg5[%dma_start3A_155, %dma_start3A_162] : memref<50x128xi32, #tpu.memory_space<vmem>> -> memref<1x128xi32, #tpu.memory_space<vmem>>
    %dma_start3A_164 = tpu.memref_squeeze %dma_start3A_163 : memref<1x128xi32, #tpu.memory_space<vmem>> -> memref<128xi32, #tpu.memory_space<vmem>>
    %dma_start3A_165 = arith.constant 64 : i32
    %dma_start3A_166 = tpu.memref_slice %dma_start3A_164[%dma_start3A_165] : memref<128xi32, #tpu.memory_space<vmem>> -> memref<64xi32, #tpu.memory_space<vmem>>
    %dma_start3A_167 = arith.constant 0 : i32
    %dma_start3A_168 = arith.constant 0 : i32
    %dma_start3A_169 = tpu.memref_slice %arg2[%dma_start3A_167, %dma_start3A_168] : memref<100000x128xf32, #tpu.memory_space<hbm>> -> memref<100000x128xf32, #tpu.memory_space<hbm>>
    %dma_start3A_170 = tpu.memref_slice %arg7[%dma_start3A_157] : memref<10x!tpu.dma_semaphore, #tpu.memory_space<semaphore_mem>> -> memref<1x!tpu.dma_semaphore, #tpu.memory_space<semaphore_mem>>
    %dma_start3A_171 = tpu.memref_squeeze %dma_start3A_170 : memref<1x!tpu.dma_semaphore, #tpu.memory_space<semaphore_mem>> -> memref<!tpu.dma_semaphore, #tpu.memory_space<semaphore_mem>>
    tpu.enqueue_indirect_dma source(%dma_start3A_169 : memref<100000x128xf32, #tpu.memory_space<hbm>>) target(%dma_start3A_161 : memref<64x128xf32, #tpu.memory_space<vmem>>) offsets(%dma_start3A_166 : memref<64xi32, #tpu.memory_space<vmem>>) semaphore(%dma_start3A_171 : memref<!tpu.dma_semaphore, #tpu.memory_space<semaphore_mem>>)
    %scan3A = arith.constant 0 : i32
    %scan3A_172 = arith.constant 0 : i32
    %scan3A_173 = arith.constant 10 : i32
    %scan3A_174 = arith.addi %scan3A_172, %scan3A_173 : i32
    %scan3A_175 = arith.constant 1 : i32
    scf.for %scan3A_446 = %scan3A_172 to %scan3A_174 step %scan3A_175  : i32 {
      %mul3A_447 = arith.constant 10 : i32
      %mul3A_448 = arith.muli %scan3A_446, %mul3A_447 : i32
      %add3A_449 = arith.constant 0 : i32
      %add3A_450 = arith.addi %mul3A_448, %add3A_449 : i32
      %jit3A = arith.constant 2 : i32
      %div3A = arith.divsi %add3A_450, %jit3A : i32
      %sign3A = arith.constant 0 : i32
      %sign3A_451 = arith.cmpi sgt, %add3A_450, %sign3A : i32
      %sign3A_452 = arith.extui %sign3A_451 : i1 to i32
      %sign3A_453 = arith.constant 0 : i32
      %sign3A_454 = arith.cmpi slt, %add3A_450, %sign3A_453 : i32
      %sign3A_455 = arith.extui %sign3A_454 : i1 to i32
      %sign3A_456 = arith.subi %sign3A_452, %sign3A_455 : i32
      %sign3A_457 = arith.constant 0 : i32
      %sign3A_458 = arith.cmpi sgt, %jit3A, %sign3A_457 : i32
      %sign3A_459 = arith.extui %sign3A_458 : i1 to i32
      %sign3A_460 = arith.constant 0 : i32
      %sign3A_461 = arith.cmpi slt, %jit3A, %sign3A_460 : i32
      %sign3A_462 = arith.extui %sign3A_461 : i1 to i32
      %sign3A_463 = arith.subi %sign3A_459, %sign3A_462 : i32
      %ne3A = arith.cmpi ne, %sign3A_456, %sign3A_463 : i32
      %rem3A = arith.remsi %add3A_450, %jit3A : i32
      %ne3A_464 = arith.constant 0 : i32
      %ne3A_465 = arith.cmpi ne, %rem3A, %ne3A_464 : i32
      %and3A = arith.andi %ne3A, %ne3A_465 : i1
      %sub3A = arith.constant 1 : i32
      %sub3A_466 = arith.subi %div3A, %sub3A : i32
      %select_n3A = arith.select %and3A, %sub3A_466, %div3A : i32
      %jit3A_467 = arith.constant 2 : i32
      %eq3A = arith.constant 0 : i32
      %eq3A_468 = arith.cmpi eq, %jit3A_467, %eq3A : i32
      %jit3A_469 = arith.constant 1 : i32
      %select_n3A_470 = arith.select %eq3A_468, %jit3A_469, %jit3A_467 : i32
      %rem3A_471 = arith.remsi %add3A_450, %select_n3A_470 : i32
      %ne3A_472 = arith.constant 0 : i32
      %ne3A_473 = arith.cmpi ne, %rem3A_471, %ne3A_472 : i32
      %lt3A = arith.constant 0 : i32
      %lt3A_474 = arith.cmpi slt, %rem3A_471, %lt3A : i32
      %lt3A_475 = arith.constant 0 : i32
      %lt3A_476 = arith.cmpi slt, %select_n3A_470, %lt3A_475 : i32
      %ne3A_477 = arith.xori %lt3A_474, %lt3A_476 : i1
      %and3A_478 = arith.andi %ne3A_477, %ne3A_473 : i1
      %add3A_479 = arith.addi %rem3A_471, %select_n3A_470 : i32
      %select_n3A_480 = arith.select %and3A_478, %add3A_479, %rem3A_471 : i32
      %mul3A_481 = arith.constant 64 : i32
      %mul3A_482 = arith.muli %select_n3A_480, %mul3A_481 : i32
      %dma_wait3A_483 = arith.constant 0 : i32
      %dma_wait3A_484 = arith.constant 0 : i32
      %dma_wait3A_485 = arith.constant 0 : i32
      %dma_wait3A_486 = arith.constant 0 : i32
      %dma_wait3A_487 = tpu.memref_slice %arg6[%dma_wait3A_483, %dma_wait3A_485, %dma_wait3A_486] : memref<10x64x128xf32, #tpu.memory_space<vmem>> -> memref<1x64x128xf32, #tpu.memory_space<vmem>>
      %dma_wait3A_488 = tpu.memref_squeeze %dma_wait3A_487 : memref<1x64x128xf32, #tpu.memory_space<vmem>> -> memref<64x128xf32, #tpu.memory_space<vmem>>
      %dma_wait3A_489 = arith.constant 0 : i32
      %dma_wait3A_490 = tpu.memref_slice %arg5[%select_n3A, %dma_wait3A_489] : memref<50x128xi32, #tpu.memory_space<vmem>> -> memref<1x128xi32, #tpu.memory_space<vmem>>
      %dma_wait3A_491 = tpu.memref_squeeze %dma_wait3A_490 : memref<1x128xi32, #tpu.memory_space<vmem>> -> memref<128xi32, #tpu.memory_space<vmem>>
      %dma_wait3A_492 = tpu.memref_slice %dma_wait3A_491[%mul3A_482] : memref<128xi32, #tpu.memory_space<vmem>> -> memref<64xi32, #tpu.memory_space<vmem>>
      %dma_wait3A_493 = arith.constant 0 : i32
      %dma_wait3A_494 = arith.constant 0 : i32
      %dma_wait3A_495 = tpu.memref_slice %arg2[%dma_wait3A_493, %dma_wait3A_494] : memref<100000x128xf32, #tpu.memory_space<hbm>> -> memref<100000x128xf32, #tpu.memory_space<hbm>>
      %dma_wait3A_496 = tpu.memref_slice %arg7[%dma_wait3A_484] : memref<10x!tpu.dma_semaphore, #tpu.memory_space<semaphore_mem>> -> memref<1x!tpu.dma_semaphore, #tpu.memory_space<semaphore_mem>>
      %dma_wait3A_497 = tpu.memref_squeeze %dma_wait3A_496 : memref<1x!tpu.dma_semaphore, #tpu.memory_space<semaphore_mem>> -> memref<!tpu.dma_semaphore, #tpu.memory_space<semaphore_mem>>
      tpu.wait_indirect_dma semaphore(%dma_wait3A_497 : memref<!tpu.dma_semaphore, #tpu.memory_space<semaphore_mem>>) src(%dma_wait3A_495 : memref<100000x128xf32, #tpu.memory_space<hbm>>) dst(%dma_wait3A_488 : memref<64x128xf32, #tpu.memory_space<vmem>>)
      %jit3A_498 = arith.constant 2 : i32
      %div3A_499 = arith.divsi %add3A_450, %jit3A_498 : i32
      %sign3A_500 = arith.constant 0 : i32
      %sign3A_501 = arith.cmpi sgt, %add3A_450, %sign3A_500 : i32
      %sign3A_502 = arith.extui %sign3A_501 : i1 to i32
      %sign3A_503 = arith.constant 0 : i32
      %sign3A_504 = arith.cmpi slt, %add3A_450, %sign3A_503 : i32
      %sign3A_505 = arith.extui %sign3A_504 : i1 to i32
      %sign3A_506 = arith.subi %sign3A_502, %sign3A_505 : i32
      %sign3A_507 = arith.constant 0 : i32
      %sign3A_508 = arith.cmpi sgt, %jit3A_498, %sign3A_507 : i32
      %sign3A_509 = arith.extui %sign3A_508 : i1 to i32
      %sign3A_510 = arith.constant 0 : i32
      %sign3A_511 = arith.cmpi slt, %jit3A_498, %sign3A_510 : i32
      %sign3A_512 = arith.extui %sign3A_511 : i1 to i32
      %sign3A_513 = arith.subi %sign3A_509, %sign3A_512 : i32
      %ne3A_514 = arith.cmpi ne, %sign3A_506, %sign3A_513 : i32
      %rem3A_515 = arith.remsi %add3A_450, %jit3A_498 : i32
      %ne3A_516 = arith.constant 0 : i32
      %ne3A_517 = arith.cmpi ne, %rem3A_515, %ne3A_516 : i32
      %and3A_518 = arith.andi %ne3A_514, %ne3A_517 : i1
      %sub3A_519 = arith.constant 1 : i32
      %sub3A_520 = arith.subi %div3A_499, %sub3A_519 : i32
      %select_n3A_521 = arith.select %and3A_518, %sub3A_520, %div3A_499 : i32
      %jit3A_522 = arith.constant 2 : i32
      %eq3A_523 = arith.constant 0 : i32
      %eq3A_524 = arith.cmpi eq, %jit3A_522, %eq3A_523 : i32
      %jit3A_525 = arith.constant 1 : i32
      %select_n3A_526 = arith.select %eq3A_524, %jit3A_525, %jit3A_522 : i32
      %rem3A_527 = arith.remsi %add3A_450, %select_n3A_526 : i32
      %ne3A_528 = arith.constant 0 : i32
      %ne3A_529 = arith.cmpi ne, %rem3A_527, %ne3A_528 : i32
      %lt3A_530 = arith.constant 0 : i32
      %lt3A_531 = arith.cmpi slt, %rem3A_527, %lt3A_530 : i32
      %lt3A_532 = arith.constant 0 : i32
      %lt3A_533 = arith.cmpi slt, %select_n3A_526, %lt3A_532 : i32
      %ne3A_534 = arith.xori %lt3A_531, %lt3A_533 : i1
      %and3A_535 = arith.andi %ne3A_534, %ne3A_529 : i1
      %add3A_536 = arith.addi %rem3A_527, %select_n3A_526 : i32
      %select_n3A_537 = arith.select %and3A_535, %add3A_536, %rem3A_527 : i32
      %mul3A_538 = arith.constant 64 : i32
      %mul3A_539 = arith.muli %select_n3A_537, %mul3A_538 : i32
      %add3A_540 = arith.addi %mul3A_2, %mul3A_539 : i32
      %dma_start3A_541 = arith.constant 0 : i32
      %dma_start3A_542 = arith.constant 0 : i32
      %dma_start3A_543 = arith.constant 0 : i32
      %dma_start3A_544 = arith.constant 0 : i32
      %dma_start3A_545 = tpu.memref_slice %arg6[%dma_start3A_541, %dma_start3A_543, %dma_start3A_544] : memref<10x64x128xf32, #tpu.memory_space<vmem>> -> memref<1x64x128xf32, #tpu.memory_space<vmem>>
      %dma_start3A_546 = tpu.memref_squeeze %dma_start3A_545 : memref<1x64x128xf32, #tpu.memory_space<vmem>> -> memref<64x128xf32, #tpu.memory_space<vmem>>
      %dma_start3A_547 = arith.constant 0 : i32
      %dma_start3A_548 = arith.constant 0 : i32
      %dma_start3A_549 = tpu.memref_slice %arg4[%select_n3A_521, %dma_start3A_547, %dma_start3A_548] : memref<50x4096x128xf32, #tpu.memory_space<hbm>> -> memref<1x4096x128xf32, #tpu.memory_space<hbm>>
      %dma_start3A_550 = tpu.memref_squeeze %dma_start3A_549 : memref<1x4096x128xf32, #tpu.memory_space<hbm>> -> memref<4096x128xf32, #tpu.memory_space<hbm>>
      %dma_start3A_551 = arith.constant 0 : i32
      %dma_start3A_552 = tpu.memref_slice %dma_start3A_550[%add3A_540, %dma_start3A_551] : memref<4096x128xf32, #tpu.memory_space<hbm>> -> memref<64x128xf32, #tpu.memory_space<hbm>>
      %dma_start3A_553 = tpu.memref_slice %arg8[%dma_start3A_542] : memref<10x!tpu.dma_semaphore, #tpu.memory_space<semaphore_mem>> -> memref<1x!tpu.dma_semaphore, #tpu.memory_space<semaphore_mem>>
      %dma_start3A_554 = tpu.memref_squeeze %dma_start3A_553 : memref<1x!tpu.dma_semaphore, #tpu.memory_space<semaphore_mem>> -> memref<!tpu.dma_semaphore, #tpu.memory_space<semaphore_mem>>
      %dma_start3A_555 = arith.constant 0 : i32
      %dma_start3A_556 = arith.constant 0 : i32
      %dma_start3A_557 = tpu.memref_slice %arg4[%select_n3A_521, %dma_start3A_555, %dma_start3A_556] : memref<50x4096x128xf32, #tpu.memory_space<hbm>> -> memref<1x4096x128xf32, #tpu.memory_space<hbm>>
      %dma_start3A_558 = tpu.memref_squeeze %dma_start3A_557 : memref<1x4096x128xf32, #tpu.memory_space<hbm>> -> memref<4096x128xf32, #tpu.memory_space<hbm>>
      %dma_start3A_559 = arith.constant 0 : i32
      %dma_start3A_560 = tpu.memref_slice %dma_start3A_558[%add3A_540, %dma_start3A_559] : memref<4096x128xf32, #tpu.memory_space<hbm>> -> memref<64x128xf32, #tpu.memory_space<hbm>>
      %dma_start3A_561 = arith.constant 0 : i32
      %dma_start3A_562 = arith.constant 0 : i32
      %dma_start3A_563 = tpu.memref_slice %arg6[%dma_start3A_541, %dma_start3A_561, %dma_start3A_562] : memref<10x64x128xf32, #tpu.memory_space<vmem>> -> memref<1x64x128xf32, #tpu.memory_space<vmem>>
      %dma_start3A_564 = tpu.memref_squeeze %dma_start3A_563 : memref<1x64x128xf32, #tpu.memory_space<vmem>> -> memref<64x128xf32, #tpu.memory_space<vmem>>
      tpu.enqueue_dma source(%dma_start3A_564 : memref<64x128xf32, #tpu.memory_space<vmem>>) target(%dma_start3A_560 : memref<64x128xf32, #tpu.memory_space<hbm>>) target_semaphore(%dma_start3A_554 : memref<!tpu.dma_semaphore, #tpu.memory_space<semaphore_mem>>)
      %lt3A_565 = arith.constant 9 : i32
      %lt3A_566 = arith.cmpi slt, %scan3A_446, %lt3A_565 : i32
      %convert_element_type3A = arith.extui %lt3A_566 : i1 to i32
      %cond3A = arith.constant 0 : i32
      %cond3A_567 = arith.cmpi ne, %convert_element_type3A, %cond3A : i32
      scf.if %cond3A_567 {
        %jit3A_1765 = arith.constant 2 : i32
        %div3A_1766 = arith.divsi %add3A_450, %jit3A_1765 : i32
        %sign3A_1767 = arith.constant 0 : i32
        %sign3A_1768 = arith.cmpi sgt, %add3A_450, %sign3A_1767 : i32
        %sign3A_1769 = arith.extui %sign3A_1768 : i1 to i32
        %sign3A_1770 = arith.constant 0 : i32
        %sign3A_1771 = arith.cmpi slt, %add3A_450, %sign3A_1770 : i32
        %sign3A_1772 = arith.extui %sign3A_1771 : i1 to i32
        %sign3A_1773 = arith.subi %sign3A_1769, %sign3A_1772 : i32
        %sign3A_1774 = arith.constant 0 : i32
        %sign3A_1775 = arith.cmpi sgt, %jit3A_1765, %sign3A_1774 : i32
        %sign3A_1776 = arith.extui %sign3A_1775 : i1 to i32
        %sign3A_1777 = arith.constant 0 : i32
        %sign3A_1778 = arith.cmpi slt, %jit3A_1765, %sign3A_1777 : i32
        %sign3A_1779 = arith.extui %sign3A_1778 : i1 to i32
        %sign3A_1780 = arith.subi %sign3A_1776, %sign3A_1779 : i32
        %ne3A_1781 = arith.cmpi ne, %sign3A_1773, %sign3A_1780 : i32
        %rem3A_1782 = arith.remsi %add3A_450, %jit3A_1765 : i32
        %ne3A_1783 = arith.constant 0 : i32
        %ne3A_1784 = arith.cmpi ne, %rem3A_1782, %ne3A_1783 : i32
        %and3A_1785 = arith.andi %ne3A_1781, %ne3A_1784 : i1
        %sub3A_1786 = arith.constant 1 : i32
        %sub3A_1787 = arith.subi %div3A_1766, %sub3A_1786 : i32
        %select_n3A_1788 = arith.select %and3A_1785, %sub3A_1787, %div3A_1766 : i32
        %jit3A_1789 = arith.constant 2 : i32
        %eq3A_1790 = arith.constant 0 : i32
        %eq3A_1791 = arith.cmpi eq, %jit3A_1789, %eq3A_1790 : i32
        %jit3A_1792 = arith.constant 1 : i32
        %select_n3A_1793 = arith.select %eq3A_1791, %jit3A_1792, %jit3A_1789 : i32
        %rem3A_1794 = arith.remsi %add3A_450, %select_n3A_1793 : i32
        %ne3A_1795 = arith.constant 0 : i32
        %ne3A_1796 = arith.cmpi ne, %rem3A_1794, %ne3A_1795 : i32
        %lt3A_1797 = arith.constant 0 : i32
        %lt3A_1798 = arith.cmpi slt, %rem3A_1794, %lt3A_1797 : i32
        %lt3A_1799 = arith.constant 0 : i32
        %lt3A_1800 = arith.cmpi slt, %select_n3A_1793, %lt3A_1799 : i32
        %ne3A_1801 = arith.xori %lt3A_1798, %lt3A_1800 : i1
        %and3A_1802 = arith.andi %ne3A_1801, %ne3A_1796 : i1
        %add3A_1803 = arith.addi %rem3A_1794, %select_n3A_1793 : i32
        %select_n3A_1804 = arith.select %and3A_1802, %add3A_1803, %rem3A_1794 : i32
        %mul3A_1805 = arith.constant 64 : i32
        %mul3A_1806 = arith.muli %select_n3A_1804, %mul3A_1805 : i32
        %add3A_1807 = arith.addi %mul3A_2, %mul3A_1806 : i32
        %dma_wait3A_1808 = arith.constant 0 : i32
        %dma_wait3A_1809 = arith.constant 0 : i32
        %dma_wait3A_1810 = arith.constant 0 : i32
        %dma_wait3A_1811 = arith.constant 0 : i32
        %dma_wait3A_1812 = tpu.memref_slice %arg6[%dma_wait3A_1808, %dma_wait3A_1810, %dma_wait3A_1811] : memref<10x64x128xf32, #tpu.memory_space<vmem>> -> memref<1x64x128xf32, #tpu.memory_space<vmem>>
        %dma_wait3A_1813 = tpu.memref_squeeze %dma_wait3A_1812 : memref<1x64x128xf32, #tpu.memory_space<vmem>> -> memref<64x128xf32, #tpu.memory_space<vmem>>
        %dma_wait3A_1814 = arith.constant 0 : i32
        %dma_wait3A_1815 = arith.constant 0 : i32
        %dma_wait3A_1816 = tpu.memref_slice %arg4[%select_n3A_1788, %dma_wait3A_1814, %dma_wait3A_1815] : memref<50x4096x128xf32, #tpu.memory_space<hbm>> -> memref<1x4096x128xf32, #tpu.memory_space<hbm>>
        %dma_wait3A_1817 = tpu.memref_squeeze %dma_wait3A_1816 : memref<1x4096x128xf32, #tpu.memory_space<hbm>> -> memref<4096x128xf32, #tpu.memory_space<hbm>>
        %dma_wait3A_1818 = arith.constant 0 : i32
        %dma_wait3A_1819 = tpu.memref_slice %dma_wait3A_1817[%add3A_1807, %dma_wait3A_1818] : memref<4096x128xf32, #tpu.memory_space<hbm>> -> memref<64x128xf32, #tpu.memory_space<hbm>>
        %dma_wait3A_1820 = tpu.memref_slice %arg8[%dma_wait3A_1809] : memref<10x!tpu.dma_semaphore, #tpu.memory_space<semaphore_mem>> -> memref<1x!tpu.dma_semaphore, #tpu.memory_space<semaphore_mem>>
        %dma_wait3A_1821 = tpu.memref_squeeze %dma_wait3A_1820 : memref<1x!tpu.dma_semaphore, #tpu.memory_space<semaphore_mem>> -> memref<!tpu.dma_semaphore, #tpu.memory_space<semaphore_mem>>
        %dma_wait3A_1822 = arith.constant 0 : i32
        %dma_wait3A_1823 = arith.constant 0 : i32
        %dma_wait3A_1824 = tpu.memref_slice %arg4[%select_n3A_1788, %dma_wait3A_1822, %dma_wait3A_1823] : memref<50x4096x128xf32, #tpu.memory_space<hbm>> -> memref<1x4096x128xf32, #tpu.memory_space<hbm>>
        %dma_wait3A_1825 = tpu.memref_squeeze %dma_wait3A_1824 : memref<1x4096x128xf32, #tpu.memory_space<hbm>> -> memref<4096x128xf32, #tpu.memory_space<hbm>>
        %dma_wait3A_1826 = arith.constant 0 : i32
        %dma_wait3A_1827 = tpu.memref_slice %dma_wait3A_1825[%add3A_1807, %dma_wait3A_1826] : memref<4096x128xf32, #tpu.memory_space<hbm>> -> memref<64x128xf32, #tpu.memory_space<hbm>>
        %dma_wait3A_1828 = arith.constant 0 : i32
        %dma_wait3A_1829 = arith.constant 0 : i32
        %dma_wait3A_1830 = tpu.memref_slice %arg6[%dma_wait3A_1808, %dma_wait3A_1828, %dma_wait3A_1829] : memref<10x64x128xf32, #tpu.memory_space<vmem>> -> memref<1x64x128xf32, #tpu.memory_space<vmem>>
        %dma_wait3A_1831 = tpu.memref_squeeze %dma_wait3A_1830 : memref<1x64x128xf32, #tpu.memory_space<vmem>> -> memref<64x128xf32, #tpu.memory_space<vmem>>
        tpu.wait_dma2 semaphore(%dma_wait3A_1821 : memref<!tpu.dma_semaphore, #tpu.memory_space<semaphore_mem>>) src(%dma_wait3A_1831 : memref<64x128xf32, #tpu.memory_space<vmem>>) dst(%dma_wait3A_1827 : memref<64x128xf32, #tpu.memory_space<hbm>>)
        %add3A_1832 = arith.constant 10 : i32
        %add3A_1833 = arith.addi %add3A_450, %add3A_1832 : i32
        %jit3A_1834 = arith.constant 2 : i32
        %div3A_1835 = arith.divsi %add3A_1833, %jit3A_1834 : i32
        %sign3A_1836 = arith.constant 0 : i32
        %sign3A_1837 = arith.cmpi sgt, %add3A_1833, %sign3A_1836 : i32
        %sign3A_1838 = arith.extui %sign3A_1837 : i1 to i32
        %sign3A_1839 = arith.constant 0 : i32
        %sign3A_1840 = arith.cmpi slt, %add3A_1833, %sign3A_1839 : i32
        %sign3A_1841 = arith.extui %sign3A_1840 : i1 to i32
        %sign3A_1842 = arith.subi %sign3A_1838, %sign3A_1841 : i32
        %sign3A_1843 = arith.constant 0 : i32
        %sign3A_1844 = arith.cmpi sgt, %jit3A_1834, %sign3A_1843 : i32
        %sign3A_1845 = arith.extui %sign3A_1844 : i1 to i32
        %sign3A_1846 = arith.constant 0 : i32
        %sign3A_1847 = arith.cmpi slt, %jit3A_1834, %sign3A_1846 : i32
        %sign3A_1848 = arith.extui %sign3A_1847 : i1 to i32
        %sign3A_1849 = arith.subi %sign3A_1845, %sign3A_1848 : i32
        %ne3A_1850 = arith.cmpi ne, %sign3A_1842, %sign3A_1849 : i32
        %rem3A_1851 = arith.remsi %add3A_1833, %jit3A_1834 : i32
        %ne3A_1852 = arith.constant 0 : i32
        %ne3A_1853 = arith.cmpi ne, %rem3A_1851, %ne3A_1852 : i32
        %and3A_1854 = arith.andi %ne3A_1850, %ne3A_1853 : i1
        %sub3A_1855 = arith.constant 1 : i32
        %sub3A_1856 = arith.subi %div3A_1835, %sub3A_1855 : i32
        %select_n3A_1857 = arith.select %and3A_1854, %sub3A_1856, %div3A_1835 : i32
        %jit3A_1858 = arith.constant 2 : i32
        %eq3A_1859 = arith.constant 0 : i32
        %eq3A_1860 = arith.cmpi eq, %jit3A_1858, %eq3A_1859 : i32
        %jit3A_1861 = arith.constant 1 : i32
        %select_n3A_1862 = arith.select %eq3A_1860, %jit3A_1861, %jit3A_1858 : i32
        %rem3A_1863 = arith.remsi %add3A_1833, %select_n3A_1862 : i32
        %ne3A_1864 = arith.constant 0 : i32
        %ne3A_1865 = arith.cmpi ne, %rem3A_1863, %ne3A_1864 : i32
        %lt3A_1866 = arith.constant 0 : i32
        %lt3A_1867 = arith.cmpi slt, %rem3A_1863, %lt3A_1866 : i32
        %lt3A_1868 = arith.constant 0 : i32
        %lt3A_1869 = arith.cmpi slt, %select_n3A_1862, %lt3A_1868 : i32
        %ne3A_1870 = arith.xori %lt3A_1867, %lt3A_1869 : i1
        %and3A_1871 = arith.andi %ne3A_1870, %ne3A_1865 : i1
        %add3A_1872 = arith.addi %rem3A_1863, %select_n3A_1862 : i32
        %select_n3A_1873 = arith.select %and3A_1871, %add3A_1872, %rem3A_1863 : i32
        %mul3A_1874 = arith.constant 64 : i32
        %mul3A_1875 = arith.muli %select_n3A_1873, %mul3A_1874 : i32
        %dma_start3A_1876 = arith.constant 0 : i32
        %dma_start3A_1877 = arith.constant 0 : i32
        %dma_start3A_1878 = arith.constant 0 : i32
        %dma_start3A_1879 = arith.constant 0 : i32
        %dma_start3A_1880 = tpu.memref_slice %arg6[%dma_start3A_1876, %dma_start3A_1878, %dma_start3A_1879] : memref<10x64x128xf32, #tpu.memory_space<vmem>> -> memref<1x64x128xf32, #tpu.memory_space<vmem>>
        %dma_start3A_1881 = tpu.memref_squeeze %dma_start3A_1880 : memref<1x64x128xf32, #tpu.memory_space<vmem>> -> memref<64x128xf32, #tpu.memory_space<vmem>>
        %dma_start3A_1882 = arith.constant 0 : i32
        %dma_start3A_1883 = tpu.memref_slice %arg5[%select_n3A_1857, %dma_start3A_1882] : memref<50x128xi32, #tpu.memory_space<vmem>> -> memref<1x128xi32, #tpu.memory_space<vmem>>
        %dma_start3A_1884 = tpu.memref_squeeze %dma_start3A_1883 : memref<1x128xi32, #tpu.memory_space<vmem>> -> memref<128xi32, #tpu.memory_space<vmem>>
        %dma_start3A_1885 = tpu.memref_slice %dma_start3A_1884[%mul3A_1875] : memref<128xi32, #tpu.memory_space<vmem>> -> memref<64xi32, #tpu.memory_space<vmem>>
        %dma_start3A_1886 = arith.constant 0 : i32
        %dma_start3A_1887 = arith.constant 0 : i32
        %dma_start3A_1888 = tpu.memref_slice %arg2[%dma_start3A_1886, %dma_start3A_1887] : memref<100000x128xf32, #tpu.memory_space<hbm>> -> memref<100000x128xf32, #tpu.memory_space<hbm>>
        %dma_start3A_1889 = tpu.memref_slice %arg7[%dma_start3A_1877] : memref<10x!tpu.dma_semaphore, #tpu.memory_space<semaphore_mem>> -> memref<1x!tpu.dma_semaphore, #tpu.memory_space<semaphore_mem>>
        %dma_start3A_1890 = tpu.memref_squeeze %dma_start3A_1889 : memref<1x!tpu.dma_semaphore, #tpu.memory_space<semaphore_mem>> -> memref<!tpu.dma_semaphore, #tpu.memory_space<semaphore_mem>>
        tpu.enqueue_indirect_dma source(%dma_start3A_1888 : memref<100000x128xf32, #tpu.memory_space<hbm>>) target(%dma_start3A_1881 : memref<64x128xf32, #tpu.memory_space<vmem>>) offsets(%dma_start3A_1885 : memref<64xi32, #tpu.memory_space<vmem>>) semaphore(%dma_start3A_1890 : memref<!tpu.dma_semaphore, #tpu.memory_space<semaphore_mem>>)
      } else {
      }
      %mul3A_568 = arith.constant 10 : i32
      %mul3A_569 = arith.muli %scan3A_446, %mul3A_568 : i32
      %add3A_570 = arith.constant 1 : i32
      %add3A_571 = arith.addi %mul3A_569, %add3A_570 : i32
      %jit3A_572 = arith.constant 2 : i32
      %div3A_573 = arith.divsi %add3A_571, %jit3A_572 : i32
      %sign3A_574 = arith.constant 0 : i32
      %sign3A_575 = arith.cmpi sgt, %add3A_571, %sign3A_574 : i32
      %sign3A_576 = arith.extui %sign3A_575 : i1 to i32
      %sign3A_577 = arith.constant 0 : i32
      %sign3A_578 = arith.cmpi slt, %add3A_571, %sign3A_577 : i32
      %sign3A_579 = arith.extui %sign3A_578 : i1 to i32
      %sign3A_580 = arith.subi %sign3A_576, %sign3A_579 : i32
      %sign3A_581 = arith.constant 0 : i32
      %sign3A_582 = arith.cmpi sgt, %jit3A_572, %sign3A_581 : i32
      %sign3A_583 = arith.extui %sign3A_582 : i1 to i32
      %sign3A_584 = arith.constant 0 : i32
      %sign3A_585 = arith.cmpi slt, %jit3A_572, %sign3A_584 : i32
      %sign3A_586 = arith.extui %sign3A_585 : i1 to i32
      %sign3A_587 = arith.subi %sign3A_583, %sign3A_586 : i32
      %ne3A_588 = arith.cmpi ne, %sign3A_580, %sign3A_587 : i32
      %rem3A_589 = arith.remsi %add3A_571, %jit3A_572 : i32
      %ne3A_590 = arith.constant 0 : i32
      %ne3A_591 = arith.cmpi ne, %rem3A_589, %ne3A_590 : i32
      %and3A_592 = arith.andi %ne3A_588, %ne3A_591 : i1
      %sub3A_593 = arith.constant 1 : i32
      %sub3A_594 = arith.subi %div3A_573, %sub3A_593 : i32
      %select_n3A_595 = arith.select %and3A_592, %sub3A_594, %div3A_573 : i32
      %jit3A_596 = arith.constant 2 : i32
      %eq3A_597 = arith.constant 0 : i32
      %eq3A_598 = arith.cmpi eq, %jit3A_596, %eq3A_597 : i32
      %jit3A_599 = arith.constant 1 : i32
      %select_n3A_600 = arith.select %eq3A_598, %jit3A_599, %jit3A_596 : i32
      %rem3A_601 = arith.remsi %add3A_571, %select_n3A_600 : i32
      %ne3A_602 = arith.constant 0 : i32
      %ne3A_603 = arith.cmpi ne, %rem3A_601, %ne3A_602 : i32
      %lt3A_604 = arith.constant 0 : i32
      %lt3A_605 = arith.cmpi slt, %rem3A_601, %lt3A_604 : i32
      %lt3A_606 = arith.constant 0 : i32
      %lt3A_607 = arith.cmpi slt, %select_n3A_600, %lt3A_606 : i32
      %ne3A_608 = arith.xori %lt3A_605, %lt3A_607 : i1
      %and3A_609 = arith.andi %ne3A_608, %ne3A_603 : i1
      %add3A_610 = arith.addi %rem3A_601, %select_n3A_600 : i32
      %select_n3A_611 = arith.select %and3A_609, %add3A_610, %rem3A_601 : i32
      %mul3A_612 = arith.constant 64 : i32
      %mul3A_613 = arith.muli %select_n3A_611, %mul3A_612 : i32
      %dma_wait3A_614 = arith.constant 1 : i32
      %dma_wait3A_615 = arith.constant 1 : i32
      %dma_wait3A_616 = arith.constant 0 : i32
      %dma_wait3A_617 = arith.constant 0 : i32
      %dma_wait3A_618 = tpu.memref_slice %arg6[%dma_wait3A_614, %dma_wait3A_616, %dma_wait3A_617] : memref<10x64x128xf32, #tpu.memory_space<vmem>> -> memref<1x64x128xf32, #tpu.memory_space<vmem>>
      %dma_wait3A_619 = tpu.memref_squeeze %dma_wait3A_618 : memref<1x64x128xf32, #tpu.memory_space<vmem>> -> memref<64x128xf32, #tpu.memory_space<vmem>>
      %dma_wait3A_620 = arith.constant 0 : i32
      %dma_wait3A_621 = tpu.memref_slice %arg5[%select_n3A_595, %dma_wait3A_620] : memref<50x128xi32, #tpu.memory_space<vmem>> -> memref<1x128xi32, #tpu.memory_space<vmem>>
      %dma_wait3A_622 = tpu.memref_squeeze %dma_wait3A_621 : memref<1x128xi32, #tpu.memory_space<vmem>> -> memref<128xi32, #tpu.memory_space<vmem>>
      %dma_wait3A_623 = tpu.memref_slice %dma_wait3A_622[%mul3A_613] : memref<128xi32, #tpu.memory_space<vmem>> -> memref<64xi32, #tpu.memory_space<vmem>>
      %dma_wait3A_624 = arith.constant 0 : i32
      %dma_wait3A_625 = arith.constant 0 : i32
      %dma_wait3A_626 = tpu.memref_slice %arg2[%dma_wait3A_624, %dma_wait3A_625] : memref<100000x128xf32, #tpu.memory_space<hbm>> -> memref<100000x128xf32, #tpu.memory_space<hbm>>
      %dma_wait3A_627 = tpu.memref_slice %arg7[%dma_wait3A_615] : memref<10x!tpu.dma_semaphore, #tpu.memory_space<semaphore_mem>> -> memref<1x!tpu.dma_semaphore, #tpu.memory_space<semaphore_mem>>
      %dma_wait3A_628 = tpu.memref_squeeze %dma_wait3A_627 : memref<1x!tpu.dma_semaphore, #tpu.memory_space<semaphore_mem>> -> memref<!tpu.dma_semaphore, #tpu.memory_space<semaphore_mem>>
      tpu.wait_indirect_dma semaphore(%dma_wait3A_628 : memref<!tpu.dma_semaphore, #tpu.memory_space<semaphore_mem>>) src(%dma_wait3A_626 : memref<100000x128xf32, #tpu.memory_space<hbm>>) dst(%dma_wait3A_619 : memref<64x128xf32, #tpu.memory_space<vmem>>)
      %jit3A_629 = arith.constant 2 : i32
      %div3A_630 = arith.divsi %add3A_571, %jit3A_629 : i32
      %sign3A_631 = arith.constant 0 : i32
      %sign3A_632 = arith.cmpi sgt, %add3A_571, %sign3A_631 : i32
      %sign3A_633 = arith.extui %sign3A_632 : i1 to i32
      %sign3A_634 = arith.constant 0 : i32
      %sign3A_635 = arith.cmpi slt, %add3A_571, %sign3A_634 : i32
      %sign3A_636 = arith.extui %sign3A_635 : i1 to i32
      %sign3A_637 = arith.subi %sign3A_633, %sign3A_636 : i32
      %sign3A_638 = arith.constant 0 : i32
      %sign3A_639 = arith.cmpi sgt, %jit3A_629, %sign3A_638 : i32
      %sign3A_640 = arith.extui %sign3A_639 : i1 to i32
      %sign3A_641 = arith.constant 0 : i32
      %sign3A_642 = arith.cmpi slt, %jit3A_629, %sign3A_641 : i32
      %sign3A_643 = arith.extui %sign3A_642 : i1 to i32
      %sign3A_644 = arith.subi %sign3A_640, %sign3A_643 : i32
      %ne3A_645 = arith.cmpi ne, %sign3A_637, %sign3A_644 : i32
      %rem3A_646 = arith.remsi %add3A_571, %jit3A_629 : i32
      %ne3A_647 = arith.constant 0 : i32
      %ne3A_648 = arith.cmpi ne, %rem3A_646, %ne3A_647 : i32
      %and3A_649 = arith.andi %ne3A_645, %ne3A_648 : i1
      %sub3A_650 = arith.constant 1 : i32
      %sub3A_651 = arith.subi %div3A_630, %sub3A_650 : i32
      %select_n3A_652 = arith.select %and3A_649, %sub3A_651, %div3A_630 : i32
      %jit3A_653 = arith.constant 2 : i32
      %eq3A_654 = arith.constant 0 : i32
      %eq3A_655 = arith.cmpi eq, %jit3A_653, %eq3A_654 : i32
      %jit3A_656 = arith.constant 1 : i32
      %select_n3A_657 = arith.select %eq3A_655, %jit3A_656, %jit3A_653 : i32
      %rem3A_658 = arith.remsi %add3A_571, %select_n3A_657 : i32
      %ne3A_659 = arith.constant 0 : i32
      %ne3A_660 = arith.cmpi ne, %rem3A_658, %ne3A_659 : i32
      %lt3A_661 = arith.constant 0 : i32
      %lt3A_662 = arith.cmpi slt, %rem3A_658, %lt3A_661 : i32
      %lt3A_663 = arith.constant 0 : i32
      %lt3A_664 = arith.cmpi slt, %select_n3A_657, %lt3A_663 : i32
      %ne3A_665 = arith.xori %lt3A_662, %lt3A_664 : i1
      %and3A_666 = arith.andi %ne3A_665, %ne3A_660 : i1
      %add3A_667 = arith.addi %rem3A_658, %select_n3A_657 : i32
      %select_n3A_668 = arith.select %and3A_666, %add3A_667, %rem3A_658 : i32
      %mul3A_669 = arith.constant 64 : i32
      %mul3A_670 = arith.muli %select_n3A_668, %mul3A_669 : i32
      %add3A_671 = arith.addi %mul3A_2, %mul3A_670 : i32
      %dma_start3A_672 = arith.constant 1 : i32
      %dma_start3A_673 = arith.constant 1 : i32
      %dma_start3A_674 = arith.constant 0 : i32
      %dma_start3A_675 = arith.constant 0 : i32
      %dma_start3A_676 = tpu.memref_slice %arg6[%dma_start3A_672, %dma_start3A_674, %dma_start3A_675] : memref<10x64x128xf32, #tpu.memory_space<vmem>> -> memref<1x64x128xf32, #tpu.memory_space<vmem>>
      %dma_start3A_677 = tpu.memref_squeeze %dma_start3A_676 : memref<1x64x128xf32, #tpu.memory_space<vmem>> -> memref<64x128xf32, #tpu.memory_space<vmem>>
      %dma_start3A_678 = arith.constant 0 : i32
      %dma_start3A_679 = arith.constant 0 : i32
      %dma_start3A_680 = tpu.memref_slice %arg4[%select_n3A_652, %dma_start3A_678, %dma_start3A_679] : memref<50x4096x128xf32, #tpu.memory_space<hbm>> -> memref<1x4096x128xf32, #tpu.memory_space<hbm>>
      %dma_start3A_681 = tpu.memref_squeeze %dma_start3A_680 : memref<1x4096x128xf32, #tpu.memory_space<hbm>> -> memref<4096x128xf32, #tpu.memory_space<hbm>>
      %dma_start3A_682 = arith.constant 0 : i32
      %dma_start3A_683 = tpu.memref_slice %dma_start3A_681[%add3A_671, %dma_start3A_682] : memref<4096x128xf32, #tpu.memory_space<hbm>> -> memref<64x128xf32, #tpu.memory_space<hbm>>
      %dma_start3A_684 = tpu.memref_slice %arg8[%dma_start3A_673] : memref<10x!tpu.dma_semaphore, #tpu.memory_space<semaphore_mem>> -> memref<1x!tpu.dma_semaphore, #tpu.memory_space<semaphore_mem>>
      %dma_start3A_685 = tpu.memref_squeeze %dma_start3A_684 : memref<1x!tpu.dma_semaphore, #tpu.memory_space<semaphore_mem>> -> memref<!tpu.dma_semaphore, #tpu.memory_space<semaphore_mem>>
      %dma_start3A_686 = arith.constant 0 : i32
      %dma_start3A_687 = arith.constant 0 : i32
      %dma_start3A_688 = tpu.memref_slice %arg4[%select_n3A_652, %dma_start3A_686, %dma_start3A_687] : memref<50x4096x128xf32, #tpu.memory_space<hbm>> -> memref<1x4096x128xf32, #tpu.memory_space<hbm>>
      %dma_start3A_689 = tpu.memref_squeeze %dma_start3A_688 : memref<1x4096x128xf32, #tpu.memory_space<hbm>> -> memref<4096x128xf32, #tpu.memory_space<hbm>>
      %dma_start3A_690 = arith.constant 0 : i32
      %dma_start3A_691 = tpu.memref_slice %dma_start3A_689[%add3A_671, %dma_start3A_690] : memref<4096x128xf32, #tpu.memory_space<hbm>> -> memref<64x128xf32, #tpu.memory_space<hbm>>
      %dma_start3A_692 = arith.constant 0 : i32
      %dma_start3A_693 = arith.constant 0 : i32
      %dma_start3A_694 = tpu.memref_slice %arg6[%dma_start3A_672, %dma_start3A_692, %dma_start3A_693] : memref<10x64x128xf32, #tpu.memory_space<vmem>> -> memref<1x64x128xf32, #tpu.memory_space<vmem>>
      %dma_start3A_695 = tpu.memref_squeeze %dma_start3A_694 : memref<1x64x128xf32, #tpu.memory_space<vmem>> -> memref<64x128xf32, #tpu.memory_space<vmem>>
      tpu.enqueue_dma source(%dma_start3A_695 : memref<64x128xf32, #tpu.memory_space<vmem>>) target(%dma_start3A_691 : memref<64x128xf32, #tpu.memory_space<hbm>>) target_semaphore(%dma_start3A_685 : memref<!tpu.dma_semaphore, #tpu.memory_space<semaphore_mem>>)
      %lt3A_696 = arith.constant 9 : i32
      %lt3A_697 = arith.cmpi slt, %scan3A_446, %lt3A_696 : i32
      %convert_element_type3A_698 = arith.extui %lt3A_697 : i1 to i32
      %cond3A_699 = arith.constant 0 : i32
      %cond3A_700 = arith.cmpi ne, %convert_element_type3A_698, %cond3A_699 : i32
      scf.if %cond3A_700 {
        %jit3A_1765 = arith.constant 2 : i32
        %div3A_1766 = arith.divsi %add3A_571, %jit3A_1765 : i32
        %sign3A_1767 = arith.constant 0 : i32
        %sign3A_1768 = arith.cmpi sgt, %add3A_571, %sign3A_1767 : i32
        %sign3A_1769 = arith.extui %sign3A_1768 : i1 to i32
        %sign3A_1770 = arith.constant 0 : i32
        %sign3A_1771 = arith.cmpi slt, %add3A_571, %sign3A_1770 : i32
        %sign3A_1772 = arith.extui %sign3A_1771 : i1 to i32
        %sign3A_1773 = arith.subi %sign3A_1769, %sign3A_1772 : i32
        %sign3A_1774 = arith.constant 0 : i32
        %sign3A_1775 = arith.cmpi sgt, %jit3A_1765, %sign3A_1774 : i32
        %sign3A_1776 = arith.extui %sign3A_1775 : i1 to i32
        %sign3A_1777 = arith.constant 0 : i32
        %sign3A_1778 = arith.cmpi slt, %jit3A_1765, %sign3A_1777 : i32
        %sign3A_1779 = arith.extui %sign3A_1778 : i1 to i32
        %sign3A_1780 = arith.subi %sign3A_1776, %sign3A_1779 : i32
        %ne3A_1781 = arith.cmpi ne, %sign3A_1773, %sign3A_1780 : i32
        %rem3A_1782 = arith.remsi %add3A_571, %jit3A_1765 : i32
        %ne3A_1783 = arith.constant 0 : i32
        %ne3A_1784 = arith.cmpi ne, %rem3A_1782, %ne3A_1783 : i32
        %and3A_1785 = arith.andi %ne3A_1781, %ne3A_1784 : i1
        %sub3A_1786 = arith.constant 1 : i32
        %sub3A_1787 = arith.subi %div3A_1766, %sub3A_1786 : i32
        %select_n3A_1788 = arith.select %and3A_1785, %sub3A_1787, %div3A_1766 : i32
        %jit3A_1789 = arith.constant 2 : i32
        %eq3A_1790 = arith.constant 0 : i32
        %eq3A_1791 = arith.cmpi eq, %jit3A_1789, %eq3A_1790 : i32
        %jit3A_1792 = arith.constant 1 : i32
        %select_n3A_1793 = arith.select %eq3A_1791, %jit3A_1792, %jit3A_1789 : i32
        %rem3A_1794 = arith.remsi %add3A_571, %select_n3A_1793 : i32
        %ne3A_1795 = arith.constant 0 : i32
        %ne3A_1796 = arith.cmpi ne, %rem3A_1794, %ne3A_1795 : i32
        %lt3A_1797 = arith.constant 0 : i32
        %lt3A_1798 = arith.cmpi slt, %rem3A_1794, %lt3A_1797 : i32
        %lt3A_1799 = arith.constant 0 : i32
        %lt3A_1800 = arith.cmpi slt, %select_n3A_1793, %lt3A_1799 : i32
        %ne3A_1801 = arith.xori %lt3A_1798, %lt3A_1800 : i1
        %and3A_1802 = arith.andi %ne3A_1801, %ne3A_1796 : i1
        %add3A_1803 = arith.addi %rem3A_1794, %select_n3A_1793 : i32
        %select_n3A_1804 = arith.select %and3A_1802, %add3A_1803, %rem3A_1794 : i32
        %mul3A_1805 = arith.constant 64 : i32
        %mul3A_1806 = arith.muli %select_n3A_1804, %mul3A_1805 : i32
        %add3A_1807 = arith.addi %mul3A_2, %mul3A_1806 : i32
        %dma_wait3A_1808 = arith.constant 1 : i32
        %dma_wait3A_1809 = arith.constant 1 : i32
        %dma_wait3A_1810 = arith.constant 0 : i32
        %dma_wait3A_1811 = arith.constant 0 : i32
        %dma_wait3A_1812 = tpu.memref_slice %arg6[%dma_wait3A_1808, %dma_wait3A_1810, %dma_wait3A_1811] : memref<10x64x128xf32, #tpu.memory_space<vmem>> -> memref<1x64x128xf32, #tpu.memory_space<vmem>>
        %dma_wait3A_1813 = tpu.memref_squeeze %dma_wait3A_1812 : memref<1x64x128xf32, #tpu.memory_space<vmem>> -> memref<64x128xf32, #tpu.memory_space<vmem>>
        %dma_wait3A_1814 = arith.constant 0 : i32
        %dma_wait3A_1815 = arith.constant 0 : i32
        %dma_wait3A_1816 = tpu.memref_slice %arg4[%select_n3A_1788, %dma_wait3A_1814, %dma_wait3A_1815] : memref<50x4096x128xf32, #tpu.memory_space<hbm>> -> memref<1x4096x128xf32, #tpu.memory_space<hbm>>
        %dma_wait3A_1817 = tpu.memref_squeeze %dma_wait3A_1816 : memref<1x4096x128xf32, #tpu.memory_space<hbm>> -> memref<4096x128xf32, #tpu.memory_space<hbm>>
        %dma_wait3A_1818 = arith.constant 0 : i32
        %dma_wait3A_1819 = tpu.memref_slice %dma_wait3A_1817[%add3A_1807, %dma_wait3A_1818] : memref<4096x128xf32, #tpu.memory_space<hbm>> -> memref<64x128xf32, #tpu.memory_space<hbm>>
        %dma_wait3A_1820 = tpu.memref_slice %arg8[%dma_wait3A_1809] : memref<10x!tpu.dma_semaphore, #tpu.memory_space<semaphore_mem>> -> memref<1x!tpu.dma_semaphore, #tpu.memory_space<semaphore_mem>>
        %dma_wait3A_1821 = tpu.memref_squeeze %dma_wait3A_1820 : memref<1x!tpu.dma_semaphore, #tpu.memory_space<semaphore_mem>> -> memref<!tpu.dma_semaphore, #tpu.memory_space<semaphore_mem>>
        %dma_wait3A_1822 = arith.constant 0 : i32
        %dma_wait3A_1823 = arith.constant 0 : i32
        %dma_wait3A_1824 = tpu.memref_slice %arg4[%select_n3A_1788, %dma_wait3A_1822, %dma_wait3A_1823] : memref<50x4096x128xf32, #tpu.memory_space<hbm>> -> memref<1x4096x128xf32, #tpu.memory_space<hbm>>
        %dma_wait3A_1825 = tpu.memref_squeeze %dma_wait3A_1824 : memref<1x4096x128xf32, #tpu.memory_space<hbm>> -> memref<4096x128xf32, #tpu.memory_space<hbm>>
        %dma_wait3A_1826 = arith.constant 0 : i32
        %dma_wait3A_1827 = tpu.memref_slice %dma_wait3A_1825[%add3A_1807, %dma_wait3A_1826] : memref<4096x128xf32, #tpu.memory_space<hbm>> -> memref<64x128xf32, #tpu.memory_space<hbm>>
        %dma_wait3A_1828 = arith.constant 0 : i32
        %dma_wait3A_1829 = arith.constant 0 : i32
        %dma_wait3A_1830 = tpu.memref_slice %arg6[%dma_wait3A_1808, %dma_wait3A_1828, %dma_wait3A_1829] : memref<10x64x128xf32, #tpu.memory_space<vmem>> -> memref<1x64x128xf32, #tpu.memory_space<vmem>>
        %dma_wait3A_1831 = tpu.memref_squeeze %dma_wait3A_1830 : memref<1x64x128xf32, #tpu.memory_space<vmem>> -> memref<64x128xf32, #tpu.memory_space<vmem>>
        tpu.wait_dma2 semaphore(%dma_wait3A_1821 : memref<!tpu.dma_semaphore, #tpu.memory_space<semaphore_mem>>) src(%dma_wait3A_1831 : memref<64x128xf32, #tpu.memory_space<vmem>>) dst(%dma_wait3A_1827 : memref<64x128xf32, #tpu.memory_space<hbm>>)
        %add3A_1832 = arith.constant 10 : i32
        %add3A_1833 = arith.addi %add3A_571, %add3A_1832 : i32
        %jit3A_1834 = arith.constant 2 : i32
        %div3A_1835 = arith.divsi %add3A_1833, %jit3A_1834 : i32
        %sign3A_1836 = arith.constant 0 : i32
        %sign3A_1837 = arith.cmpi sgt, %add3A_1833, %sign3A_1836 : i32
        %sign3A_1838 = arith.extui %sign3A_1837 : i1 to i32
        %sign3A_1839 = arith.constant 0 : i32
        %sign3A_1840 = arith.cmpi slt, %add3A_1833, %sign3A_1839 : i32
        %sign3A_1841 = arith.extui %sign3A_1840 : i1 to i32
        %sign3A_1842 = arith.subi %sign3A_1838, %sign3A_1841 : i32
        %sign3A_1843 = arith.constant 0 : i32
        %sign3A_1844 = arith.cmpi sgt, %jit3A_1834, %sign3A_1843 : i32
        %sign3A_1845 = arith.extui %sign3A_1844 : i1 to i32
        %sign3A_1846 = arith.constant 0 : i32
        %sign3A_1847 = arith.cmpi slt, %jit3A_1834, %sign3A_1846 : i32
        %sign3A_1848 = arith.extui %sign3A_1847 : i1 to i32
        %sign3A_1849 = arith.subi %sign3A_1845, %sign3A_1848 : i32
        %ne3A_1850 = arith.cmpi ne, %sign3A_1842, %sign3A_1849 : i32
        %rem3A_1851 = arith.remsi %add3A_1833, %jit3A_1834 : i32
        %ne3A_1852 = arith.constant 0 : i32
        %ne3A_1853 = arith.cmpi ne, %rem3A_1851, %ne3A_1852 : i32
        %and3A_1854 = arith.andi %ne3A_1850, %ne3A_1853 : i1
        %sub3A_1855 = arith.constant 1 : i32
        %sub3A_1856 = arith.subi %div3A_1835, %sub3A_1855 : i32
        %select_n3A_1857 = arith.select %and3A_1854, %sub3A_1856, %div3A_1835 : i32
        %jit3A_1858 = arith.constant 2 : i32
        %eq3A_1859 = arith.constant 0 : i32
        %eq3A_1860 = arith.cmpi eq, %jit3A_1858, %eq3A_1859 : i32
        %jit3A_1861 = arith.constant 1 : i32
        %select_n3A_1862 = arith.select %eq3A_1860, %jit3A_1861, %jit3A_1858 : i32
        %rem3A_1863 = arith.remsi %add3A_1833, %select_n3A_1862 : i32
        %ne3A_1864 = arith.constant 0 : i32
        %ne3A_1865 = arith.cmpi ne, %rem3A_1863, %ne3A_1864 : i32
        %lt3A_1866 = arith.constant 0 : i32
        %lt3A_1867 = arith.cmpi slt, %rem3A_1863, %lt3A_1866 : i32
        %lt3A_1868 = arith.constant 0 : i32
        %lt3A_1869 = arith.cmpi slt, %select_n3A_1862, %lt3A_1868 : i32
        %ne3A_1870 = arith.xori %lt3A_1867, %lt3A_1869 : i1
        %and3A_1871 = arith.andi %ne3A_1870, %ne3A_1865 : i1
        %add3A_1872 = arith.addi %rem3A_1863, %select_n3A_1862 : i32
        %select_n3A_1873 = arith.select %and3A_1871, %add3A_1872, %rem3A_1863 : i32
        %mul3A_1874 = arith.constant 64 : i32
        %mul3A_1875 = arith.muli %select_n3A_1873, %mul3A_1874 : i32
        %dma_start3A_1876 = arith.constant 1 : i32
        %dma_start3A_1877 = arith.constant 1 : i32
        %dma_start3A_1878 = arith.constant 0 : i32
        %dma_start3A_1879 = arith.constant 0 : i32
        %dma_start3A_1880 = tpu.memref_slice %arg6[%dma_start3A_1876, %dma_start3A_1878, %dma_start3A_1879] : memref<10x64x128xf32, #tpu.memory_space<vmem>> -> memref<1x64x128xf32, #tpu.memory_space<vmem>>
        %dma_start3A_1881 = tpu.memref_squeeze %dma_start3A_1880 : memref<1x64x128xf32, #tpu.memory_space<vmem>> -> memref<64x128xf32, #tpu.memory_space<vmem>>
        %dma_start3A_1882 = arith.constant 0 : i32
        %dma_start3A_1883 = tpu.memref_slice %arg5[%select_n3A_1857, %dma_start3A_1882] : memref<50x128xi32, #tpu.memory_space<vmem>> -> memref<1x128xi32, #tpu.memory_space<vmem>>
        %dma_start3A_1884 = tpu.memref_squeeze %dma_start3A_1883 : memref<1x128xi32, #tpu.memory_space<vmem>> -> memref<128xi32, #tpu.memory_space<vmem>>
        %dma_start3A_1885 = tpu.memref_slice %dma_start3A_1884[%mul3A_1875] : memref<128xi32, #tpu.memory_space<vmem>> -> memref<64xi32, #tpu.memory_space<vmem>>
        %dma_start3A_1886 = arith.constant 0 : i32
        %dma_start3A_1887 = arith.constant 0 : i32
        %dma_start3A_1888 = tpu.memref_slice %arg2[%dma_start3A_1886, %dma_start3A_1887] : memref<100000x128xf32, #tpu.memory_space<hbm>> -> memref<100000x128xf32, #tpu.memory_space<hbm>>
        %dma_start3A_1889 = tpu.memref_slice %arg7[%dma_start3A_1877] : memref<10x!tpu.dma_semaphore, #tpu.memory_space<semaphore_mem>> -> memref<1x!tpu.dma_semaphore, #tpu.memory_space<semaphore_mem>>
        %dma_start3A_1890 = tpu.memref_squeeze %dma_start3A_1889 : memref<1x!tpu.dma_semaphore, #tpu.memory_space<semaphore_mem>> -> memref<!tpu.dma_semaphore, #tpu.memory_space<semaphore_mem>>
        tpu.enqueue_indirect_dma source(%dma_start3A_1888 : memref<100000x128xf32, #tpu.memory_space<hbm>>) target(%dma_start3A_1881 : memref<64x128xf32, #tpu.memory_space<vmem>>) offsets(%dma_start3A_1885 : memref<64xi32, #tpu.memory_space<vmem>>) semaphore(%dma_start3A_1890 : memref<!tpu.dma_semaphore, #tpu.memory_space<semaphore_mem>>)
      } else {
      }
      %mul3A_701 = arith.constant 10 : i32
      %mul3A_702 = arith.muli %scan3A_446, %mul3A_701 : i32
      %add3A_703 = arith.constant 2 : i32
      %add3A_704 = arith.addi %mul3A_702, %add3A_703 : i32
      %jit3A_705 = arith.constant 2 : i32
      %div3A_706 = arith.divsi %add3A_704, %jit3A_705 : i32
      %sign3A_707 = arith.constant 0 : i32
      %sign3A_708 = arith.cmpi sgt, %add3A_704, %sign3A_707 : i32
      %sign3A_709 = arith.extui %sign3A_708 : i1 to i32
      %sign3A_710 = arith.constant 0 : i32
      %sign3A_711 = arith.cmpi slt, %add3A_704, %sign3A_710 : i32
      %sign3A_712 = arith.extui %sign3A_711 : i1 to i32
      %sign3A_713 = arith.subi %sign3A_709, %sign3A_712 : i32
      %sign3A_714 = arith.constant 0 : i32
      %sign3A_715 = arith.cmpi sgt, %jit3A_705, %sign3A_714 : i32
      %sign3A_716 = arith.extui %sign3A_715 : i1 to i32
      %sign3A_717 = arith.constant 0 : i32
      %sign3A_718 = arith.cmpi slt, %jit3A_705, %sign3A_717 : i32
      %sign3A_719 = arith.extui %sign3A_718 : i1 to i32
      %sign3A_720 = arith.subi %sign3A_716, %sign3A_719 : i32
      %ne3A_721 = arith.cmpi ne, %sign3A_713, %sign3A_720 : i32
      %rem3A_722 = arith.remsi %add3A_704, %jit3A_705 : i32
      %ne3A_723 = arith.constant 0 : i32
      %ne3A_724 = arith.cmpi ne, %rem3A_722, %ne3A_723 : i32
      %and3A_725 = arith.andi %ne3A_721, %ne3A_724 : i1
      %sub3A_726 = arith.constant 1 : i32
      %sub3A_727 = arith.subi %div3A_706, %sub3A_726 : i32
      %select_n3A_728 = arith.select %and3A_725, %sub3A_727, %div3A_706 : i32
      %jit3A_729 = arith.constant 2 : i32
      %eq3A_730 = arith.constant 0 : i32
      %eq3A_731 = arith.cmpi eq, %jit3A_729, %eq3A_730 : i32
      %jit3A_732 = arith.constant 1 : i32
      %select_n3A_733 = arith.select %eq3A_731, %jit3A_732, %jit3A_729 : i32
      %rem3A_734 = arith.remsi %add3A_704, %select_n3A_733 : i32
      %ne3A_735 = arith.constant 0 : i32
      %ne3A_736 = arith.cmpi ne, %rem3A_734, %ne3A_735 : i32
      %lt3A_737 = arith.constant 0 : i32
      %lt3A_738 = arith.cmpi slt, %rem3A_734, %lt3A_737 : i32
      %lt3A_739 = arith.constant 0 : i32
      %lt3A_740 = arith.cmpi slt, %select_n3A_733, %lt3A_739 : i32
      %ne3A_741 = arith.xori %lt3A_738, %lt3A_740 : i1
      %and3A_742 = arith.andi %ne3A_741, %ne3A_736 : i1
      %add3A_743 = arith.addi %rem3A_734, %select_n3A_733 : i32
      %select_n3A_744 = arith.select %and3A_742, %add3A_743, %rem3A_734 : i32
      %mul3A_745 = arith.constant 64 : i32
      %mul3A_746 = arith.muli %select_n3A_744, %mul3A_745 : i32
      %dma_wait3A_747 = arith.constant 2 : i32
      %dma_wait3A_748 = arith.constant 2 : i32
      %dma_wait3A_749 = arith.constant 0 : i32
      %dma_wait3A_750 = arith.constant 0 : i32
      %dma_wait3A_751 = tpu.memref_slice %arg6[%dma_wait3A_747, %dma_wait3A_749, %dma_wait3A_750] : memref<10x64x128xf32, #tpu.memory_space<vmem>> -> memref<1x64x128xf32, #tpu.memory_space<vmem>>
      %dma_wait3A_752 = tpu.memref_squeeze %dma_wait3A_751 : memref<1x64x128xf32, #tpu.memory_space<vmem>> -> memref<64x128xf32, #tpu.memory_space<vmem>>
      %dma_wait3A_753 = arith.constant 0 : i32
      %dma_wait3A_754 = tpu.memref_slice %arg5[%select_n3A_728, %dma_wait3A_753] : memref<50x128xi32, #tpu.memory_space<vmem>> -> memref<1x128xi32, #tpu.memory_space<vmem>>
      %dma_wait3A_755 = tpu.memref_squeeze %dma_wait3A_754 : memref<1x128xi32, #tpu.memory_space<vmem>> -> memref<128xi32, #tpu.memory_space<vmem>>
      %dma_wait3A_756 = tpu.memref_slice %dma_wait3A_755[%mul3A_746] : memref<128xi32, #tpu.memory_space<vmem>> -> memref<64xi32, #tpu.memory_space<vmem>>
      %dma_wait3A_757 = arith.constant 0 : i32
      %dma_wait3A_758 = arith.constant 0 : i32
      %dma_wait3A_759 = tpu.memref_slice %arg2[%dma_wait3A_757, %dma_wait3A_758] : memref<100000x128xf32, #tpu.memory_space<hbm>> -> memref<100000x128xf32, #tpu.memory_space<hbm>>
      %dma_wait3A_760 = tpu.memref_slice %arg7[%dma_wait3A_748] : memref<10x!tpu.dma_semaphore, #tpu.memory_space<semaphore_mem>> -> memref<1x!tpu.dma_semaphore, #tpu.memory_space<semaphore_mem>>
      %dma_wait3A_761 = tpu.memref_squeeze %dma_wait3A_760 : memref<1x!tpu.dma_semaphore, #tpu.memory_space<semaphore_mem>> -> memref<!tpu.dma_semaphore, #tpu.memory_space<semaphore_mem>>
      tpu.wait_indirect_dma semaphore(%dma_wait3A_761 : memref<!tpu.dma_semaphore, #tpu.memory_space<semaphore_mem>>) src(%dma_wait3A_759 : memref<100000x128xf32, #tpu.memory_space<hbm>>) dst(%dma_wait3A_752 : memref<64x128xf32, #tpu.memory_space<vmem>>)
      %jit3A_762 = arith.constant 2 : i32
      %div3A_763 = arith.divsi %add3A_704, %jit3A_762 : i32
      %sign3A_764 = arith.constant 0 : i32
      %sign3A_765 = arith.cmpi sgt, %add3A_704, %sign3A_764 : i32
      %sign3A_766 = arith.extui %sign3A_765 : i1 to i32
      %sign3A_767 = arith.constant 0 : i32
      %sign3A_768 = arith.cmpi slt, %add3A_704, %sign3A_767 : i32
      %sign3A_769 = arith.extui %sign3A_768 : i1 to i32
      %sign3A_770 = arith.subi %sign3A_766, %sign3A_769 : i32
      %sign3A_771 = arith.constant 0 : i32
      %sign3A_772 = arith.cmpi sgt, %jit3A_762, %sign3A_771 : i32
      %sign3A_773 = arith.extui %sign3A_772 : i1 to i32
      %sign3A_774 = arith.constant 0 : i32
      %sign3A_775 = arith.cmpi slt, %jit3A_762, %sign3A_774 : i32
      %sign3A_776 = arith.extui %sign3A_775 : i1 to i32
      %sign3A_777 = arith.subi %sign3A_773, %sign3A_776 : i32
      %ne3A_778 = arith.cmpi ne, %sign3A_770, %sign3A_777 : i32
      %rem3A_779 = arith.remsi %add3A_704, %jit3A_762 : i32
      %ne3A_780 = arith.constant 0 : i32
      %ne3A_781 = arith.cmpi ne, %rem3A_779, %ne3A_780 : i32
      %and3A_782 = arith.andi %ne3A_778, %ne3A_781 : i1
      %sub3A_783 = arith.constant 1 : i32
      %sub3A_784 = arith.subi %div3A_763, %sub3A_783 : i32
      %select_n3A_785 = arith.select %and3A_782, %sub3A_784, %div3A_763 : i32
      %jit3A_786 = arith.constant 2 : i32
      %eq3A_787 = arith.constant 0 : i32
      %eq3A_788 = arith.cmpi eq, %jit3A_786, %eq3A_787 : i32
      %jit3A_789 = arith.constant 1 : i32
      %select_n3A_790 = arith.select %eq3A_788, %jit3A_789, %jit3A_786 : i32
      %rem3A_791 = arith.remsi %add3A_704, %select_n3A_790 : i32
      %ne3A_792 = arith.constant 0 : i32
      %ne3A_793 = arith.cmpi ne, %rem3A_791, %ne3A_792 : i32
      %lt3A_794 = arith.constant 0 : i32
      %lt3A_795 = arith.cmpi slt, %rem3A_791, %lt3A_794 : i32
      %lt3A_796 = arith.constant 0 : i32
      %lt3A_797 = arith.cmpi slt, %select_n3A_790, %lt3A_796 : i32
      %ne3A_798 = arith.xori %lt3A_795, %lt3A_797 : i1
      %and3A_799 = arith.andi %ne3A_798, %ne3A_793 : i1
      %add3A_800 = arith.addi %rem3A_791, %select_n3A_790 : i32
      %select_n3A_801 = arith.select %and3A_799, %add3A_800, %rem3A_791 : i32
      %mul3A_802 = arith.constant 64 : i32
      %mul3A_803 = arith.muli %select_n3A_801, %mul3A_802 : i32
      %add3A_804 = arith.addi %mul3A_2, %mul3A_803 : i32
      %dma_start3A_805 = arith.constant 2 : i32
      %dma_start3A_806 = arith.constant 2 : i32
      %dma_start3A_807 = arith.constant 0 : i32
      %dma_start3A_808 = arith.constant 0 : i32
      %dma_start3A_809 = tpu.memref_slice %arg6[%dma_start3A_805, %dma_start3A_807, %dma_start3A_808] : memref<10x64x128xf32, #tpu.memory_space<vmem>> -> memref<1x64x128xf32, #tpu.memory_space<vmem>>
      %dma_start3A_810 = tpu.memref_squeeze %dma_start3A_809 : memref<1x64x128xf32, #tpu.memory_space<vmem>> -> memref<64x128xf32, #tpu.memory_space<vmem>>
      %dma_start3A_811 = arith.constant 0 : i32
      %dma_start3A_812 = arith.constant 0 : i32
      %dma_start3A_813 = tpu.memref_slice %arg4[%select_n3A_785, %dma_start3A_811, %dma_start3A_812] : memref<50x4096x128xf32, #tpu.memory_space<hbm>> -> memref<1x4096x128xf32, #tpu.memory_space<hbm>>
      %dma_start3A_814 = tpu.memref_squeeze %dma_start3A_813 : memref<1x4096x128xf32, #tpu.memory_space<hbm>> -> memref<4096x128xf32, #tpu.memory_space<hbm>>
      %dma_start3A_815 = arith.constant 0 : i32
      %dma_start3A_816 = tpu.memref_slice %dma_start3A_814[%add3A_804, %dma_start3A_815] : memref<4096x128xf32, #tpu.memory_space<hbm>> -> memref<64x128xf32, #tpu.memory_space<hbm>>
      %dma_start3A_817 = tpu.memref_slice %arg8[%dma_start3A_806] : memref<10x!tpu.dma_semaphore, #tpu.memory_space<semaphore_mem>> -> memref<1x!tpu.dma_semaphore, #tpu.memory_space<semaphore_mem>>
      %dma_start3A_818 = tpu.memref_squeeze %dma_start3A_817 : memref<1x!tpu.dma_semaphore, #tpu.memory_space<semaphore_mem>> -> memref<!tpu.dma_semaphore, #tpu.memory_space<semaphore_mem>>
      %dma_start3A_819 = arith.constant 0 : i32
      %dma_start3A_820 = arith.constant 0 : i32
      %dma_start3A_821 = tpu.memref_slice %arg4[%select_n3A_785, %dma_start3A_819, %dma_start3A_820] : memref<50x4096x128xf32, #tpu.memory_space<hbm>> -> memref<1x4096x128xf32, #tpu.memory_space<hbm>>
      %dma_start3A_822 = tpu.memref_squeeze %dma_start3A_821 : memref<1x4096x128xf32, #tpu.memory_space<hbm>> -> memref<4096x128xf32, #tpu.memory_space<hbm>>
      %dma_start3A_823 = arith.constant 0 : i32
      %dma_start3A_824 = tpu.memref_slice %dma_start3A_822[%add3A_804, %dma_start3A_823] : memref<4096x128xf32, #tpu.memory_space<hbm>> -> memref<64x128xf32, #tpu.memory_space<hbm>>
      %dma_start3A_825 = arith.constant 0 : i32
      %dma_start3A_826 = arith.constant 0 : i32
      %dma_start3A_827 = tpu.memref_slice %arg6[%dma_start3A_805, %dma_start3A_825, %dma_start3A_826] : memref<10x64x128xf32, #tpu.memory_space<vmem>> -> memref<1x64x128xf32, #tpu.memory_space<vmem>>
      %dma_start3A_828 = tpu.memref_squeeze %dma_start3A_827 : memref<1x64x128xf32, #tpu.memory_space<vmem>> -> memref<64x128xf32, #tpu.memory_space<vmem>>
      tpu.enqueue_dma source(%dma_start3A_828 : memref<64x128xf32, #tpu.memory_space<vmem>>) target(%dma_start3A_824 : memref<64x128xf32, #tpu.memory_space<hbm>>) target_semaphore(%dma_start3A_818 : memref<!tpu.dma_semaphore, #tpu.memory_space<semaphore_mem>>)
      %lt3A_829 = arith.constant 9 : i32
      %lt3A_830 = arith.cmpi slt, %scan3A_446, %lt3A_829 : i32
      %convert_element_type3A_831 = arith.extui %lt3A_830 : i1 to i32
      %cond3A_832 = arith.constant 0 : i32
      %cond3A_833 = arith.cmpi ne, %convert_element_type3A_831, %cond3A_832 : i32
      scf.if %cond3A_833 {
        %jit3A_1765 = arith.constant 2 : i32
        %div3A_1766 = arith.divsi %add3A_704, %jit3A_1765 : i32
        %sign3A_1767 = arith.constant 0 : i32
        %sign3A_1768 = arith.cmpi sgt, %add3A_704, %sign3A_1767 : i32
        %sign3A_1769 = arith.extui %sign3A_1768 : i1 to i32
        %sign3A_1770 = arith.constant 0 : i32
        %sign3A_1771 = arith.cmpi slt, %add3A_704, %sign3A_1770 : i32
        %sign3A_1772 = arith.extui %sign3A_1771 : i1 to i32
        %sign3A_1773 = arith.subi %sign3A_1769, %sign3A_1772 : i32
        %sign3A_1774 = arith.constant 0 : i32
        %sign3A_1775 = arith.cmpi sgt, %jit3A_1765, %sign3A_1774 : i32
        %sign3A_1776 = arith.extui %sign3A_1775 : i1 to i32
        %sign3A_1777 = arith.constant 0 : i32
        %sign3A_1778 = arith.cmpi slt, %jit3A_1765, %sign3A_1777 : i32
        %sign3A_1779 = arith.extui %sign3A_1778 : i1 to i32
        %sign3A_1780 = arith.subi %sign3A_1776, %sign3A_1779 : i32
        %ne3A_1781 = arith.cmpi ne, %sign3A_1773, %sign3A_1780 : i32
        %rem3A_1782 = arith.remsi %add3A_704, %jit3A_1765 : i32
        %ne3A_1783 = arith.constant 0 : i32
        %ne3A_1784 = arith.cmpi ne, %rem3A_1782, %ne3A_1783 : i32
        %and3A_1785 = arith.andi %ne3A_1781, %ne3A_1784 : i1
        %sub3A_1786 = arith.constant 1 : i32
        %sub3A_1787 = arith.subi %div3A_1766, %sub3A_1786 : i32
        %select_n3A_1788 = arith.select %and3A_1785, %sub3A_1787, %div3A_1766 : i32
        %jit3A_1789 = arith.constant 2 : i32
        %eq3A_1790 = arith.constant 0 : i32
        %eq3A_1791 = arith.cmpi eq, %jit3A_1789, %eq3A_1790 : i32
        %jit3A_1792 = arith.constant 1 : i32
        %select_n3A_1793 = arith.select %eq3A_1791, %jit3A_1792, %jit3A_1789 : i32
        %rem3A_1794 = arith.remsi %add3A_704, %select_n3A_1793 : i32
        %ne3A_1795 = arith.constant 0 : i32
        %ne3A_1796 = arith.cmpi ne, %rem3A_1794, %ne3A_1795 : i32
        %lt3A_1797 = arith.constant 0 : i32
        %lt3A_1798 = arith.cmpi slt, %rem3A_1794, %lt3A_1797 : i32
        %lt3A_1799 = arith.constant 0 : i32
        %lt3A_1800 = arith.cmpi slt, %select_n3A_1793, %lt3A_1799 : i32
        %ne3A_1801 = arith.xori %lt3A_1798, %lt3A_1800 : i1
        %and3A_1802 = arith.andi %ne3A_1801, %ne3A_1796 : i1
        %add3A_1803 = arith.addi %rem3A_1794, %select_n3A_1793 : i32
        %select_n3A_1804 = arith.select %and3A_1802, %add3A_1803, %rem3A_1794 : i32
        %mul3A_1805 = arith.constant 64 : i32
        %mul3A_1806 = arith.muli %select_n3A_1804, %mul3A_1805 : i32
        %add3A_1807 = arith.addi %mul3A_2, %mul3A_1806 : i32
        %dma_wait3A_1808 = arith.constant 2 : i32
        %dma_wait3A_1809 = arith.constant 2 : i32
        %dma_wait3A_1810 = arith.constant 0 : i32
        %dma_wait3A_1811 = arith.constant 0 : i32
        %dma_wait3A_1812 = tpu.memref_slice %arg6[%dma_wait3A_1808, %dma_wait3A_1810, %dma_wait3A_1811] : memref<10x64x128xf32, #tpu.memory_space<vmem>> -> memref<1x64x128xf32, #tpu.memory_space<vmem>>
        %dma_wait3A_1813 = tpu.memref_squeeze %dma_wait3A_1812 : memref<1x64x128xf32, #tpu.memory_space<vmem>> -> memref<64x128xf32, #tpu.memory_space<vmem>>
        %dma_wait3A_1814 = arith.constant 0 : i32
        %dma_wait3A_1815 = arith.constant 0 : i32
        %dma_wait3A_1816 = tpu.memref_slice %arg4[%select_n3A_1788, %dma_wait3A_1814, %dma_wait3A_1815] : memref<50x4096x128xf32, #tpu.memory_space<hbm>> -> memref<1x4096x128xf32, #tpu.memory_space<hbm>>
        %dma_wait3A_1817 = tpu.memref_squeeze %dma_wait3A_1816 : memref<1x4096x128xf32, #tpu.memory_space<hbm>> -> memref<4096x128xf32, #tpu.memory_space<hbm>>
        %dma_wait3A_1818 = arith.constant 0 : i32
        %dma_wait3A_1819 = tpu.memref_slice %dma_wait3A_1817[%add3A_1807, %dma_wait3A_1818] : memref<4096x128xf32, #tpu.memory_space<hbm>> -> memref<64x128xf32, #tpu.memory_space<hbm>>
        %dma_wait3A_1820 = tpu.memref_slice %arg8[%dma_wait3A_1809] : memref<10x!tpu.dma_semaphore, #tpu.memory_space<semaphore_mem>> -> memref<1x!tpu.dma_semaphore, #tpu.memory_space<semaphore_mem>>
        %dma_wait3A_1821 = tpu.memref_squeeze %dma_wait3A_1820 : memref<1x!tpu.dma_semaphore, #tpu.memory_space<semaphore_mem>> -> memref<!tpu.dma_semaphore, #tpu.memory_space<semaphore_mem>>
        %dma_wait3A_1822 = arith.constant 0 : i32
        %dma_wait3A_1823 = arith.constant 0 : i32
        %dma_wait3A_1824 = tpu.memref_slice %arg4[%select_n3A_1788, %dma_wait3A_1822, %dma_wait3A_1823] : memref<50x4096x128xf32, #tpu.memory_space<hbm>> -> memref<1x4096x128xf32, #tpu.memory_space<hbm>>
        %dma_wait3A_1825 = tpu.memref_squeeze %dma_wait3A_1824 : memref<1x4096x128xf32, #tpu.memory_space<hbm>> -> memref<4096x128xf32, #tpu.memory_space<hbm>>
        %dma_wait3A_1826 = arith.constant 0 : i32
        %dma_wait3A_1827 = tpu.memref_slice %dma_wait3A_1825[%add3A_1807, %dma_wait3A_1826] : memref<4096x128xf32, #tpu.memory_space<hbm>> -> memref<64x128xf32, #tpu.memory_space<hbm>>
        %dma_wait3A_1828 = arith.constant 0 : i32
        %dma_wait3A_1829 = arith.constant 0 : i32
        %dma_wait3A_1830 = tpu.memref_slice %arg6[%dma_wait3A_1808, %dma_wait3A_1828, %dma_wait3A_1829] : memref<10x64x128xf32, #tpu.memory_space<vmem>> -> memref<1x64x128xf32, #tpu.memory_space<vmem>>
        %dma_wait3A_1831 = tpu.memref_squeeze %dma_wait3A_1830 : memref<1x64x128xf32, #tpu.memory_space<vmem>> -> memref<64x128xf32, #tpu.memory_space<vmem>>
        tpu.wait_dma2 semaphore(%dma_wait3A_1821 : memref<!tpu.dma_semaphore, #tpu.memory_space<semaphore_mem>>) src(%dma_wait3A_1831 : memref<64x128xf32, #tpu.memory_space<vmem>>) dst(%dma_wait3A_1827 : memref<64x128xf32, #tpu.memory_space<hbm>>)
        %add3A_1832 = arith.constant 10 : i32
        %add3A_1833 = arith.addi %add3A_704, %add3A_1832 : i32
        %jit3A_1834 = arith.constant 2 : i32
        %div3A_1835 = arith.divsi %add3A_1833, %jit3A_1834 : i32
        %sign3A_1836 = arith.constant 0 : i32
        %sign3A_1837 = arith.cmpi sgt, %add3A_1833, %sign3A_1836 : i32
        %sign3A_1838 = arith.extui %sign3A_1837 : i1 to i32
        %sign3A_1839 = arith.constant 0 : i32
        %sign3A_1840 = arith.cmpi slt, %add3A_1833, %sign3A_1839 : i32
        %sign3A_1841 = arith.extui %sign3A_1840 : i1 to i32
        %sign3A_1842 = arith.subi %sign3A_1838, %sign3A_1841 : i32
        %sign3A_1843 = arith.constant 0 : i32
        %sign3A_1844 = arith.cmpi sgt, %jit3A_1834, %sign3A_1843 : i32
        %sign3A_1845 = arith.extui %sign3A_1844 : i1 to i32
        %sign3A_1846 = arith.constant 0 : i32
        %sign3A_1847 = arith.cmpi slt, %jit3A_1834, %sign3A_1846 : i32
        %sign3A_1848 = arith.extui %sign3A_1847 : i1 to i32
        %sign3A_1849 = arith.subi %sign3A_1845, %sign3A_1848 : i32
        %ne3A_1850 = arith.cmpi ne, %sign3A_1842, %sign3A_1849 : i32
        %rem3A_1851 = arith.remsi %add3A_1833, %jit3A_1834 : i32
        %ne3A_1852 = arith.constant 0 : i32
        %ne3A_1853 = arith.cmpi ne, %rem3A_1851, %ne3A_1852 : i32
        %and3A_1854 = arith.andi %ne3A_1850, %ne3A_1853 : i1
        %sub3A_1855 = arith.constant 1 : i32
        %sub3A_1856 = arith.subi %div3A_1835, %sub3A_1855 : i32
        %select_n3A_1857 = arith.select %and3A_1854, %sub3A_1856, %div3A_1835 : i32
        %jit3A_1858 = arith.constant 2 : i32
        %eq3A_1859 = arith.constant 0 : i32
        %eq3A_1860 = arith.cmpi eq, %jit3A_1858, %eq3A_1859 : i32
        %jit3A_1861 = arith.constant 1 : i32
        %select_n3A_1862 = arith.select %eq3A_1860, %jit3A_1861, %jit3A_1858 : i32
        %rem3A_1863 = arith.remsi %add3A_1833, %select_n3A_1862 : i32
        %ne3A_1864 = arith.constant 0 : i32
        %ne3A_1865 = arith.cmpi ne, %rem3A_1863, %ne3A_1864 : i32
        %lt3A_1866 = arith.constant 0 : i32
        %lt3A_1867 = arith.cmpi slt, %rem3A_1863, %lt3A_1866 : i32
        %lt3A_1868 = arith.constant 0 : i32
        %lt3A_1869 = arith.cmpi slt, %select_n3A_1862, %lt3A_1868 : i32
        %ne3A_1870 = arith.xori %lt3A_1867, %lt3A_1869 : i1
        %and3A_1871 = arith.andi %ne3A_1870, %ne3A_1865 : i1
        %add3A_1872 = arith.addi %rem3A_1863, %select_n3A_1862 : i32
        %select_n3A_1873 = arith.select %and3A_1871, %add3A_1872, %rem3A_1863 : i32
        %mul3A_1874 = arith.constant 64 : i32
        %mul3A_1875 = arith.muli %select_n3A_1873, %mul3A_1874 : i32
        %dma_start3A_1876 = arith.constant 2 : i32
        %dma_start3A_1877 = arith.constant 2 : i32
        %dma_start3A_1878 = arith.constant 0 : i32
        %dma_start3A_1879 = arith.constant 0 : i32
        %dma_start3A_1880 = tpu.memref_slice %arg6[%dma_start3A_1876, %dma_start3A_1878, %dma_start3A_1879] : memref<10x64x128xf32, #tpu.memory_space<vmem>> -> memref<1x64x128xf32, #tpu.memory_space<vmem>>
        %dma_start3A_1881 = tpu.memref_squeeze %dma_start3A_1880 : memref<1x64x128xf32, #tpu.memory_space<vmem>> -> memref<64x128xf32, #tpu.memory_space<vmem>>
        %dma_start3A_1882 = arith.constant 0 : i32
        %dma_start3A_1883 = tpu.memref_slice %arg5[%select_n3A_1857, %dma_start3A_1882] : memref<50x128xi32, #tpu.memory_space<vmem>> -> memref<1x128xi32, #tpu.memory_space<vmem>>
        %dma_start3A_1884 = tpu.memref_squeeze %dma_start3A_1883 : memref<1x128xi32, #tpu.memory_space<vmem>> -> memref<128xi32, #tpu.memory_space<vmem>>
        %dma_start3A_1885 = tpu.memref_slice %dma_start3A_1884[%mul3A_1875] : memref<128xi32, #tpu.memory_space<vmem>> -> memref<64xi32, #tpu.memory_space<vmem>>
        %dma_start3A_1886 = arith.constant 0 : i32
        %dma_start3A_1887 = arith.constant 0 : i32
        %dma_start3A_1888 = tpu.memref_slice %arg2[%dma_start3A_1886, %dma_start3A_1887] : memref<100000x128xf32, #tpu.memory_space<hbm>> -> memref<100000x128xf32, #tpu.memory_space<hbm>>
        %dma_start3A_1889 = tpu.memref_slice %arg7[%dma_start3A_1877] : memref<10x!tpu.dma_semaphore, #tpu.memory_space<semaphore_mem>> -> memref<1x!tpu.dma_semaphore, #tpu.memory_space<semaphore_mem>>
        %dma_start3A_1890 = tpu.memref_squeeze %dma_start3A_1889 : memref<1x!tpu.dma_semaphore, #tpu.memory_space<semaphore_mem>> -> memref<!tpu.dma_semaphore, #tpu.memory_space<semaphore_mem>>
        tpu.enqueue_indirect_dma source(%dma_start3A_1888 : memref<100000x128xf32, #tpu.memory_space<hbm>>) target(%dma_start3A_1881 : memref<64x128xf32, #tpu.memory_space<vmem>>) offsets(%dma_start3A_1885 : memref<64xi32, #tpu.memory_space<vmem>>) semaphore(%dma_start3A_1890 : memref<!tpu.dma_semaphore, #tpu.memory_space<semaphore_mem>>)
      } else {
      }
      %mul3A_834 = arith.constant 10 : i32
      %mul3A_835 = arith.muli %scan3A_446, %mul3A_834 : i32
      %add3A_836 = arith.constant 3 : i32
      %add3A_837 = arith.addi %mul3A_835, %add3A_836 : i32
      %jit3A_838 = arith.constant 2 : i32
      %div3A_839 = arith.divsi %add3A_837, %jit3A_838 : i32
      %sign3A_840 = arith.constant 0 : i32
      %sign3A_841 = arith.cmpi sgt, %add3A_837, %sign3A_840 : i32
      %sign3A_842 = arith.extui %sign3A_841 : i1 to i32
      %sign3A_843 = arith.constant 0 : i32
      %sign3A_844 = arith.cmpi slt, %add3A_837, %sign3A_843 : i32
      %sign3A_845 = arith.extui %sign3A_844 : i1 to i32
      %sign3A_846 = arith.subi %sign3A_842, %sign3A_845 : i32
      %sign3A_847 = arith.constant 0 : i32
      %sign3A_848 = arith.cmpi sgt, %jit3A_838, %sign3A_847 : i32
      %sign3A_849 = arith.extui %sign3A_848 : i1 to i32
      %sign3A_850 = arith.constant 0 : i32
      %sign3A_851 = arith.cmpi slt, %jit3A_838, %sign3A_850 : i32
      %sign3A_852 = arith.extui %sign3A_851 : i1 to i32
      %sign3A_853 = arith.subi %sign3A_849, %sign3A_852 : i32
      %ne3A_854 = arith.cmpi ne, %sign3A_846, %sign3A_853 : i32
      %rem3A_855 = arith.remsi %add3A_837, %jit3A_838 : i32
      %ne3A_856 = arith.constant 0 : i32
      %ne3A_857 = arith.cmpi ne, %rem3A_855, %ne3A_856 : i32
      %and3A_858 = arith.andi %ne3A_854, %ne3A_857 : i1
      %sub3A_859 = arith.constant 1 : i32
      %sub3A_860 = arith.subi %div3A_839, %sub3A_859 : i32
      %select_n3A_861 = arith.select %and3A_858, %sub3A_860, %div3A_839 : i32
      %jit3A_862 = arith.constant 2 : i32
      %eq3A_863 = arith.constant 0 : i32
      %eq3A_864 = arith.cmpi eq, %jit3A_862, %eq3A_863 : i32
      %jit3A_865 = arith.constant 1 : i32
      %select_n3A_866 = arith.select %eq3A_864, %jit3A_865, %jit3A_862 : i32
      %rem3A_867 = arith.remsi %add3A_837, %select_n3A_866 : i32
      %ne3A_868 = arith.constant 0 : i32
      %ne3A_869 = arith.cmpi ne, %rem3A_867, %ne3A_868 : i32
      %lt3A_870 = arith.constant 0 : i32
      %lt3A_871 = arith.cmpi slt, %rem3A_867, %lt3A_870 : i32
      %lt3A_872 = arith.constant 0 : i32
      %lt3A_873 = arith.cmpi slt, %select_n3A_866, %lt3A_872 : i32
      %ne3A_874 = arith.xori %lt3A_871, %lt3A_873 : i1
      %and3A_875 = arith.andi %ne3A_874, %ne3A_869 : i1
      %add3A_876 = arith.addi %rem3A_867, %select_n3A_866 : i32
      %select_n3A_877 = arith.select %and3A_875, %add3A_876, %rem3A_867 : i32
      %mul3A_878 = arith.constant 64 : i32
      %mul3A_879 = arith.muli %select_n3A_877, %mul3A_878 : i32
      %dma_wait3A_880 = arith.constant 3 : i32
      %dma_wait3A_881 = arith.constant 3 : i32
      %dma_wait3A_882 = arith.constant 0 : i32
      %dma_wait3A_883 = arith.constant 0 : i32
      %dma_wait3A_884 = tpu.memref_slice %arg6[%dma_wait3A_880, %dma_wait3A_882, %dma_wait3A_883] : memref<10x64x128xf32, #tpu.memory_space<vmem>> -> memref<1x64x128xf32, #tpu.memory_space<vmem>>
      %dma_wait3A_885 = tpu.memref_squeeze %dma_wait3A_884 : memref<1x64x128xf32, #tpu.memory_space<vmem>> -> memref<64x128xf32, #tpu.memory_space<vmem>>
      %dma_wait3A_886 = arith.constant 0 : i32
      %dma_wait3A_887 = tpu.memref_slice %arg5[%select_n3A_861, %dma_wait3A_886] : memref<50x128xi32, #tpu.memory_space<vmem>> -> memref<1x128xi32, #tpu.memory_space<vmem>>
      %dma_wait3A_888 = tpu.memref_squeeze %dma_wait3A_887 : memref<1x128xi32, #tpu.memory_space<vmem>> -> memref<128xi32, #tpu.memory_space<vmem>>
      %dma_wait3A_889 = tpu.memref_slice %dma_wait3A_888[%mul3A_879] : memref<128xi32, #tpu.memory_space<vmem>> -> memref<64xi32, #tpu.memory_space<vmem>>
      %dma_wait3A_890 = arith.constant 0 : i32
      %dma_wait3A_891 = arith.constant 0 : i32
      %dma_wait3A_892 = tpu.memref_slice %arg2[%dma_wait3A_890, %dma_wait3A_891] : memref<100000x128xf32, #tpu.memory_space<hbm>> -> memref<100000x128xf32, #tpu.memory_space<hbm>>
      %dma_wait3A_893 = tpu.memref_slice %arg7[%dma_wait3A_881] : memref<10x!tpu.dma_semaphore, #tpu.memory_space<semaphore_mem>> -> memref<1x!tpu.dma_semaphore, #tpu.memory_space<semaphore_mem>>
      %dma_wait3A_894 = tpu.memref_squeeze %dma_wait3A_893 : memref<1x!tpu.dma_semaphore, #tpu.memory_space<semaphore_mem>> -> memref<!tpu.dma_semaphore, #tpu.memory_space<semaphore_mem>>
      tpu.wait_indirect_dma semaphore(%dma_wait3A_894 : memref<!tpu.dma_semaphore, #tpu.memory_space<semaphore_mem>>) src(%dma_wait3A_892 : memref<100000x128xf32, #tpu.memory_space<hbm>>) dst(%dma_wait3A_885 : memref<64x128xf32, #tpu.memory_space<vmem>>)
      %jit3A_895 = arith.constant 2 : i32
      %div3A_896 = arith.divsi %add3A_837, %jit3A_895 : i32
      %sign3A_897 = arith.constant 0 : i32
      %sign3A_898 = arith.cmpi sgt, %add3A_837, %sign3A_897 : i32
      %sign3A_899 = arith.extui %sign3A_898 : i1 to i32
      %sign3A_900 = arith.constant 0 : i32
      %sign3A_901 = arith.cmpi slt, %add3A_837, %sign3A_900 : i32
      %sign3A_902 = arith.extui %sign3A_901 : i1 to i32
      %sign3A_903 = arith.subi %sign3A_899, %sign3A_902 : i32
      %sign3A_904 = arith.constant 0 : i32
      %sign3A_905 = arith.cmpi sgt, %jit3A_895, %sign3A_904 : i32
      %sign3A_906 = arith.extui %sign3A_905 : i1 to i32
      %sign3A_907 = arith.constant 0 : i32
      %sign3A_908 = arith.cmpi slt, %jit3A_895, %sign3A_907 : i32
      %sign3A_909 = arith.extui %sign3A_908 : i1 to i32
      %sign3A_910 = arith.subi %sign3A_906, %sign3A_909 : i32
      %ne3A_911 = arith.cmpi ne, %sign3A_903, %sign3A_910 : i32
      %rem3A_912 = arith.remsi %add3A_837, %jit3A_895 : i32
      %ne3A_913 = arith.constant 0 : i32
      %ne3A_914 = arith.cmpi ne, %rem3A_912, %ne3A_913 : i32
      %and3A_915 = arith.andi %ne3A_911, %ne3A_914 : i1
      %sub3A_916 = arith.constant 1 : i32
      %sub3A_917 = arith.subi %div3A_896, %sub3A_916 : i32
      %select_n3A_918 = arith.select %and3A_915, %sub3A_917, %div3A_896 : i32
      %jit3A_919 = arith.constant 2 : i32
      %eq3A_920 = arith.constant 0 : i32
      %eq3A_921 = arith.cmpi eq, %jit3A_919, %eq3A_920 : i32
      %jit3A_922 = arith.constant 1 : i32
      %select_n3A_923 = arith.select %eq3A_921, %jit3A_922, %jit3A_919 : i32
      %rem3A_924 = arith.remsi %add3A_837, %select_n3A_923 : i32
      %ne3A_925 = arith.constant 0 : i32
      %ne3A_926 = arith.cmpi ne, %rem3A_924, %ne3A_925 : i32
      %lt3A_927 = arith.constant 0 : i32
      %lt3A_928 = arith.cmpi slt, %rem3A_924, %lt3A_927 : i32
      %lt3A_929 = arith.constant 0 : i32
      %lt3A_930 = arith.cmpi slt, %select_n3A_923, %lt3A_929 : i32
      %ne3A_931 = arith.xori %lt3A_928, %lt3A_930 : i1
      %and3A_932 = arith.andi %ne3A_931, %ne3A_926 : i1
      %add3A_933 = arith.addi %rem3A_924, %select_n3A_923 : i32
      %select_n3A_934 = arith.select %and3A_932, %add3A_933, %rem3A_924 : i32
      %mul3A_935 = arith.constant 64 : i32
      %mul3A_936 = arith.muli %select_n3A_934, %mul3A_935 : i32
      %add3A_937 = arith.addi %mul3A_2, %mul3A_936 : i32
      %dma_start3A_938 = arith.constant 3 : i32
      %dma_start3A_939 = arith.constant 3 : i32
      %dma_start3A_940 = arith.constant 0 : i32
      %dma_start3A_941 = arith.constant 0 : i32
      %dma_start3A_942 = tpu.memref_slice %arg6[%dma_start3A_938, %dma_start3A_940, %dma_start3A_941] : memref<10x64x128xf32, #tpu.memory_space<vmem>> -> memref<1x64x128xf32, #tpu.memory_space<vmem>>
      %dma_start3A_943 = tpu.memref_squeeze %dma_start3A_942 : memref<1x64x128xf32, #tpu.memory_space<vmem>> -> memref<64x128xf32, #tpu.memory_space<vmem>>
      %dma_start3A_944 = arith.constant 0 : i32
      %dma_start3A_945 = arith.constant 0 : i32
      %dma_start3A_946 = tpu.memref_slice %arg4[%select_n3A_918, %dma_start3A_944, %dma_start3A_945] : memref<50x4096x128xf32, #tpu.memory_space<hbm>> -> memref<1x4096x128xf32, #tpu.memory_space<hbm>>
      %dma_start3A_947 = tpu.memref_squeeze %dma_start3A_946 : memref<1x4096x128xf32, #tpu.memory_space<hbm>> -> memref<4096x128xf32, #tpu.memory_space<hbm>>
      %dma_start3A_948 = arith.constant 0 : i32
      %dma_start3A_949 = tpu.memref_slice %dma_start3A_947[%add3A_937, %dma_start3A_948] : memref<4096x128xf32, #tpu.memory_space<hbm>> -> memref<64x128xf32, #tpu.memory_space<hbm>>
      %dma_start3A_950 = tpu.memref_slice %arg8[%dma_start3A_939] : memref<10x!tpu.dma_semaphore, #tpu.memory_space<semaphore_mem>> -> memref<1x!tpu.dma_semaphore, #tpu.memory_space<semaphore_mem>>
      %dma_start3A_951 = tpu.memref_squeeze %dma_start3A_950 : memref<1x!tpu.dma_semaphore, #tpu.memory_space<semaphore_mem>> -> memref<!tpu.dma_semaphore, #tpu.memory_space<semaphore_mem>>
      %dma_start3A_952 = arith.constant 0 : i32
      %dma_start3A_953 = arith.constant 0 : i32
      %dma_start3A_954 = tpu.memref_slice %arg4[%select_n3A_918, %dma_start3A_952, %dma_start3A_953] : memref<50x4096x128xf32, #tpu.memory_space<hbm>> -> memref<1x4096x128xf32, #tpu.memory_space<hbm>>
      %dma_start3A_955 = tpu.memref_squeeze %dma_start3A_954 : memref<1x4096x128xf32, #tpu.memory_space<hbm>> -> memref<4096x128xf32, #tpu.memory_space<hbm>>
      %dma_start3A_956 = arith.constant 0 : i32
      %dma_start3A_957 = tpu.memref_slice %dma_start3A_955[%add3A_937, %dma_start3A_956] : memref<4096x128xf32, #tpu.memory_space<hbm>> -> memref<64x128xf32, #tpu.memory_space<hbm>>
      %dma_start3A_958 = arith.constant 0 : i32
      %dma_start3A_959 = arith.constant 0 : i32
      %dma_start3A_960 = tpu.memref_slice %arg6[%dma_start3A_938, %dma_start3A_958, %dma_start3A_959] : memref<10x64x128xf32, #tpu.memory_space<vmem>> -> memref<1x64x128xf32, #tpu.memory_space<vmem>>
      %dma_start3A_961 = tpu.memref_squeeze %dma_start3A_960 : memref<1x64x128xf32, #tpu.memory_space<vmem>> -> memref<64x128xf32, #tpu.memory_space<vmem>>
      tpu.enqueue_dma source(%dma_start3A_961 : memref<64x128xf32, #tpu.memory_space<vmem>>) target(%dma_start3A_957 : memref<64x128xf32, #tpu.memory_space<hbm>>) target_semaphore(%dma_start3A_951 : memref<!tpu.dma_semaphore, #tpu.memory_space<semaphore_mem>>)
      %lt3A_962 = arith.constant 9 : i32
      %lt3A_963 = arith.cmpi slt, %scan3A_446, %lt3A_962 : i32
      %convert_element_type3A_964 = arith.extui %lt3A_963 : i1 to i32
      %cond3A_965 = arith.constant 0 : i32
      %cond3A_966 = arith.cmpi ne, %convert_element_type3A_964, %cond3A_965 : i32
      scf.if %cond3A_966 {
        %jit3A_1765 = arith.constant 2 : i32
        %div3A_1766 = arith.divsi %add3A_837, %jit3A_1765 : i32
        %sign3A_1767 = arith.constant 0 : i32
        %sign3A_1768 = arith.cmpi sgt, %add3A_837, %sign3A_1767 : i32
        %sign3A_1769 = arith.extui %sign3A_1768 : i1 to i32
        %sign3A_1770 = arith.constant 0 : i32
        %sign3A_1771 = arith.cmpi slt, %add3A_837, %sign3A_1770 : i32
        %sign3A_1772 = arith.extui %sign3A_1771 : i1 to i32
        %sign3A_1773 = arith.subi %sign3A_1769, %sign3A_1772 : i32
        %sign3A_1774 = arith.constant 0 : i32
        %sign3A_1775 = arith.cmpi sgt, %jit3A_1765, %sign3A_1774 : i32
        %sign3A_1776 = arith.extui %sign3A_1775 : i1 to i32
        %sign3A_1777 = arith.constant 0 : i32
        %sign3A_1778 = arith.cmpi slt, %jit3A_1765, %sign3A_1777 : i32
        %sign3A_1779 = arith.extui %sign3A_1778 : i1 to i32
        %sign3A_1780 = arith.subi %sign3A_1776, %sign3A_1779 : i32
        %ne3A_1781 = arith.cmpi ne, %sign3A_1773, %sign3A_1780 : i32
        %rem3A_1782 = arith.remsi %add3A_837, %jit3A_1765 : i32
        %ne3A_1783 = arith.constant 0 : i32
        %ne3A_1784 = arith.cmpi ne, %rem3A_1782, %ne3A_1783 : i32
        %and3A_1785 = arith.andi %ne3A_1781, %ne3A_1784 : i1
        %sub3A_1786 = arith.constant 1 : i32
        %sub3A_1787 = arith.subi %div3A_1766, %sub3A_1786 : i32
        %select_n3A_1788 = arith.select %and3A_1785, %sub3A_1787, %div3A_1766 : i32
        %jit3A_1789 = arith.constant 2 : i32
        %eq3A_1790 = arith.constant 0 : i32
        %eq3A_1791 = arith.cmpi eq, %jit3A_1789, %eq3A_1790 : i32
        %jit3A_1792 = arith.constant 1 : i32
        %select_n3A_1793 = arith.select %eq3A_1791, %jit3A_1792, %jit3A_1789 : i32
        %rem3A_1794 = arith.remsi %add3A_837, %select_n3A_1793 : i32
        %ne3A_1795 = arith.constant 0 : i32
        %ne3A_1796 = arith.cmpi ne, %rem3A_1794, %ne3A_1795 : i32
        %lt3A_1797 = arith.constant 0 : i32
        %lt3A_1798 = arith.cmpi slt, %rem3A_1794, %lt3A_1797 : i32
        %lt3A_1799 = arith.constant 0 : i32
        %lt3A_1800 = arith.cmpi slt, %select_n3A_1793, %lt3A_1799 : i32
        %ne3A_1801 = arith.xori %lt3A_1798, %lt3A_1800 : i1
        %and3A_1802 = arith.andi %ne3A_1801, %ne3A_1796 : i1
        %add3A_1803 = arith.addi %rem3A_1794, %select_n3A_1793 : i32
        %select_n3A_1804 = arith.select %and3A_1802, %add3A_1803, %rem3A_1794 : i32
        %mul3A_1805 = arith.constant 64 : i32
        %mul3A_1806 = arith.muli %select_n3A_1804, %mul3A_1805 : i32
        %add3A_1807 = arith.addi %mul3A_2, %mul3A_1806 : i32
        %dma_wait3A_1808 = arith.constant 3 : i32
        %dma_wait3A_1809 = arith.constant 3 : i32
        %dma_wait3A_1810 = arith.constant 0 : i32
        %dma_wait3A_1811 = arith.constant 0 : i32
        %dma_wait3A_1812 = tpu.memref_slice %arg6[%dma_wait3A_1808, %dma_wait3A_1810, %dma_wait3A_1811] : memref<10x64x128xf32, #tpu.memory_space<vmem>> -> memref<1x64x128xf32, #tpu.memory_space<vmem>>
        %dma_wait3A_1813 = tpu.memref_squeeze %dma_wait3A_1812 : memref<1x64x128xf32, #tpu.memory_space<vmem>> -> memref<64x128xf32, #tpu.memory_space<vmem>>
        %dma_wait3A_1814 = arith.constant 0 : i32
        %dma_wait3A_1815 = arith.constant 0 : i32
        %dma_wait3A_1816 = tpu.memref_slice %arg4[%select_n3A_1788, %dma_wait3A_1814, %dma_wait3A_1815] : memref<50x4096x128xf32, #tpu.memory_space<hbm>> -> memref<1x4096x128xf32, #tpu.memory_space<hbm>>
        %dma_wait3A_1817 = tpu.memref_squeeze %dma_wait3A_1816 : memref<1x4096x128xf32, #tpu.memory_space<hbm>> -> memref<4096x128xf32, #tpu.memory_space<hbm>>
        %dma_wait3A_1818 = arith.constant 0 : i32
        %dma_wait3A_1819 = tpu.memref_slice %dma_wait3A_1817[%add3A_1807, %dma_wait3A_1818] : memref<4096x128xf32, #tpu.memory_space<hbm>> -> memref<64x128xf32, #tpu.memory_space<hbm>>
        %dma_wait3A_1820 = tpu.memref_slice %arg8[%dma_wait3A_1809] : memref<10x!tpu.dma_semaphore, #tpu.memory_space<semaphore_mem>> -> memref<1x!tpu.dma_semaphore, #tpu.memory_space<semaphore_mem>>
        %dma_wait3A_1821 = tpu.memref_squeeze %dma_wait3A_1820 : memref<1x!tpu.dma_semaphore, #tpu.memory_space<semaphore_mem>> -> memref<!tpu.dma_semaphore, #tpu.memory_space<semaphore_mem>>
        %dma_wait3A_1822 = arith.constant 0 : i32
        %dma_wait3A_1823 = arith.constant 0 : i32
        %dma_wait3A_1824 = tpu.memref_slice %arg4[%select_n3A_1788, %dma_wait3A_1822, %dma_wait3A_1823] : memref<50x4096x128xf32, #tpu.memory_space<hbm>> -> memref<1x4096x128xf32, #tpu.memory_space<hbm>>
        %dma_wait3A_1825 = tpu.memref_squeeze %dma_wait3A_1824 : memref<1x4096x128xf32, #tpu.memory_space<hbm>> -> memref<4096x128xf32, #tpu.memory_space<hbm>>
        %dma_wait3A_1826 = arith.constant 0 : i32
        %dma_wait3A_1827 = tpu.memref_slice %dma_wait3A_1825[%add3A_1807, %dma_wait3A_1826] : memref<4096x128xf32, #tpu.memory_space<hbm>> -> memref<64x128xf32, #tpu.memory_space<hbm>>
        %dma_wait3A_1828 = arith.constant 0 : i32
        %dma_wait3A_1829 = arith.constant 0 : i32
        %dma_wait3A_1830 = tpu.memref_slice %arg6[%dma_wait3A_1808, %dma_wait3A_1828, %dma_wait3A_1829] : memref<10x64x128xf32, #tpu.memory_space<vmem>> -> memref<1x64x128xf32, #tpu.memory_space<vmem>>
        %dma_wait3A_1831 = tpu.memref_squeeze %dma_wait3A_1830 : memref<1x64x128xf32, #tpu.memory_space<vmem>> -> memref<64x128xf32, #tpu.memory_space<vmem>>
        tpu.wait_dma2 semaphore(%dma_wait3A_1821 : memref<!tpu.dma_semaphore, #tpu.memory_space<semaphore_mem>>) src(%dma_wait3A_1831 : memref<64x128xf32, #tpu.memory_space<vmem>>) dst(%dma_wait3A_1827 : memref<64x128xf32, #tpu.memory_space<hbm>>)
        %add3A_1832 = arith.constant 10 : i32
        %add3A_1833 = arith.addi %add3A_837, %add3A_1832 : i32
        %jit3A_1834 = arith.constant 2 : i32
        %div3A_1835 = arith.divsi %add3A_1833, %jit3A_1834 : i32
        %sign3A_1836 = arith.constant 0 : i32
        %sign3A_1837 = arith.cmpi sgt, %add3A_1833, %sign3A_1836 : i32
        %sign3A_1838 = arith.extui %sign3A_1837 : i1 to i32
        %sign3A_1839 = arith.constant 0 : i32
        %sign3A_1840 = arith.cmpi slt, %add3A_1833, %sign3A_1839 : i32
        %sign3A_1841 = arith.extui %sign3A_1840 : i1 to i32
        %sign3A_1842 = arith.subi %sign3A_1838, %sign3A_1841 : i32
        %sign3A_1843 = arith.constant 0 : i32
        %sign3A_1844 = arith.cmpi sgt, %jit3A_1834, %sign3A_1843 : i32
        %sign3A_1845 = arith.extui %sign3A_1844 : i1 to i32
        %sign3A_1846 = arith.constant 0 : i32
        %sign3A_1847 = arith.cmpi slt, %jit3A_1834, %sign3A_1846 : i32
        %sign3A_1848 = arith.extui %sign3A_1847 : i1 to i32
        %sign3A_1849 = arith.subi %sign3A_1845, %sign3A_1848 : i32
        %ne3A_1850 = arith.cmpi ne, %sign3A_1842, %sign3A_1849 : i32
        %rem3A_1851 = arith.remsi %add3A_1833, %jit3A_1834 : i32
        %ne3A_1852 = arith.constant 0 : i32
        %ne3A_1853 = arith.cmpi ne, %rem3A_1851, %ne3A_1852 : i32
        %and3A_1854 = arith.andi %ne3A_1850, %ne3A_1853 : i1
        %sub3A_1855 = arith.constant 1 : i32
        %sub3A_1856 = arith.subi %div3A_1835, %sub3A_1855 : i32
        %select_n3A_1857 = arith.select %and3A_1854, %sub3A_1856, %div3A_1835 : i32
        %jit3A_1858 = arith.constant 2 : i32
        %eq3A_1859 = arith.constant 0 : i32
        %eq3A_1860 = arith.cmpi eq, %jit3A_1858, %eq3A_1859 : i32
        %jit3A_1861 = arith.constant 1 : i32
        %select_n3A_1862 = arith.select %eq3A_1860, %jit3A_1861, %jit3A_1858 : i32
        %rem3A_1863 = arith.remsi %add3A_1833, %select_n3A_1862 : i32
        %ne3A_1864 = arith.constant 0 : i32
        %ne3A_1865 = arith.cmpi ne, %rem3A_1863, %ne3A_1864 : i32
        %lt3A_1866 = arith.constant 0 : i32
        %lt3A_1867 = arith.cmpi slt, %rem3A_1863, %lt3A_1866 : i32
        %lt3A_1868 = arith.constant 0 : i32
        %lt3A_1869 = arith.cmpi slt, %select_n3A_1862, %lt3A_1868 : i32
        %ne3A_1870 = arith.xori %lt3A_1867, %lt3A_1869 : i1
        %and3A_1871 = arith.andi %ne3A_1870, %ne3A_1865 : i1
        %add3A_1872 = arith.addi %rem3A_1863, %select_n3A_1862 : i32
        %select_n3A_1873 = arith.select %and3A_1871, %add3A_1872, %rem3A_1863 : i32
        %mul3A_1874 = arith.constant 64 : i32
        %mul3A_1875 = arith.muli %select_n3A_1873, %mul3A_1874 : i32
        %dma_start3A_1876 = arith.constant 3 : i32
        %dma_start3A_1877 = arith.constant 3 : i32
        %dma_start3A_1878 = arith.constant 0 : i32
        %dma_start3A_1879 = arith.constant 0 : i32
        %dma_start3A_1880 = tpu.memref_slice %arg6[%dma_start3A_1876, %dma_start3A_1878, %dma_start3A_1879] : memref<10x64x128xf32, #tpu.memory_space<vmem>> -> memref<1x64x128xf32, #tpu.memory_space<vmem>>
        %dma_start3A_1881 = tpu.memref_squeeze %dma_start3A_1880 : memref<1x64x128xf32, #tpu.memory_space<vmem>> -> memref<64x128xf32, #tpu.memory_space<vmem>>
        %dma_start3A_1882 = arith.constant 0 : i32
        %dma_start3A_1883 = tpu.memref_slice %arg5[%select_n3A_1857, %dma_start3A_1882] : memref<50x128xi32, #tpu.memory_space<vmem>> -> memref<1x128xi32, #tpu.memory_space<vmem>>
        %dma_start3A_1884 = tpu.memref_squeeze %dma_start3A_1883 : memref<1x128xi32, #tpu.memory_space<vmem>> -> memref<128xi32, #tpu.memory_space<vmem>>
        %dma_start3A_1885 = tpu.memref_slice %dma_start3A_1884[%mul3A_1875] : memref<128xi32, #tpu.memory_space<vmem>> -> memref<64xi32, #tpu.memory_space<vmem>>
        %dma_start3A_1886 = arith.constant 0 : i32
        %dma_start3A_1887 = arith.constant 0 : i32
        %dma_start3A_1888 = tpu.memref_slice %arg2[%dma_start3A_1886, %dma_start3A_1887] : memref<100000x128xf32, #tpu.memory_space<hbm>> -> memref<100000x128xf32, #tpu.memory_space<hbm>>
        %dma_start3A_1889 = tpu.memref_slice %arg7[%dma_start3A_1877] : memref<10x!tpu.dma_semaphore, #tpu.memory_space<semaphore_mem>> -> memref<1x!tpu.dma_semaphore, #tpu.memory_space<semaphore_mem>>
        %dma_start3A_1890 = tpu.memref_squeeze %dma_start3A_1889 : memref<1x!tpu.dma_semaphore, #tpu.memory_space<semaphore_mem>> -> memref<!tpu.dma_semaphore, #tpu.memory_space<semaphore_mem>>
        tpu.enqueue_indirect_dma source(%dma_start3A_1888 : memref<100000x128xf32, #tpu.memory_space<hbm>>) target(%dma_start3A_1881 : memref<64x128xf32, #tpu.memory_space<vmem>>) offsets(%dma_start3A_1885 : memref<64xi32, #tpu.memory_space<vmem>>) semaphore(%dma_start3A_1890 : memref<!tpu.dma_semaphore, #tpu.memory_space<semaphore_mem>>)
      } else {
      }
      %mul3A_967 = arith.constant 10 : i32
      %mul3A_968 = arith.muli %scan3A_446, %mul3A_967 : i32
      %add3A_969 = arith.constant 4 : i32
      %add3A_970 = arith.addi %mul3A_968, %add3A_969 : i32
      %jit3A_971 = arith.constant 2 : i32
      %div3A_972 = arith.divsi %add3A_970, %jit3A_971 : i32
      %sign3A_973 = arith.constant 0 : i32
      %sign3A_974 = arith.cmpi sgt, %add3A_970, %sign3A_973 : i32
      %sign3A_975 = arith.extui %sign3A_974 : i1 to i32
      %sign3A_976 = arith.constant 0 : i32
      %sign3A_977 = arith.cmpi slt, %add3A_970, %sign3A_976 : i32
      %sign3A_978 = arith.extui %sign3A_977 : i1 to i32
      %sign3A_979 = arith.subi %sign3A_975, %sign3A_978 : i32
      %sign3A_980 = arith.constant 0 : i32
      %sign3A_981 = arith.cmpi sgt, %jit3A_971, %sign3A_980 : i32
      %sign3A_982 = arith.extui %sign3A_981 : i1 to i32
      %sign3A_983 = arith.constant 0 : i32
      %sign3A_984 = arith.cmpi slt, %jit3A_971, %sign3A_983 : i32
      %sign3A_985 = arith.extui %sign3A_984 : i1 to i32
      %sign3A_986 = arith.subi %sign3A_982, %sign3A_985 : i32
      %ne3A_987 = arith.cmpi ne, %sign3A_979, %sign3A_986 : i32
      %rem3A_988 = arith.remsi %add3A_970, %jit3A_971 : i32
      %ne3A_989 = arith.constant 0 : i32
      %ne3A_990 = arith.cmpi ne, %rem3A_988, %ne3A_989 : i32
      %and3A_991 = arith.andi %ne3A_987, %ne3A_990 : i1
      %sub3A_992 = arith.constant 1 : i32
      %sub3A_993 = arith.subi %div3A_972, %sub3A_992 : i32
      %select_n3A_994 = arith.select %and3A_991, %sub3A_993, %div3A_972 : i32
      %jit3A_995 = arith.constant 2 : i32
      %eq3A_996 = arith.constant 0 : i32
      %eq3A_997 = arith.cmpi eq, %jit3A_995, %eq3A_996 : i32
      %jit3A_998 = arith.constant 1 : i32
      %select_n3A_999 = arith.select %eq3A_997, %jit3A_998, %jit3A_995 : i32
      %rem3A_1000 = arith.remsi %add3A_970, %select_n3A_999 : i32
      %ne3A_1001 = arith.constant 0 : i32
      %ne3A_1002 = arith.cmpi ne, %rem3A_1000, %ne3A_1001 : i32
      %lt3A_1003 = arith.constant 0 : i32
      %lt3A_1004 = arith.cmpi slt, %rem3A_1000, %lt3A_1003 : i32
      %lt3A_1005 = arith.constant 0 : i32
      %lt3A_1006 = arith.cmpi slt, %select_n3A_999, %lt3A_1005 : i32
      %ne3A_1007 = arith.xori %lt3A_1004, %lt3A_1006 : i1
      %and3A_1008 = arith.andi %ne3A_1007, %ne3A_1002 : i1
      %add3A_1009 = arith.addi %rem3A_1000, %select_n3A_999 : i32
      %select_n3A_1010 = arith.select %and3A_1008, %add3A_1009, %rem3A_1000 : i32
      %mul3A_1011 = arith.constant 64 : i32
      %mul3A_1012 = arith.muli %select_n3A_1010, %mul3A_1011 : i32
      %dma_wait3A_1013 = arith.constant 4 : i32
      %dma_wait3A_1014 = arith.constant 4 : i32
      %dma_wait3A_1015 = arith.constant 0 : i32
      %dma_wait3A_1016 = arith.constant 0 : i32
      %dma_wait3A_1017 = tpu.memref_slice %arg6[%dma_wait3A_1013, %dma_wait3A_1015, %dma_wait3A_1016] : memref<10x64x128xf32, #tpu.memory_space<vmem>> -> memref<1x64x128xf32, #tpu.memory_space<vmem>>
      %dma_wait3A_1018 = tpu.memref_squeeze %dma_wait3A_1017 : memref<1x64x128xf32, #tpu.memory_space<vmem>> -> memref<64x128xf32, #tpu.memory_space<vmem>>
      %dma_wait3A_1019 = arith.constant 0 : i32
      %dma_wait3A_1020 = tpu.memref_slice %arg5[%select_n3A_994, %dma_wait3A_1019] : memref<50x128xi32, #tpu.memory_space<vmem>> -> memref<1x128xi32, #tpu.memory_space<vmem>>
      %dma_wait3A_1021 = tpu.memref_squeeze %dma_wait3A_1020 : memref<1x128xi32, #tpu.memory_space<vmem>> -> memref<128xi32, #tpu.memory_space<vmem>>
      %dma_wait3A_1022 = tpu.memref_slice %dma_wait3A_1021[%mul3A_1012] : memref<128xi32, #tpu.memory_space<vmem>> -> memref<64xi32, #tpu.memory_space<vmem>>
      %dma_wait3A_1023 = arith.constant 0 : i32
      %dma_wait3A_1024 = arith.constant 0 : i32
      %dma_wait3A_1025 = tpu.memref_slice %arg2[%dma_wait3A_1023, %dma_wait3A_1024] : memref<100000x128xf32, #tpu.memory_space<hbm>> -> memref<100000x128xf32, #tpu.memory_space<hbm>>
      %dma_wait3A_1026 = tpu.memref_slice %arg7[%dma_wait3A_1014] : memref<10x!tpu.dma_semaphore, #tpu.memory_space<semaphore_mem>> -> memref<1x!tpu.dma_semaphore, #tpu.memory_space<semaphore_mem>>
      %dma_wait3A_1027 = tpu.memref_squeeze %dma_wait3A_1026 : memref<1x!tpu.dma_semaphore, #tpu.memory_space<semaphore_mem>> -> memref<!tpu.dma_semaphore, #tpu.memory_space<semaphore_mem>>
      tpu.wait_indirect_dma semaphore(%dma_wait3A_1027 : memref<!tpu.dma_semaphore, #tpu.memory_space<semaphore_mem>>) src(%dma_wait3A_1025 : memref<100000x128xf32, #tpu.memory_space<hbm>>) dst(%dma_wait3A_1018 : memref<64x128xf32, #tpu.memory_space<vmem>>)
      %jit3A_1028 = arith.constant 2 : i32
      %div3A_1029 = arith.divsi %add3A_970, %jit3A_1028 : i32
      %sign3A_1030 = arith.constant 0 : i32
      %sign3A_1031 = arith.cmpi sgt, %add3A_970, %sign3A_1030 : i32
      %sign3A_1032 = arith.extui %sign3A_1031 : i1 to i32
      %sign3A_1033 = arith.constant 0 : i32
      %sign3A_1034 = arith.cmpi slt, %add3A_970, %sign3A_1033 : i32
      %sign3A_1035 = arith.extui %sign3A_1034 : i1 to i32
      %sign3A_1036 = arith.subi %sign3A_1032, %sign3A_1035 : i32
      %sign3A_1037 = arith.constant 0 : i32
      %sign3A_1038 = arith.cmpi sgt, %jit3A_1028, %sign3A_1037 : i32
      %sign3A_1039 = arith.extui %sign3A_1038 : i1 to i32
      %sign3A_1040 = arith.constant 0 : i32
      %sign3A_1041 = arith.cmpi slt, %jit3A_1028, %sign3A_1040 : i32
      %sign3A_1042 = arith.extui %sign3A_1041 : i1 to i32
      %sign3A_1043 = arith.subi %sign3A_1039, %sign3A_1042 : i32
      %ne3A_1044 = arith.cmpi ne, %sign3A_1036, %sign3A_1043 : i32
      %rem3A_1045 = arith.remsi %add3A_970, %jit3A_1028 : i32
      %ne3A_1046 = arith.constant 0 : i32
      %ne3A_1047 = arith.cmpi ne, %rem3A_1045, %ne3A_1046 : i32
      %and3A_1048 = arith.andi %ne3A_1044, %ne3A_1047 : i1
      %sub3A_1049 = arith.constant 1 : i32
      %sub3A_1050 = arith.subi %div3A_1029, %sub3A_1049 : i32
      %select_n3A_1051 = arith.select %and3A_1048, %sub3A_1050, %div3A_1029 : i32
      %jit3A_1052 = arith.constant 2 : i32
      %eq3A_1053 = arith.constant 0 : i32
      %eq3A_1054 = arith.cmpi eq, %jit3A_1052, %eq3A_1053 : i32
      %jit3A_1055 = arith.constant 1 : i32
      %select_n3A_1056 = arith.select %eq3A_1054, %jit3A_1055, %jit3A_1052 : i32
      %rem3A_1057 = arith.remsi %add3A_970, %select_n3A_1056 : i32
      %ne3A_1058 = arith.constant 0 : i32
      %ne3A_1059 = arith.cmpi ne, %rem3A_1057, %ne3A_1058 : i32
      %lt3A_1060 = arith.constant 0 : i32
      %lt3A_1061 = arith.cmpi slt, %rem3A_1057, %lt3A_1060 : i32
      %lt3A_1062 = arith.constant 0 : i32
      %lt3A_1063 = arith.cmpi slt, %select_n3A_1056, %lt3A_1062 : i32
      %ne3A_1064 = arith.xori %lt3A_1061, %lt3A_1063 : i1
      %and3A_1065 = arith.andi %ne3A_1064, %ne3A_1059 : i1
      %add3A_1066 = arith.addi %rem3A_1057, %select_n3A_1056 : i32
      %select_n3A_1067 = arith.select %and3A_1065, %add3A_1066, %rem3A_1057 : i32
      %mul3A_1068 = arith.constant 64 : i32
      %mul3A_1069 = arith.muli %select_n3A_1067, %mul3A_1068 : i32
      %add3A_1070 = arith.addi %mul3A_2, %mul3A_1069 : i32
      %dma_start3A_1071 = arith.constant 4 : i32
      %dma_start3A_1072 = arith.constant 4 : i32
      %dma_start3A_1073 = arith.constant 0 : i32
      %dma_start3A_1074 = arith.constant 0 : i32
      %dma_start3A_1075 = tpu.memref_slice %arg6[%dma_start3A_1071, %dma_start3A_1073, %dma_start3A_1074] : memref<10x64x128xf32, #tpu.memory_space<vmem>> -> memref<1x64x128xf32, #tpu.memory_space<vmem>>
      %dma_start3A_1076 = tpu.memref_squeeze %dma_start3A_1075 : memref<1x64x128xf32, #tpu.memory_space<vmem>> -> memref<64x128xf32, #tpu.memory_space<vmem>>
      %dma_start3A_1077 = arith.constant 0 : i32
      %dma_start3A_1078 = arith.constant 0 : i32
      %dma_start3A_1079 = tpu.memref_slice %arg4[%select_n3A_1051, %dma_start3A_1077, %dma_start3A_1078] : memref<50x4096x128xf32, #tpu.memory_space<hbm>> -> memref<1x4096x128xf32, #tpu.memory_space<hbm>>
      %dma_start3A_1080 = tpu.memref_squeeze %dma_start3A_1079 : memref<1x4096x128xf32, #tpu.memory_space<hbm>> -> memref<4096x128xf32, #tpu.memory_space<hbm>>
      %dma_start3A_1081 = arith.constant 0 : i32
      %dma_start3A_1082 = tpu.memref_slice %dma_start3A_1080[%add3A_1070, %dma_start3A_1081] : memref<4096x128xf32, #tpu.memory_space<hbm>> -> memref<64x128xf32, #tpu.memory_space<hbm>>
      %dma_start3A_1083 = tpu.memref_slice %arg8[%dma_start3A_1072] : memref<10x!tpu.dma_semaphore, #tpu.memory_space<semaphore_mem>> -> memref<1x!tpu.dma_semaphore, #tpu.memory_space<semaphore_mem>>
      %dma_start3A_1084 = tpu.memref_squeeze %dma_start3A_1083 : memref<1x!tpu.dma_semaphore, #tpu.memory_space<semaphore_mem>> -> memref<!tpu.dma_semaphore, #tpu.memory_space<semaphore_mem>>
      %dma_start3A_1085 = arith.constant 0 : i32
      %dma_start3A_1086 = arith.constant 0 : i32
      %dma_start3A_1087 = tpu.memref_slice %arg4[%select_n3A_1051, %dma_start3A_1085, %dma_start3A_1086] : memref<50x4096x128xf32, #tpu.memory_space<hbm>> -> memref<1x4096x128xf32, #tpu.memory_space<hbm>>
      %dma_start3A_1088 = tpu.memref_squeeze %dma_start3A_1087 : memref<1x4096x128xf32, #tpu.memory_space<hbm>> -> memref<4096x128xf32, #tpu.memory_space<hbm>>
      %dma_start3A_1089 = arith.constant 0 : i32
      %dma_start3A_1090 = tpu.memref_slice %dma_start3A_1088[%add3A_1070, %dma_start3A_1089] : memref<4096x128xf32, #tpu.memory_space<hbm>> -> memref<64x128xf32, #tpu.memory_space<hbm>>
      %dma_start3A_1091 = arith.constant 0 : i32
      %dma_start3A_1092 = arith.constant 0 : i32
      %dma_start3A_1093 = tpu.memref_slice %arg6[%dma_start3A_1071, %dma_start3A_1091, %dma_start3A_1092] : memref<10x64x128xf32, #tpu.memory_space<vmem>> -> memref<1x64x128xf32, #tpu.memory_space<vmem>>
      %dma_start3A_1094 = tpu.memref_squeeze %dma_start3A_1093 : memref<1x64x128xf32, #tpu.memory_space<vmem>> -> memref<64x128xf32, #tpu.memory_space<vmem>>
      tpu.enqueue_dma source(%dma_start3A_1094 : memref<64x128xf32, #tpu.memory_space<vmem>>) target(%dma_start3A_1090 : memref<64x128xf32, #tpu.memory_space<hbm>>) target_semaphore(%dma_start3A_1084 : memref<!tpu.dma_semaphore, #tpu.memory_space<semaphore_mem>>)
      %lt3A_1095 = arith.constant 9 : i32
      %lt3A_1096 = arith.cmpi slt, %scan3A_446, %lt3A_1095 : i32
      %convert_element_type3A_1097 = arith.extui %lt3A_1096 : i1 to i32
      %cond3A_1098 = arith.constant 0 : i32
      %cond3A_1099 = arith.cmpi ne, %convert_element_type3A_1097, %cond3A_1098 : i32
      scf.if %cond3A_1099 {
        %jit3A_1765 = arith.constant 2 : i32
        %div3A_1766 = arith.divsi %add3A_970, %jit3A_1765 : i32
        %sign3A_1767 = arith.constant 0 : i32
        %sign3A_1768 = arith.cmpi sgt, %add3A_970, %sign3A_1767 : i32
        %sign3A_1769 = arith.extui %sign3A_1768 : i1 to i32
        %sign3A_1770 = arith.constant 0 : i32
        %sign3A_1771 = arith.cmpi slt, %add3A_970, %sign3A_1770 : i32
        %sign3A_1772 = arith.extui %sign3A_1771 : i1 to i32
        %sign3A_1773 = arith.subi %sign3A_1769, %sign3A_1772 : i32
        %sign3A_1774 = arith.constant 0 : i32
        %sign3A_1775 = arith.cmpi sgt, %jit3A_1765, %sign3A_1774 : i32
        %sign3A_1776 = arith.extui %sign3A_1775 : i1 to i32
        %sign3A_1777 = arith.constant 0 : i32
        %sign3A_1778 = arith.cmpi slt, %jit3A_1765, %sign3A_1777 : i32
        %sign3A_1779 = arith.extui %sign3A_1778 : i1 to i32
        %sign3A_1780 = arith.subi %sign3A_1776, %sign3A_1779 : i32
        %ne3A_1781 = arith.cmpi ne, %sign3A_1773, %sign3A_1780 : i32
        %rem3A_1782 = arith.remsi %add3A_970, %jit3A_1765 : i32
        %ne3A_1783 = arith.constant 0 : i32
        %ne3A_1784 = arith.cmpi ne, %rem3A_1782, %ne3A_1783 : i32
        %and3A_1785 = arith.andi %ne3A_1781, %ne3A_1784 : i1
        %sub3A_1786 = arith.constant 1 : i32
        %sub3A_1787 = arith.subi %div3A_1766, %sub3A_1786 : i32
        %select_n3A_1788 = arith.select %and3A_1785, %sub3A_1787, %div3A_1766 : i32
        %jit3A_1789 = arith.constant 2 : i32
        %eq3A_1790 = arith.constant 0 : i32
        %eq3A_1791 = arith.cmpi eq, %jit3A_1789, %eq3A_1790 : i32
        %jit3A_1792 = arith.constant 1 : i32
        %select_n3A_1793 = arith.select %eq3A_1791, %jit3A_1792, %jit3A_1789 : i32
        %rem3A_1794 = arith.remsi %add3A_970, %select_n3A_1793 : i32
        %ne3A_1795 = arith.constant 0 : i32
        %ne3A_1796 = arith.cmpi ne, %rem3A_1794, %ne3A_1795 : i32
        %lt3A_1797 = arith.constant 0 : i32
        %lt3A_1798 = arith.cmpi slt, %rem3A_1794, %lt3A_1797 : i32
        %lt3A_1799 = arith.constant 0 : i32
        %lt3A_1800 = arith.cmpi slt, %select_n3A_1793, %lt3A_1799 : i32
        %ne3A_1801 = arith.xori %lt3A_1798, %lt3A_1800 : i1
        %and3A_1802 = arith.andi %ne3A_1801, %ne3A_1796 : i1
        %add3A_1803 = arith.addi %rem3A_1794, %select_n3A_1793 : i32
        %select_n3A_1804 = arith.select %and3A_1802, %add3A_1803, %rem3A_1794 : i32
        %mul3A_1805 = arith.constant 64 : i32
        %mul3A_1806 = arith.muli %select_n3A_1804, %mul3A_1805 : i32
        %add3A_1807 = arith.addi %mul3A_2, %mul3A_1806 : i32
        %dma_wait3A_1808 = arith.constant 4 : i32
        %dma_wait3A_1809 = arith.constant 4 : i32
        %dma_wait3A_1810 = arith.constant 0 : i32
        %dma_wait3A_1811 = arith.constant 0 : i32
        %dma_wait3A_1812 = tpu.memref_slice %arg6[%dma_wait3A_1808, %dma_wait3A_1810, %dma_wait3A_1811] : memref<10x64x128xf32, #tpu.memory_space<vmem>> -> memref<1x64x128xf32, #tpu.memory_space<vmem>>
        %dma_wait3A_1813 = tpu.memref_squeeze %dma_wait3A_1812 : memref<1x64x128xf32, #tpu.memory_space<vmem>> -> memref<64x128xf32, #tpu.memory_space<vmem>>
        %dma_wait3A_1814 = arith.constant 0 : i32
        %dma_wait3A_1815 = arith.constant 0 : i32
        %dma_wait3A_1816 = tpu.memref_slice %arg4[%select_n3A_1788, %dma_wait3A_1814, %dma_wait3A_1815] : memref<50x4096x128xf32, #tpu.memory_space<hbm>> -> memref<1x4096x128xf32, #tpu.memory_space<hbm>>
        %dma_wait3A_1817 = tpu.memref_squeeze %dma_wait3A_1816 : memref<1x4096x128xf32, #tpu.memory_space<hbm>> -> memref<4096x128xf32, #tpu.memory_space<hbm>>
        %dma_wait3A_1818 = arith.constant 0 : i32
        %dma_wait3A_1819 = tpu.memref_slice %dma_wait3A_1817[%add3A_1807, %dma_wait3A_1818] : memref<4096x128xf32, #tpu.memory_space<hbm>> -> memref<64x128xf32, #tpu.memory_space<hbm>>
        %dma_wait3A_1820 = tpu.memref_slice %arg8[%dma_wait3A_1809] : memref<10x!tpu.dma_semaphore, #tpu.memory_space<semaphore_mem>> -> memref<1x!tpu.dma_semaphore, #tpu.memory_space<semaphore_mem>>
        %dma_wait3A_1821 = tpu.memref_squeeze %dma_wait3A_1820 : memref<1x!tpu.dma_semaphore, #tpu.memory_space<semaphore_mem>> -> memref<!tpu.dma_semaphore, #tpu.memory_space<semaphore_mem>>
        %dma_wait3A_1822 = arith.constant 0 : i32
        %dma_wait3A_1823 = arith.constant 0 : i32
        %dma_wait3A_1824 = tpu.memref_slice %arg4[%select_n3A_1788, %dma_wait3A_1822, %dma_wait3A_1823] : memref<50x4096x128xf32, #tpu.memory_space<hbm>> -> memref<1x4096x128xf32, #tpu.memory_space<hbm>>
        %dma_wait3A_1825 = tpu.memref_squeeze %dma_wait3A_1824 : memref<1x4096x128xf32, #tpu.memory_space<hbm>> -> memref<4096x128xf32, #tpu.memory_space<hbm>>
        %dma_wait3A_1826 = arith.constant 0 : i32
        %dma_wait3A_1827 = tpu.memref_slice %dma_wait3A_1825[%add3A_1807, %dma_wait3A_1826] : memref<4096x128xf32, #tpu.memory_space<hbm>> -> memref<64x128xf32, #tpu.memory_space<hbm>>
        %dma_wait3A_1828 = arith.constant 0 : i32
        %dma_wait3A_1829 = arith.constant 0 : i32
        %dma_wait3A_1830 = tpu.memref_slice %arg6[%dma_wait3A_1808, %dma_wait3A_1828, %dma_wait3A_1829] : memref<10x64x128xf32, #tpu.memory_space<vmem>> -> memref<1x64x128xf32, #tpu.memory_space<vmem>>
        %dma_wait3A_1831 = tpu.memref_squeeze %dma_wait3A_1830 : memref<1x64x128xf32, #tpu.memory_space<vmem>> -> memref<64x128xf32, #tpu.memory_space<vmem>>
        tpu.wait_dma2 semaphore(%dma_wait3A_1821 : memref<!tpu.dma_semaphore, #tpu.memory_space<semaphore_mem>>) src(%dma_wait3A_1831 : memref<64x128xf32, #tpu.memory_space<vmem>>) dst(%dma_wait3A_1827 : memref<64x128xf32, #tpu.memory_space<hbm>>)
        %add3A_1832 = arith.constant 10 : i32
        %add3A_1833 = arith.addi %add3A_970, %add3A_1832 : i32
        %jit3A_1834 = arith.constant 2 : i32
        %div3A_1835 = arith.divsi %add3A_1833, %jit3A_1834 : i32
        %sign3A_1836 = arith.constant 0 : i32
        %sign3A_1837 = arith.cmpi sgt, %add3A_1833, %sign3A_1836 : i32
        %sign3A_1838 = arith.extui %sign3A_1837 : i1 to i32
        %sign3A_1839 = arith.constant 0 : i32
        %sign3A_1840 = arith.cmpi slt, %add3A_1833, %sign3A_1839 : i32
        %sign3A_1841 = arith.extui %sign3A_1840 : i1 to i32
        %sign3A_1842 = arith.subi %sign3A_1838, %sign3A_1841 : i32
        %sign3A_1843 = arith.constant 0 : i32
        %sign3A_1844 = arith.cmpi sgt, %jit3A_1834, %sign3A_1843 : i32
        %sign3A_1845 = arith.extui %sign3A_1844 : i1 to i32
        %sign3A_1846 = arith.constant 0 : i32
        %sign3A_1847 = arith.cmpi slt, %jit3A_1834, %sign3A_1846 : i32
        %sign3A_1848 = arith.extui %sign3A_1847 : i1 to i32
        %sign3A_1849 = arith.subi %sign3A_1845, %sign3A_1848 : i32
        %ne3A_1850 = arith.cmpi ne, %sign3A_1842, %sign3A_1849 : i32
        %rem3A_1851 = arith.remsi %add3A_1833, %jit3A_1834 : i32
        %ne3A_1852 = arith.constant 0 : i32
        %ne3A_1853 = arith.cmpi ne, %rem3A_1851, %ne3A_1852 : i32
        %and3A_1854 = arith.andi %ne3A_1850, %ne3A_1853 : i1
        %sub3A_1855 = arith.constant 1 : i32
        %sub3A_1856 = arith.subi %div3A_1835, %sub3A_1855 : i32
        %select_n3A_1857 = arith.select %and3A_1854, %sub3A_1856, %div3A_1835 : i32
        %jit3A_1858 = arith.constant 2 : i32
        %eq3A_1859 = arith.constant 0 : i32
        %eq3A_1860 = arith.cmpi eq, %jit3A_1858, %eq3A_1859 : i32
        %jit3A_1861 = arith.constant 1 : i32
        %select_n3A_1862 = arith.select %eq3A_1860, %jit3A_1861, %jit3A_1858 : i32
        %rem3A_1863 = arith.remsi %add3A_1833, %select_n3A_1862 : i32
        %ne3A_1864 = arith.constant 0 : i32
        %ne3A_1865 = arith.cmpi ne, %rem3A_1863, %ne3A_1864 : i32
        %lt3A_1866 = arith.constant 0 : i32
        %lt3A_1867 = arith.cmpi slt, %rem3A_1863, %lt3A_1866 : i32
        %lt3A_1868 = arith.constant 0 : i32
        %lt3A_1869 = arith.cmpi slt, %select_n3A_1862, %lt3A_1868 : i32
        %ne3A_1870 = arith.xori %lt3A_1867, %lt3A_1869 : i1
        %and3A_1871 = arith.andi %ne3A_1870, %ne3A_1865 : i1
        %add3A_1872 = arith.addi %rem3A_1863, %select_n3A_1862 : i32
        %select_n3A_1873 = arith.select %and3A_1871, %add3A_1872, %rem3A_1863 : i32
        %mul3A_1874 = arith.constant 64 : i32
        %mul3A_1875 = arith.muli %select_n3A_1873, %mul3A_1874 : i32
        %dma_start3A_1876 = arith.constant 4 : i32
        %dma_start3A_1877 = arith.constant 4 : i32
        %dma_start3A_1878 = arith.constant 0 : i32
        %dma_start3A_1879 = arith.constant 0 : i32
        %dma_start3A_1880 = tpu.memref_slice %arg6[%dma_start3A_1876, %dma_start3A_1878, %dma_start3A_1879] : memref<10x64x128xf32, #tpu.memory_space<vmem>> -> memref<1x64x128xf32, #tpu.memory_space<vmem>>
        %dma_start3A_1881 = tpu.memref_squeeze %dma_start3A_1880 : memref<1x64x128xf32, #tpu.memory_space<vmem>> -> memref<64x128xf32, #tpu.memory_space<vmem>>
        %dma_start3A_1882 = arith.constant 0 : i32
        %dma_start3A_1883 = tpu.memref_slice %arg5[%select_n3A_1857, %dma_start3A_1882] : memref<50x128xi32, #tpu.memory_space<vmem>> -> memref<1x128xi32, #tpu.memory_space<vmem>>
        %dma_start3A_1884 = tpu.memref_squeeze %dma_start3A_1883 : memref<1x128xi32, #tpu.memory_space<vmem>> -> memref<128xi32, #tpu.memory_space<vmem>>
        %dma_start3A_1885 = tpu.memref_slice %dma_start3A_1884[%mul3A_1875] : memref<128xi32, #tpu.memory_space<vmem>> -> memref<64xi32, #tpu.memory_space<vmem>>
        %dma_start3A_1886 = arith.constant 0 : i32
        %dma_start3A_1887 = arith.constant 0 : i32
        %dma_start3A_1888 = tpu.memref_slice %arg2[%dma_start3A_1886, %dma_start3A_1887] : memref<100000x128xf32, #tpu.memory_space<hbm>> -> memref<100000x128xf32, #tpu.memory_space<hbm>>
        %dma_start3A_1889 = tpu.memref_slice %arg7[%dma_start3A_1877] : memref<10x!tpu.dma_semaphore, #tpu.memory_space<semaphore_mem>> -> memref<1x!tpu.dma_semaphore, #tpu.memory_space<semaphore_mem>>
        %dma_start3A_1890 = tpu.memref_squeeze %dma_start3A_1889 : memref<1x!tpu.dma_semaphore, #tpu.memory_space<semaphore_mem>> -> memref<!tpu.dma_semaphore, #tpu.memory_space<semaphore_mem>>
        tpu.enqueue_indirect_dma source(%dma_start3A_1888 : memref<100000x128xf32, #tpu.memory_space<hbm>>) target(%dma_start3A_1881 : memref<64x128xf32, #tpu.memory_space<vmem>>) offsets(%dma_start3A_1885 : memref<64xi32, #tpu.memory_space<vmem>>) semaphore(%dma_start3A_1890 : memref<!tpu.dma_semaphore, #tpu.memory_space<semaphore_mem>>)
      } else {
      }
      %mul3A_1100 = arith.constant 10 : i32
      %mul3A_1101 = arith.muli %scan3A_446, %mul3A_1100 : i32
      %add3A_1102 = arith.constant 5 : i32
      %add3A_1103 = arith.addi %mul3A_1101, %add3A_1102 : i32
      %jit3A_1104 = arith.constant 2 : i32
      %div3A_1105 = arith.divsi %add3A_1103, %jit3A_1104 : i32
      %sign3A_1106 = arith.constant 0 : i32
      %sign3A_1107 = arith.cmpi sgt, %add3A_1103, %sign3A_1106 : i32
      %sign3A_1108 = arith.extui %sign3A_1107 : i1 to i32
      %sign3A_1109 = arith.constant 0 : i32
      %sign3A_1110 = arith.cmpi slt, %add3A_1103, %sign3A_1109 : i32
      %sign3A_1111 = arith.extui %sign3A_1110 : i1 to i32
      %sign3A_1112 = arith.subi %sign3A_1108, %sign3A_1111 : i32
      %sign3A_1113 = arith.constant 0 : i32
      %sign3A_1114 = arith.cmpi sgt, %jit3A_1104, %sign3A_1113 : i32
      %sign3A_1115 = arith.extui %sign3A_1114 : i1 to i32
      %sign3A_1116 = arith.constant 0 : i32
      %sign3A_1117 = arith.cmpi slt, %jit3A_1104, %sign3A_1116 : i32
      %sign3A_1118 = arith.extui %sign3A_1117 : i1 to i32
      %sign3A_1119 = arith.subi %sign3A_1115, %sign3A_1118 : i32
      %ne3A_1120 = arith.cmpi ne, %sign3A_1112, %sign3A_1119 : i32
      %rem3A_1121 = arith.remsi %add3A_1103, %jit3A_1104 : i32
      %ne3A_1122 = arith.constant 0 : i32
      %ne3A_1123 = arith.cmpi ne, %rem3A_1121, %ne3A_1122 : i32
      %and3A_1124 = arith.andi %ne3A_1120, %ne3A_1123 : i1
      %sub3A_1125 = arith.constant 1 : i32
      %sub3A_1126 = arith.subi %div3A_1105, %sub3A_1125 : i32
      %select_n3A_1127 = arith.select %and3A_1124, %sub3A_1126, %div3A_1105 : i32
      %jit3A_1128 = arith.constant 2 : i32
      %eq3A_1129 = arith.constant 0 : i32
      %eq3A_1130 = arith.cmpi eq, %jit3A_1128, %eq3A_1129 : i32
      %jit3A_1131 = arith.constant 1 : i32
      %select_n3A_1132 = arith.select %eq3A_1130, %jit3A_1131, %jit3A_1128 : i32
      %rem3A_1133 = arith.remsi %add3A_1103, %select_n3A_1132 : i32
      %ne3A_1134 = arith.constant 0 : i32
      %ne3A_1135 = arith.cmpi ne, %rem3A_1133, %ne3A_1134 : i32
      %lt3A_1136 = arith.constant 0 : i32
      %lt3A_1137 = arith.cmpi slt, %rem3A_1133, %lt3A_1136 : i32
      %lt3A_1138 = arith.constant 0 : i32
      %lt3A_1139 = arith.cmpi slt, %select_n3A_1132, %lt3A_1138 : i32
      %ne3A_1140 = arith.xori %lt3A_1137, %lt3A_1139 : i1
      %and3A_1141 = arith.andi %ne3A_1140, %ne3A_1135 : i1
      %add3A_1142 = arith.addi %rem3A_1133, %select_n3A_1132 : i32
      %select_n3A_1143 = arith.select %and3A_1141, %add3A_1142, %rem3A_1133 : i32
      %mul3A_1144 = arith.constant 64 : i32
      %mul3A_1145 = arith.muli %select_n3A_1143, %mul3A_1144 : i32
      %dma_wait3A_1146 = arith.constant 5 : i32
      %dma_wait3A_1147 = arith.constant 5 : i32
      %dma_wait3A_1148 = arith.constant 0 : i32
      %dma_wait3A_1149 = arith.constant 0 : i32
      %dma_wait3A_1150 = tpu.memref_slice %arg6[%dma_wait3A_1146, %dma_wait3A_1148, %dma_wait3A_1149] : memref<10x64x128xf32, #tpu.memory_space<vmem>> -> memref<1x64x128xf32, #tpu.memory_space<vmem>>
      %dma_wait3A_1151 = tpu.memref_squeeze %dma_wait3A_1150 : memref<1x64x128xf32, #tpu.memory_space<vmem>> -> memref<64x128xf32, #tpu.memory_space<vmem>>
      %dma_wait3A_1152 = arith.constant 0 : i32
      %dma_wait3A_1153 = tpu.memref_slice %arg5[%select_n3A_1127, %dma_wait3A_1152] : memref<50x128xi32, #tpu.memory_space<vmem>> -> memref<1x128xi32, #tpu.memory_space<vmem>>
      %dma_wait3A_1154 = tpu.memref_squeeze %dma_wait3A_1153 : memref<1x128xi32, #tpu.memory_space<vmem>> -> memref<128xi32, #tpu.memory_space<vmem>>
      %dma_wait3A_1155 = tpu.memref_slice %dma_wait3A_1154[%mul3A_1145] : memref<128xi32, #tpu.memory_space<vmem>> -> memref<64xi32, #tpu.memory_space<vmem>>
      %dma_wait3A_1156 = arith.constant 0 : i32
      %dma_wait3A_1157 = arith.constant 0 : i32
      %dma_wait3A_1158 = tpu.memref_slice %arg2[%dma_wait3A_1156, %dma_wait3A_1157] : memref<100000x128xf32, #tpu.memory_space<hbm>> -> memref<100000x128xf32, #tpu.memory_space<hbm>>
      %dma_wait3A_1159 = tpu.memref_slice %arg7[%dma_wait3A_1147] : memref<10x!tpu.dma_semaphore, #tpu.memory_space<semaphore_mem>> -> memref<1x!tpu.dma_semaphore, #tpu.memory_space<semaphore_mem>>
      %dma_wait3A_1160 = tpu.memref_squeeze %dma_wait3A_1159 : memref<1x!tpu.dma_semaphore, #tpu.memory_space<semaphore_mem>> -> memref<!tpu.dma_semaphore, #tpu.memory_space<semaphore_mem>>
      tpu.wait_indirect_dma semaphore(%dma_wait3A_1160 : memref<!tpu.dma_semaphore, #tpu.memory_space<semaphore_mem>>) src(%dma_wait3A_1158 : memref<100000x128xf32, #tpu.memory_space<hbm>>) dst(%dma_wait3A_1151 : memref<64x128xf32, #tpu.memory_space<vmem>>)
      %jit3A_1161 = arith.constant 2 : i32
      %div3A_1162 = arith.divsi %add3A_1103, %jit3A_1161 : i32
      %sign3A_1163 = arith.constant 0 : i32
      %sign3A_1164 = arith.cmpi sgt, %add3A_1103, %sign3A_1163 : i32
      %sign3A_1165 = arith.extui %sign3A_1164 : i1 to i32
      %sign3A_1166 = arith.constant 0 : i32
      %sign3A_1167 = arith.cmpi slt, %add3A_1103, %sign3A_1166 : i32
      %sign3A_1168 = arith.extui %sign3A_1167 : i1 to i32
      %sign3A_1169 = arith.subi %sign3A_1165, %sign3A_1168 : i32
      %sign3A_1170 = arith.constant 0 : i32
      %sign3A_1171 = arith.cmpi sgt, %jit3A_1161, %sign3A_1170 : i32
      %sign3A_1172 = arith.extui %sign3A_1171 : i1 to i32
      %sign3A_1173 = arith.constant 0 : i32
      %sign3A_1174 = arith.cmpi slt, %jit3A_1161, %sign3A_1173 : i32
      %sign3A_1175 = arith.extui %sign3A_1174 : i1 to i32
      %sign3A_1176 = arith.subi %sign3A_1172, %sign3A_1175 : i32
      %ne3A_1177 = arith.cmpi ne, %sign3A_1169, %sign3A_1176 : i32
      %rem3A_1178 = arith.remsi %add3A_1103, %jit3A_1161 : i32
      %ne3A_1179 = arith.constant 0 : i32
      %ne3A_1180 = arith.cmpi ne, %rem3A_1178, %ne3A_1179 : i32
      %and3A_1181 = arith.andi %ne3A_1177, %ne3A_1180 : i1
      %sub3A_1182 = arith.constant 1 : i32
      %sub3A_1183 = arith.subi %div3A_1162, %sub3A_1182 : i32
      %select_n3A_1184 = arith.select %and3A_1181, %sub3A_1183, %div3A_1162 : i32
      %jit3A_1185 = arith.constant 2 : i32
      %eq3A_1186 = arith.constant 0 : i32
      %eq3A_1187 = arith.cmpi eq, %jit3A_1185, %eq3A_1186 : i32
      %jit3A_1188 = arith.constant 1 : i32
      %select_n3A_1189 = arith.select %eq3A_1187, %jit3A_1188, %jit3A_1185 : i32
      %rem3A_1190 = arith.remsi %add3A_1103, %select_n3A_1189 : i32
      %ne3A_1191 = arith.constant 0 : i32
      %ne3A_1192 = arith.cmpi ne, %rem3A_1190, %ne3A_1191 : i32
      %lt3A_1193 = arith.constant 0 : i32
      %lt3A_1194 = arith.cmpi slt, %rem3A_1190, %lt3A_1193 : i32
      %lt3A_1195 = arith.constant 0 : i32
      %lt3A_1196 = arith.cmpi slt, %select_n3A_1189, %lt3A_1195 : i32
      %ne3A_1197 = arith.xori %lt3A_1194, %lt3A_1196 : i1
      %and3A_1198 = arith.andi %ne3A_1197, %ne3A_1192 : i1
      %add3A_1199 = arith.addi %rem3A_1190, %select_n3A_1189 : i32
      %select_n3A_1200 = arith.select %and3A_1198, %add3A_1199, %rem3A_1190 : i32
      %mul3A_1201 = arith.constant 64 : i32
      %mul3A_1202 = arith.muli %select_n3A_1200, %mul3A_1201 : i32
      %add3A_1203 = arith.addi %mul3A_2, %mul3A_1202 : i32
      %dma_start3A_1204 = arith.constant 5 : i32
      %dma_start3A_1205 = arith.constant 5 : i32
      %dma_start3A_1206 = arith.constant 0 : i32
      %dma_start3A_1207 = arith.constant 0 : i32
      %dma_start3A_1208 = tpu.memref_slice %arg6[%dma_start3A_1204, %dma_start3A_1206, %dma_start3A_1207] : memref<10x64x128xf32, #tpu.memory_space<vmem>> -> memref<1x64x128xf32, #tpu.memory_space<vmem>>
      %dma_start3A_1209 = tpu.memref_squeeze %dma_start3A_1208 : memref<1x64x128xf32, #tpu.memory_space<vmem>> -> memref<64x128xf32, #tpu.memory_space<vmem>>
      %dma_start3A_1210 = arith.constant 0 : i32
      %dma_start3A_1211 = arith.constant 0 : i32
      %dma_start3A_1212 = tpu.memref_slice %arg4[%select_n3A_1184, %dma_start3A_1210, %dma_start3A_1211] : memref<50x4096x128xf32, #tpu.memory_space<hbm>> -> memref<1x4096x128xf32, #tpu.memory_space<hbm>>
      %dma_start3A_1213 = tpu.memref_squeeze %dma_start3A_1212 : memref<1x4096x128xf32, #tpu.memory_space<hbm>> -> memref<4096x128xf32, #tpu.memory_space<hbm>>
      %dma_start3A_1214 = arith.constant 0 : i32
      %dma_start3A_1215 = tpu.memref_slice %dma_start3A_1213[%add3A_1203, %dma_start3A_1214] : memref<4096x128xf32, #tpu.memory_space<hbm>> -> memref<64x128xf32, #tpu.memory_space<hbm>>
      %dma_start3A_1216 = tpu.memref_slice %arg8[%dma_start3A_1205] : memref<10x!tpu.dma_semaphore, #tpu.memory_space<semaphore_mem>> -> memref<1x!tpu.dma_semaphore, #tpu.memory_space<semaphore_mem>>
      %dma_start3A_1217 = tpu.memref_squeeze %dma_start3A_1216 : memref<1x!tpu.dma_semaphore, #tpu.memory_space<semaphore_mem>> -> memref<!tpu.dma_semaphore, #tpu.memory_space<semaphore_mem>>
      %dma_start3A_1218 = arith.constant 0 : i32
      %dma_start3A_1219 = arith.constant 0 : i32
      %dma_start3A_1220 = tpu.memref_slice %arg4[%select_n3A_1184, %dma_start3A_1218, %dma_start3A_1219] : memref<50x4096x128xf32, #tpu.memory_space<hbm>> -> memref<1x4096x128xf32, #tpu.memory_space<hbm>>
      %dma_start3A_1221 = tpu.memref_squeeze %dma_start3A_1220 : memref<1x4096x128xf32, #tpu.memory_space<hbm>> -> memref<4096x128xf32, #tpu.memory_space<hbm>>
      %dma_start3A_1222 = arith.constant 0 : i32
      %dma_start3A_1223 = tpu.memref_slice %dma_start3A_1221[%add3A_1203, %dma_start3A_1222] : memref<4096x128xf32, #tpu.memory_space<hbm>> -> memref<64x128xf32, #tpu.memory_space<hbm>>
      %dma_start3A_1224 = arith.constant 0 : i32
      %dma_start3A_1225 = arith.constant 0 : i32
      %dma_start3A_1226 = tpu.memref_slice %arg6[%dma_start3A_1204, %dma_start3A_1224, %dma_start3A_1225] : memref<10x64x128xf32, #tpu.memory_space<vmem>> -> memref<1x64x128xf32, #tpu.memory_space<vmem>>
      %dma_start3A_1227 = tpu.memref_squeeze %dma_start3A_1226 : memref<1x64x128xf32, #tpu.memory_space<vmem>> -> memref<64x128xf32, #tpu.memory_space<vmem>>
      tpu.enqueue_dma source(%dma_start3A_1227 : memref<64x128xf32, #tpu.memory_space<vmem>>) target(%dma_start3A_1223 : memref<64x128xf32, #tpu.memory_space<hbm>>) target_semaphore(%dma_start3A_1217 : memref<!tpu.dma_semaphore, #tpu.memory_space<semaphore_mem>>)
      %lt3A_1228 = arith.constant 9 : i32
      %lt3A_1229 = arith.cmpi slt, %scan3A_446, %lt3A_1228 : i32
      %convert_element_type3A_1230 = arith.extui %lt3A_1229 : i1 to i32
      %cond3A_1231 = arith.constant 0 : i32
      %cond3A_1232 = arith.cmpi ne, %convert_element_type3A_1230, %cond3A_1231 : i32
      scf.if %cond3A_1232 {
        %jit3A_1765 = arith.constant 2 : i32
        %div3A_1766 = arith.divsi %add3A_1103, %jit3A_1765 : i32
        %sign3A_1767 = arith.constant 0 : i32
        %sign3A_1768 = arith.cmpi sgt, %add3A_1103, %sign3A_1767 : i32
        %sign3A_1769 = arith.extui %sign3A_1768 : i1 to i32
        %sign3A_1770 = arith.constant 0 : i32
        %sign3A_1771 = arith.cmpi slt, %add3A_1103, %sign3A_1770 : i32
        %sign3A_1772 = arith.extui %sign3A_1771 : i1 to i32
        %sign3A_1773 = arith.subi %sign3A_1769, %sign3A_1772 : i32
        %sign3A_1774 = arith.constant 0 : i32
        %sign3A_1775 = arith.cmpi sgt, %jit3A_1765, %sign3A_1774 : i32
        %sign3A_1776 = arith.extui %sign3A_1775 : i1 to i32
        %sign3A_1777 = arith.constant 0 : i32
        %sign3A_1778 = arith.cmpi slt, %jit3A_1765, %sign3A_1777 : i32
        %sign3A_1779 = arith.extui %sign3A_1778 : i1 to i32
        %sign3A_1780 = arith.subi %sign3A_1776, %sign3A_1779 : i32
        %ne3A_1781 = arith.cmpi ne, %sign3A_1773, %sign3A_1780 : i32
        %rem3A_1782 = arith.remsi %add3A_1103, %jit3A_1765 : i32
        %ne3A_1783 = arith.constant 0 : i32
        %ne3A_1784 = arith.cmpi ne, %rem3A_1782, %ne3A_1783 : i32
        %and3A_1785 = arith.andi %ne3A_1781, %ne3A_1784 : i1
        %sub3A_1786 = arith.constant 1 : i32
        %sub3A_1787 = arith.subi %div3A_1766, %sub3A_1786 : i32
        %select_n3A_1788 = arith.select %and3A_1785, %sub3A_1787, %div3A_1766 : i32
        %jit3A_1789 = arith.constant 2 : i32
        %eq3A_1790 = arith.constant 0 : i32
        %eq3A_1791 = arith.cmpi eq, %jit3A_1789, %eq3A_1790 : i32
        %jit3A_1792 = arith.constant 1 : i32
        %select_n3A_1793 = arith.select %eq3A_1791, %jit3A_1792, %jit3A_1789 : i32
        %rem3A_1794 = arith.remsi %add3A_1103, %select_n3A_1793 : i32
        %ne3A_1795 = arith.constant 0 : i32
        %ne3A_1796 = arith.cmpi ne, %rem3A_1794, %ne3A_1795 : i32
        %lt3A_1797 = arith.constant 0 : i32
        %lt3A_1798 = arith.cmpi slt, %rem3A_1794, %lt3A_1797 : i32
        %lt3A_1799 = arith.constant 0 : i32
        %lt3A_1800 = arith.cmpi slt, %select_n3A_1793, %lt3A_1799 : i32
        %ne3A_1801 = arith.xori %lt3A_1798, %lt3A_1800 : i1
        %and3A_1802 = arith.andi %ne3A_1801, %ne3A_1796 : i1
        %add3A_1803 = arith.addi %rem3A_1794, %select_n3A_1793 : i32
        %select_n3A_1804 = arith.select %and3A_1802, %add3A_1803, %rem3A_1794 : i32
        %mul3A_1805 = arith.constant 64 : i32
        %mul3A_1806 = arith.muli %select_n3A_1804, %mul3A_1805 : i32
        %add3A_1807 = arith.addi %mul3A_2, %mul3A_1806 : i32
        %dma_wait3A_1808 = arith.constant 5 : i32
        %dma_wait3A_1809 = arith.constant 5 : i32
        %dma_wait3A_1810 = arith.constant 0 : i32
        %dma_wait3A_1811 = arith.constant 0 : i32
        %dma_wait3A_1812 = tpu.memref_slice %arg6[%dma_wait3A_1808, %dma_wait3A_1810, %dma_wait3A_1811] : memref<10x64x128xf32, #tpu.memory_space<vmem>> -> memref<1x64x128xf32, #tpu.memory_space<vmem>>
        %dma_wait3A_1813 = tpu.memref_squeeze %dma_wait3A_1812 : memref<1x64x128xf32, #tpu.memory_space<vmem>> -> memref<64x128xf32, #tpu.memory_space<vmem>>
        %dma_wait3A_1814 = arith.constant 0 : i32
        %dma_wait3A_1815 = arith.constant 0 : i32
        %dma_wait3A_1816 = tpu.memref_slice %arg4[%select_n3A_1788, %dma_wait3A_1814, %dma_wait3A_1815] : memref<50x4096x128xf32, #tpu.memory_space<hbm>> -> memref<1x4096x128xf32, #tpu.memory_space<hbm>>
        %dma_wait3A_1817 = tpu.memref_squeeze %dma_wait3A_1816 : memref<1x4096x128xf32, #tpu.memory_space<hbm>> -> memref<4096x128xf32, #tpu.memory_space<hbm>>
        %dma_wait3A_1818 = arith.constant 0 : i32
        %dma_wait3A_1819 = tpu.memref_slice %dma_wait3A_1817[%add3A_1807, %dma_wait3A_1818] : memref<4096x128xf32, #tpu.memory_space<hbm>> -> memref<64x128xf32, #tpu.memory_space<hbm>>
        %dma_wait3A_1820 = tpu.memref_slice %arg8[%dma_wait3A_1809] : memref<10x!tpu.dma_semaphore, #tpu.memory_space<semaphore_mem>> -> memref<1x!tpu.dma_semaphore, #tpu.memory_space<semaphore_mem>>
        %dma_wait3A_1821 = tpu.memref_squeeze %dma_wait3A_1820 : memref<1x!tpu.dma_semaphore, #tpu.memory_space<semaphore_mem>> -> memref<!tpu.dma_semaphore, #tpu.memory_space<semaphore_mem>>
        %dma_wait3A_1822 = arith.constant 0 : i32
        %dma_wait3A_1823 = arith.constant 0 : i32
        %dma_wait3A_1824 = tpu.memref_slice %arg4[%select_n3A_1788, %dma_wait3A_1822, %dma_wait3A_1823] : memref<50x4096x128xf32, #tpu.memory_space<hbm>> -> memref<1x4096x128xf32, #tpu.memory_space<hbm>>
        %dma_wait3A_1825 = tpu.memref_squeeze %dma_wait3A_1824 : memref<1x4096x128xf32, #tpu.memory_space<hbm>> -> memref<4096x128xf32, #tpu.memory_space<hbm>>
        %dma_wait3A_1826 = arith.constant 0 : i32
        %dma_wait3A_1827 = tpu.memref_slice %dma_wait3A_1825[%add3A_1807, %dma_wait3A_1826] : memref<4096x128xf32, #tpu.memory_space<hbm>> -> memref<64x128xf32, #tpu.memory_space<hbm>>
        %dma_wait3A_1828 = arith.constant 0 : i32
        %dma_wait3A_1829 = arith.constant 0 : i32
        %dma_wait3A_1830 = tpu.memref_slice %arg6[%dma_wait3A_1808, %dma_wait3A_1828, %dma_wait3A_1829] : memref<10x64x128xf32, #tpu.memory_space<vmem>> -> memref<1x64x128xf32, #tpu.memory_space<vmem>>
        %dma_wait3A_1831 = tpu.memref_squeeze %dma_wait3A_1830 : memref<1x64x128xf32, #tpu.memory_space<vmem>> -> memref<64x128xf32, #tpu.memory_space<vmem>>
        tpu.wait_dma2 semaphore(%dma_wait3A_1821 : memref<!tpu.dma_semaphore, #tpu.memory_space<semaphore_mem>>) src(%dma_wait3A_1831 : memref<64x128xf32, #tpu.memory_space<vmem>>) dst(%dma_wait3A_1827 : memref<64x128xf32, #tpu.memory_space<hbm>>)
        %add3A_1832 = arith.constant 10 : i32
        %add3A_1833 = arith.addi %add3A_1103, %add3A_1832 : i32
        %jit3A_1834 = arith.constant 2 : i32
        %div3A_1835 = arith.divsi %add3A_1833, %jit3A_1834 : i32
        %sign3A_1836 = arith.constant 0 : i32
        %sign3A_1837 = arith.cmpi sgt, %add3A_1833, %sign3A_1836 : i32
        %sign3A_1838 = arith.extui %sign3A_1837 : i1 to i32
        %sign3A_1839 = arith.constant 0 : i32
        %sign3A_1840 = arith.cmpi slt, %add3A_1833, %sign3A_1839 : i32
        %sign3A_1841 = arith.extui %sign3A_1840 : i1 to i32
        %sign3A_1842 = arith.subi %sign3A_1838, %sign3A_1841 : i32
        %sign3A_1843 = arith.constant 0 : i32
        %sign3A_1844 = arith.cmpi sgt, %jit3A_1834, %sign3A_1843 : i32
        %sign3A_1845 = arith.extui %sign3A_1844 : i1 to i32
        %sign3A_1846 = arith.constant 0 : i32
        %sign3A_1847 = arith.cmpi slt, %jit3A_1834, %sign3A_1846 : i32
        %sign3A_1848 = arith.extui %sign3A_1847 : i1 to i32
        %sign3A_1849 = arith.subi %sign3A_1845, %sign3A_1848 : i32
        %ne3A_1850 = arith.cmpi ne, %sign3A_1842, %sign3A_1849 : i32
        %rem3A_1851 = arith.remsi %add3A_1833, %jit3A_1834 : i32
        %ne3A_1852 = arith.constant 0 : i32
        %ne3A_1853 = arith.cmpi ne, %rem3A_1851, %ne3A_1852 : i32
        %and3A_1854 = arith.andi %ne3A_1850, %ne3A_1853 : i1
        %sub3A_1855 = arith.constant 1 : i32
        %sub3A_1856 = arith.subi %div3A_1835, %sub3A_1855 : i32
        %select_n3A_1857 = arith.select %and3A_1854, %sub3A_1856, %div3A_1835 : i32
        %jit3A_1858 = arith.constant 2 : i32
        %eq3A_1859 = arith.constant 0 : i32
        %eq3A_1860 = arith.cmpi eq, %jit3A_1858, %eq3A_1859 : i32
        %jit3A_1861 = arith.constant 1 : i32
        %select_n3A_1862 = arith.select %eq3A_1860, %jit3A_1861, %jit3A_1858 : i32
        %rem3A_1863 = arith.remsi %add3A_1833, %select_n3A_1862 : i32
        %ne3A_1864 = arith.constant 0 : i32
        %ne3A_1865 = arith.cmpi ne, %rem3A_1863, %ne3A_1864 : i32
        %lt3A_1866 = arith.constant 0 : i32
        %lt3A_1867 = arith.cmpi slt, %rem3A_1863, %lt3A_1866 : i32
        %lt3A_1868 = arith.constant 0 : i32
        %lt3A_1869 = arith.cmpi slt, %select_n3A_1862, %lt3A_1868 : i32
        %ne3A_1870 = arith.xori %lt3A_1867, %lt3A_1869 : i1
        %and3A_1871 = arith.andi %ne3A_1870, %ne3A_1865 : i1
        %add3A_1872 = arith.addi %rem3A_1863, %select_n3A_1862 : i32
        %select_n3A_1873 = arith.select %and3A_1871, %add3A_1872, %rem3A_1863 : i32
        %mul3A_1874 = arith.constant 64 : i32
        %mul3A_1875 = arith.muli %select_n3A_1873, %mul3A_1874 : i32
        %dma_start3A_1876 = arith.constant 5 : i32
        %dma_start3A_1877 = arith.constant 5 : i32
        %dma_start3A_1878 = arith.constant 0 : i32
        %dma_start3A_1879 = arith.constant 0 : i32
        %dma_start3A_1880 = tpu.memref_slice %arg6[%dma_start3A_1876, %dma_start3A_1878, %dma_start3A_1879] : memref<10x64x128xf32, #tpu.memory_space<vmem>> -> memref<1x64x128xf32, #tpu.memory_space<vmem>>
        %dma_start3A_1881 = tpu.memref_squeeze %dma_start3A_1880 : memref<1x64x128xf32, #tpu.memory_space<vmem>> -> memref<64x128xf32, #tpu.memory_space<vmem>>
        %dma_start3A_1882 = arith.constant 0 : i32
        %dma_start3A_1883 = tpu.memref_slice %arg5[%select_n3A_1857, %dma_start3A_1882] : memref<50x128xi32, #tpu.memory_space<vmem>> -> memref<1x128xi32, #tpu.memory_space<vmem>>
        %dma_start3A_1884 = tpu.memref_squeeze %dma_start3A_1883 : memref<1x128xi32, #tpu.memory_space<vmem>> -> memref<128xi32, #tpu.memory_space<vmem>>
        %dma_start3A_1885 = tpu.memref_slice %dma_start3A_1884[%mul3A_1875] : memref<128xi32, #tpu.memory_space<vmem>> -> memref<64xi32, #tpu.memory_space<vmem>>
        %dma_start3A_1886 = arith.constant 0 : i32
        %dma_start3A_1887 = arith.constant 0 : i32
        %dma_start3A_1888 = tpu.memref_slice %arg2[%dma_start3A_1886, %dma_start3A_1887] : memref<100000x128xf32, #tpu.memory_space<hbm>> -> memref<100000x128xf32, #tpu.memory_space<hbm>>
        %dma_start3A_1889 = tpu.memref_slice %arg7[%dma_start3A_1877] : memref<10x!tpu.dma_semaphore, #tpu.memory_space<semaphore_mem>> -> memref<1x!tpu.dma_semaphore, #tpu.memory_space<semaphore_mem>>
        %dma_start3A_1890 = tpu.memref_squeeze %dma_start3A_1889 : memref<1x!tpu.dma_semaphore, #tpu.memory_space<semaphore_mem>> -> memref<!tpu.dma_semaphore, #tpu.memory_space<semaphore_mem>>
        tpu.enqueue_indirect_dma source(%dma_start3A_1888 : memref<100000x128xf32, #tpu.memory_space<hbm>>) target(%dma_start3A_1881 : memref<64x128xf32, #tpu.memory_space<vmem>>) offsets(%dma_start3A_1885 : memref<64xi32, #tpu.memory_space<vmem>>) semaphore(%dma_start3A_1890 : memref<!tpu.dma_semaphore, #tpu.memory_space<semaphore_mem>>)
      } else {
      }
      %mul3A_1233 = arith.constant 10 : i32
      %mul3A_1234 = arith.muli %scan3A_446, %mul3A_1233 : i32
      %add3A_1235 = arith.constant 6 : i32
      %add3A_1236 = arith.addi %mul3A_1234, %add3A_1235 : i32
      %jit3A_1237 = arith.constant 2 : i32
      %div3A_1238 = arith.divsi %add3A_1236, %jit3A_1237 : i32
      %sign3A_1239 = arith.constant 0 : i32
      %sign3A_1240 = arith.cmpi sgt, %add3A_1236, %sign3A_1239 : i32
      %sign3A_1241 = arith.extui %sign3A_1240 : i1 to i32
      %sign3A_1242 = arith.constant 0 : i32
      %sign3A_1243 = arith.cmpi slt, %add3A_1236, %sign3A_1242 : i32
      %sign3A_1244 = arith.extui %sign3A_1243 : i1 to i32
      %sign3A_1245 = arith.subi %sign3A_1241, %sign3A_1244 : i32
      %sign3A_1246 = arith.constant 0 : i32
      %sign3A_1247 = arith.cmpi sgt, %jit3A_1237, %sign3A_1246 : i32
      %sign3A_1248 = arith.extui %sign3A_1247 : i1 to i32
      %sign3A_1249 = arith.constant 0 : i32
      %sign3A_1250 = arith.cmpi slt, %jit3A_1237, %sign3A_1249 : i32
      %sign3A_1251 = arith.extui %sign3A_1250 : i1 to i32
      %sign3A_1252 = arith.subi %sign3A_1248, %sign3A_1251 : i32
      %ne3A_1253 = arith.cmpi ne, %sign3A_1245, %sign3A_1252 : i32
      %rem3A_1254 = arith.remsi %add3A_1236, %jit3A_1237 : i32
      %ne3A_1255 = arith.constant 0 : i32
      %ne3A_1256 = arith.cmpi ne, %rem3A_1254, %ne3A_1255 : i32
      %and3A_1257 = arith.andi %ne3A_1253, %ne3A_1256 : i1
      %sub3A_1258 = arith.constant 1 : i32
      %sub3A_1259 = arith.subi %div3A_1238, %sub3A_1258 : i32
      %select_n3A_1260 = arith.select %and3A_1257, %sub3A_1259, %div3A_1238 : i32
      %jit3A_1261 = arith.constant 2 : i32
      %eq3A_1262 = arith.constant 0 : i32
      %eq3A_1263 = arith.cmpi eq, %jit3A_1261, %eq3A_1262 : i32
      %jit3A_1264 = arith.constant 1 : i32
      %select_n3A_1265 = arith.select %eq3A_1263, %jit3A_1264, %jit3A_1261 : i32
      %rem3A_1266 = arith.remsi %add3A_1236, %select_n3A_1265 : i32
      %ne3A_1267 = arith.constant 0 : i32
      %ne3A_1268 = arith.cmpi ne, %rem3A_1266, %ne3A_1267 : i32
      %lt3A_1269 = arith.constant 0 : i32
      %lt3A_1270 = arith.cmpi slt, %rem3A_1266, %lt3A_1269 : i32
      %lt3A_1271 = arith.constant 0 : i32
      %lt3A_1272 = arith.cmpi slt, %select_n3A_1265, %lt3A_1271 : i32
      %ne3A_1273 = arith.xori %lt3A_1270, %lt3A_1272 : i1
      %and3A_1274 = arith.andi %ne3A_1273, %ne3A_1268 : i1
      %add3A_1275 = arith.addi %rem3A_1266, %select_n3A_1265 : i32
      %select_n3A_1276 = arith.select %and3A_1274, %add3A_1275, %rem3A_1266 : i32
      %mul3A_1277 = arith.constant 64 : i32
      %mul3A_1278 = arith.muli %select_n3A_1276, %mul3A_1277 : i32
      %dma_wait3A_1279 = arith.constant 6 : i32
      %dma_wait3A_1280 = arith.constant 6 : i32
      %dma_wait3A_1281 = arith.constant 0 : i32
      %dma_wait3A_1282 = arith.constant 0 : i32
      %dma_wait3A_1283 = tpu.memref_slice %arg6[%dma_wait3A_1279, %dma_wait3A_1281, %dma_wait3A_1282] : memref<10x64x128xf32, #tpu.memory_space<vmem>> -> memref<1x64x128xf32, #tpu.memory_space<vmem>>
      %dma_wait3A_1284 = tpu.memref_squeeze %dma_wait3A_1283 : memref<1x64x128xf32, #tpu.memory_space<vmem>> -> memref<64x128xf32, #tpu.memory_space<vmem>>
      %dma_wait3A_1285 = arith.constant 0 : i32
      %dma_wait3A_1286 = tpu.memref_slice %arg5[%select_n3A_1260, %dma_wait3A_1285] : memref<50x128xi32, #tpu.memory_space<vmem>> -> memref<1x128xi32, #tpu.memory_space<vmem>>
      %dma_wait3A_1287 = tpu.memref_squeeze %dma_wait3A_1286 : memref<1x128xi32, #tpu.memory_space<vmem>> -> memref<128xi32, #tpu.memory_space<vmem>>
      %dma_wait3A_1288 = tpu.memref_slice %dma_wait3A_1287[%mul3A_1278] : memref<128xi32, #tpu.memory_space<vmem>> -> memref<64xi32, #tpu.memory_space<vmem>>
      %dma_wait3A_1289 = arith.constant 0 : i32
      %dma_wait3A_1290 = arith.constant 0 : i32
      %dma_wait3A_1291 = tpu.memref_slice %arg2[%dma_wait3A_1289, %dma_wait3A_1290] : memref<100000x128xf32, #tpu.memory_space<hbm>> -> memref<100000x128xf32, #tpu.memory_space<hbm>>
      %dma_wait3A_1292 = tpu.memref_slice %arg7[%dma_wait3A_1280] : memref<10x!tpu.dma_semaphore, #tpu.memory_space<semaphore_mem>> -> memref<1x!tpu.dma_semaphore, #tpu.memory_space<semaphore_mem>>
      %dma_wait3A_1293 = tpu.memref_squeeze %dma_wait3A_1292 : memref<1x!tpu.dma_semaphore, #tpu.memory_space<semaphore_mem>> -> memref<!tpu.dma_semaphore, #tpu.memory_space<semaphore_mem>>
      tpu.wait_indirect_dma semaphore(%dma_wait3A_1293 : memref<!tpu.dma_semaphore, #tpu.memory_space<semaphore_mem>>) src(%dma_wait3A_1291 : memref<100000x128xf32, #tpu.memory_space<hbm>>) dst(%dma_wait3A_1284 : memref<64x128xf32, #tpu.memory_space<vmem>>)
      %jit3A_1294 = arith.constant 2 : i32
      %div3A_1295 = arith.divsi %add3A_1236, %jit3A_1294 : i32
      %sign3A_1296 = arith.constant 0 : i32
      %sign3A_1297 = arith.cmpi sgt, %add3A_1236, %sign3A_1296 : i32
      %sign3A_1298 = arith.extui %sign3A_1297 : i1 to i32
      %sign3A_1299 = arith.constant 0 : i32
      %sign3A_1300 = arith.cmpi slt, %add3A_1236, %sign3A_1299 : i32
      %sign3A_1301 = arith.extui %sign3A_1300 : i1 to i32
      %sign3A_1302 = arith.subi %sign3A_1298, %sign3A_1301 : i32
      %sign3A_1303 = arith.constant 0 : i32
      %sign3A_1304 = arith.cmpi sgt, %jit3A_1294, %sign3A_1303 : i32
      %sign3A_1305 = arith.extui %sign3A_1304 : i1 to i32
      %sign3A_1306 = arith.constant 0 : i32
      %sign3A_1307 = arith.cmpi slt, %jit3A_1294, %sign3A_1306 : i32
      %sign3A_1308 = arith.extui %sign3A_1307 : i1 to i32
      %sign3A_1309 = arith.subi %sign3A_1305, %sign3A_1308 : i32
      %ne3A_1310 = arith.cmpi ne, %sign3A_1302, %sign3A_1309 : i32
      %rem3A_1311 = arith.remsi %add3A_1236, %jit3A_1294 : i32
      %ne3A_1312 = arith.constant 0 : i32
      %ne3A_1313 = arith.cmpi ne, %rem3A_1311, %ne3A_1312 : i32
      %and3A_1314 = arith.andi %ne3A_1310, %ne3A_1313 : i1
      %sub3A_1315 = arith.constant 1 : i32
      %sub3A_1316 = arith.subi %div3A_1295, %sub3A_1315 : i32
      %select_n3A_1317 = arith.select %and3A_1314, %sub3A_1316, %div3A_1295 : i32
      %jit3A_1318 = arith.constant 2 : i32
      %eq3A_1319 = arith.constant 0 : i32
      %eq3A_1320 = arith.cmpi eq, %jit3A_1318, %eq3A_1319 : i32
      %jit3A_1321 = arith.constant 1 : i32
      %select_n3A_1322 = arith.select %eq3A_1320, %jit3A_1321, %jit3A_1318 : i32
      %rem3A_1323 = arith.remsi %add3A_1236, %select_n3A_1322 : i32
      %ne3A_1324 = arith.constant 0 : i32
      %ne3A_1325 = arith.cmpi ne, %rem3A_1323, %ne3A_1324 : i32
      %lt3A_1326 = arith.constant 0 : i32
      %lt3A_1327 = arith.cmpi slt, %rem3A_1323, %lt3A_1326 : i32
      %lt3A_1328 = arith.constant 0 : i32
      %lt3A_1329 = arith.cmpi slt, %select_n3A_1322, %lt3A_1328 : i32
      %ne3A_1330 = arith.xori %lt3A_1327, %lt3A_1329 : i1
      %and3A_1331 = arith.andi %ne3A_1330, %ne3A_1325 : i1
      %add3A_1332 = arith.addi %rem3A_1323, %select_n3A_1322 : i32
      %select_n3A_1333 = arith.select %and3A_1331, %add3A_1332, %rem3A_1323 : i32
      %mul3A_1334 = arith.constant 64 : i32
      %mul3A_1335 = arith.muli %select_n3A_1333, %mul3A_1334 : i32
      %add3A_1336 = arith.addi %mul3A_2, %mul3A_1335 : i32
      %dma_start3A_1337 = arith.constant 6 : i32
      %dma_start3A_1338 = arith.constant 6 : i32
      %dma_start3A_1339 = arith.constant 0 : i32
      %dma_start3A_1340 = arith.constant 0 : i32
      %dma_start3A_1341 = tpu.memref_slice %arg6[%dma_start3A_1337, %dma_start3A_1339, %dma_start3A_1340] : memref<10x64x128xf32, #tpu.memory_space<vmem>> -> memref<1x64x128xf32, #tpu.memory_space<vmem>>
      %dma_start3A_1342 = tpu.memref_squeeze %dma_start3A_1341 : memref<1x64x128xf32, #tpu.memory_space<vmem>> -> memref<64x128xf32, #tpu.memory_space<vmem>>
      %dma_start3A_1343 = arith.constant 0 : i32
      %dma_start3A_1344 = arith.constant 0 : i32
      %dma_start3A_1345 = tpu.memref_slice %arg4[%select_n3A_1317, %dma_start3A_1343, %dma_start3A_1344] : memref<50x4096x128xf32, #tpu.memory_space<hbm>> -> memref<1x4096x128xf32, #tpu.memory_space<hbm>>
      %dma_start3A_1346 = tpu.memref_squeeze %dma_start3A_1345 : memref<1x4096x128xf32, #tpu.memory_space<hbm>> -> memref<4096x128xf32, #tpu.memory_space<hbm>>
      %dma_start3A_1347 = arith.constant 0 : i32
      %dma_start3A_1348 = tpu.memref_slice %dma_start3A_1346[%add3A_1336, %dma_start3A_1347] : memref<4096x128xf32, #tpu.memory_space<hbm>> -> memref<64x128xf32, #tpu.memory_space<hbm>>
      %dma_start3A_1349 = tpu.memref_slice %arg8[%dma_start3A_1338] : memref<10x!tpu.dma_semaphore, #tpu.memory_space<semaphore_mem>> -> memref<1x!tpu.dma_semaphore, #tpu.memory_space<semaphore_mem>>
      %dma_start3A_1350 = tpu.memref_squeeze %dma_start3A_1349 : memref<1x!tpu.dma_semaphore, #tpu.memory_space<semaphore_mem>> -> memref<!tpu.dma_semaphore, #tpu.memory_space<semaphore_mem>>
      %dma_start3A_1351 = arith.constant 0 : i32
      %dma_start3A_1352 = arith.constant 0 : i32
      %dma_start3A_1353 = tpu.memref_slice %arg4[%select_n3A_1317, %dma_start3A_1351, %dma_start3A_1352] : memref<50x4096x128xf32, #tpu.memory_space<hbm>> -> memref<1x4096x128xf32, #tpu.memory_space<hbm>>
      %dma_start3A_1354 = tpu.memref_squeeze %dma_start3A_1353 : memref<1x4096x128xf32, #tpu.memory_space<hbm>> -> memref<4096x128xf32, #tpu.memory_space<hbm>>
      %dma_start3A_1355 = arith.constant 0 : i32
      %dma_start3A_1356 = tpu.memref_slice %dma_start3A_1354[%add3A_1336, %dma_start3A_1355] : memref<4096x128xf32, #tpu.memory_space<hbm>> -> memref<64x128xf32, #tpu.memory_space<hbm>>
      %dma_start3A_1357 = arith.constant 0 : i32
      %dma_start3A_1358 = arith.constant 0 : i32
      %dma_start3A_1359 = tpu.memref_slice %arg6[%dma_start3A_1337, %dma_start3A_1357, %dma_start3A_1358] : memref<10x64x128xf32, #tpu.memory_space<vmem>> -> memref<1x64x128xf32, #tpu.memory_space<vmem>>
      %dma_start3A_1360 = tpu.memref_squeeze %dma_start3A_1359 : memref<1x64x128xf32, #tpu.memory_space<vmem>> -> memref<64x128xf32, #tpu.memory_space<vmem>>
      tpu.enqueue_dma source(%dma_start3A_1360 : memref<64x128xf32, #tpu.memory_space<vmem>>) target(%dma_start3A_1356 : memref<64x128xf32, #tpu.memory_space<hbm>>) target_semaphore(%dma_start3A_1350 : memref<!tpu.dma_semaphore, #tpu.memory_space<semaphore_mem>>)
      %lt3A_1361 = arith.constant 9 : i32
      %lt3A_1362 = arith.cmpi slt, %scan3A_446, %lt3A_1361 : i32
      %convert_element_type3A_1363 = arith.extui %lt3A_1362 : i1 to i32
      %cond3A_1364 = arith.constant 0 : i32
      %cond3A_1365 = arith.cmpi ne, %convert_element_type3A_1363, %cond3A_1364 : i32
      scf.if %cond3A_1365 {
        %jit3A_1765 = arith.constant 2 : i32
        %div3A_1766 = arith.divsi %add3A_1236, %jit3A_1765 : i32
        %sign3A_1767 = arith.constant 0 : i32
        %sign3A_1768 = arith.cmpi sgt, %add3A_1236, %sign3A_1767 : i32
        %sign3A_1769 = arith.extui %sign3A_1768 : i1 to i32
        %sign3A_1770 = arith.constant 0 : i32
        %sign3A_1771 = arith.cmpi slt, %add3A_1236, %sign3A_1770 : i32
        %sign3A_1772 = arith.extui %sign3A_1771 : i1 to i32
        %sign3A_1773 = arith.subi %sign3A_1769, %sign3A_1772 : i32
        %sign3A_1774 = arith.constant 0 : i32
        %sign3A_1775 = arith.cmpi sgt, %jit3A_1765, %sign3A_1774 : i32
        %sign3A_1776 = arith.extui %sign3A_1775 : i1 to i32
        %sign3A_1777 = arith.constant 0 : i32
        %sign3A_1778 = arith.cmpi slt, %jit3A_1765, %sign3A_1777 : i32
        %sign3A_1779 = arith.extui %sign3A_1778 : i1 to i32
        %sign3A_1780 = arith.subi %sign3A_1776, %sign3A_1779 : i32
        %ne3A_1781 = arith.cmpi ne, %sign3A_1773, %sign3A_1780 : i32
        %rem3A_1782 = arith.remsi %add3A_1236, %jit3A_1765 : i32
        %ne3A_1783 = arith.constant 0 : i32
        %ne3A_1784 = arith.cmpi ne, %rem3A_1782, %ne3A_1783 : i32
        %and3A_1785 = arith.andi %ne3A_1781, %ne3A_1784 : i1
        %sub3A_1786 = arith.constant 1 : i32
        %sub3A_1787 = arith.subi %div3A_1766, %sub3A_1786 : i32
        %select_n3A_1788 = arith.select %and3A_1785, %sub3A_1787, %div3A_1766 : i32
        %jit3A_1789 = arith.constant 2 : i32
        %eq3A_1790 = arith.constant 0 : i32
        %eq3A_1791 = arith.cmpi eq, %jit3A_1789, %eq3A_1790 : i32
        %jit3A_1792 = arith.constant 1 : i32
        %select_n3A_1793 = arith.select %eq3A_1791, %jit3A_1792, %jit3A_1789 : i32
        %rem3A_1794 = arith.remsi %add3A_1236, %select_n3A_1793 : i32
        %ne3A_1795 = arith.constant 0 : i32
        %ne3A_1796 = arith.cmpi ne, %rem3A_1794, %ne3A_1795 : i32
        %lt3A_1797 = arith.constant 0 : i32
        %lt3A_1798 = arith.cmpi slt, %rem3A_1794, %lt3A_1797 : i32
        %lt3A_1799 = arith.constant 0 : i32
        %lt3A_1800 = arith.cmpi slt, %select_n3A_1793, %lt3A_1799 : i32
        %ne3A_1801 = arith.xori %lt3A_1798, %lt3A_1800 : i1
        %and3A_1802 = arith.andi %ne3A_1801, %ne3A_1796 : i1
        %add3A_1803 = arith.addi %rem3A_1794, %select_n3A_1793 : i32
        %select_n3A_1804 = arith.select %and3A_1802, %add3A_1803, %rem3A_1794 : i32
        %mul3A_1805 = arith.constant 64 : i32
        %mul3A_1806 = arith.muli %select_n3A_1804, %mul3A_1805 : i32
        %add3A_1807 = arith.addi %mul3A_2, %mul3A_1806 : i32
        %dma_wait3A_1808 = arith.constant 6 : i32
        %dma_wait3A_1809 = arith.constant 6 : i32
        %dma_wait3A_1810 = arith.constant 0 : i32
        %dma_wait3A_1811 = arith.constant 0 : i32
        %dma_wait3A_1812 = tpu.memref_slice %arg6[%dma_wait3A_1808, %dma_wait3A_1810, %dma_wait3A_1811] : memref<10x64x128xf32, #tpu.memory_space<vmem>> -> memref<1x64x128xf32, #tpu.memory_space<vmem>>
        %dma_wait3A_1813 = tpu.memref_squeeze %dma_wait3A_1812 : memref<1x64x128xf32, #tpu.memory_space<vmem>> -> memref<64x128xf32, #tpu.memory_space<vmem>>
        %dma_wait3A_1814 = arith.constant 0 : i32
        %dma_wait3A_1815 = arith.constant 0 : i32
        %dma_wait3A_1816 = tpu.memref_slice %arg4[%select_n3A_1788, %dma_wait3A_1814, %dma_wait3A_1815] : memref<50x4096x128xf32, #tpu.memory_space<hbm>> -> memref<1x4096x128xf32, #tpu.memory_space<hbm>>
        %dma_wait3A_1817 = tpu.memref_squeeze %dma_wait3A_1816 : memref<1x4096x128xf32, #tpu.memory_space<hbm>> -> memref<4096x128xf32, #tpu.memory_space<hbm>>
        %dma_wait3A_1818 = arith.constant 0 : i32
        %dma_wait3A_1819 = tpu.memref_slice %dma_wait3A_1817[%add3A_1807, %dma_wait3A_1818] : memref<4096x128xf32, #tpu.memory_space<hbm>> -> memref<64x128xf32, #tpu.memory_space<hbm>>
        %dma_wait3A_1820 = tpu.memref_slice %arg8[%dma_wait3A_1809] : memref<10x!tpu.dma_semaphore, #tpu.memory_space<semaphore_mem>> -> memref<1x!tpu.dma_semaphore, #tpu.memory_space<semaphore_mem>>
        %dma_wait3A_1821 = tpu.memref_squeeze %dma_wait3A_1820 : memref<1x!tpu.dma_semaphore, #tpu.memory_space<semaphore_mem>> -> memref<!tpu.dma_semaphore, #tpu.memory_space<semaphore_mem>>
        %dma_wait3A_1822 = arith.constant 0 : i32
        %dma_wait3A_1823 = arith.constant 0 : i32
        %dma_wait3A_1824 = tpu.memref_slice %arg4[%select_n3A_1788, %dma_wait3A_1822, %dma_wait3A_1823] : memref<50x4096x128xf32, #tpu.memory_space<hbm>> -> memref<1x4096x128xf32, #tpu.memory_space<hbm>>
        %dma_wait3A_1825 = tpu.memref_squeeze %dma_wait3A_1824 : memref<1x4096x128xf32, #tpu.memory_space<hbm>> -> memref<4096x128xf32, #tpu.memory_space<hbm>>
        %dma_wait3A_1826 = arith.constant 0 : i32
        %dma_wait3A_1827 = tpu.memref_slice %dma_wait3A_1825[%add3A_1807, %dma_wait3A_1826] : memref<4096x128xf32, #tpu.memory_space<hbm>> -> memref<64x128xf32, #tpu.memory_space<hbm>>
        %dma_wait3A_1828 = arith.constant 0 : i32
        %dma_wait3A_1829 = arith.constant 0 : i32
        %dma_wait3A_1830 = tpu.memref_slice %arg6[%dma_wait3A_1808, %dma_wait3A_1828, %dma_wait3A_1829] : memref<10x64x128xf32, #tpu.memory_space<vmem>> -> memref<1x64x128xf32, #tpu.memory_space<vmem>>
        %dma_wait3A_1831 = tpu.memref_squeeze %dma_wait3A_1830 : memref<1x64x128xf32, #tpu.memory_space<vmem>> -> memref<64x128xf32, #tpu.memory_space<vmem>>
        tpu.wait_dma2 semaphore(%dma_wait3A_1821 : memref<!tpu.dma_semaphore, #tpu.memory_space<semaphore_mem>>) src(%dma_wait3A_1831 : memref<64x128xf32, #tpu.memory_space<vmem>>) dst(%dma_wait3A_1827 : memref<64x128xf32, #tpu.memory_space<hbm>>)
        %add3A_1832 = arith.constant 10 : i32
        %add3A_1833 = arith.addi %add3A_1236, %add3A_1832 : i32
        %jit3A_1834 = arith.constant 2 : i32
        %div3A_1835 = arith.divsi %add3A_1833, %jit3A_1834 : i32
        %sign3A_1836 = arith.constant 0 : i32
        %sign3A_1837 = arith.cmpi sgt, %add3A_1833, %sign3A_1836 : i32
        %sign3A_1838 = arith.extui %sign3A_1837 : i1 to i32
        %sign3A_1839 = arith.constant 0 : i32
        %sign3A_1840 = arith.cmpi slt, %add3A_1833, %sign3A_1839 : i32
        %sign3A_1841 = arith.extui %sign3A_1840 : i1 to i32
        %sign3A_1842 = arith.subi %sign3A_1838, %sign3A_1841 : i32
        %sign3A_1843 = arith.constant 0 : i32
        %sign3A_1844 = arith.cmpi sgt, %jit3A_1834, %sign3A_1843 : i32
        %sign3A_1845 = arith.extui %sign3A_1844 : i1 to i32
        %sign3A_1846 = arith.constant 0 : i32
        %sign3A_1847 = arith.cmpi slt, %jit3A_1834, %sign3A_1846 : i32
        %sign3A_1848 = arith.extui %sign3A_1847 : i1 to i32
        %sign3A_1849 = arith.subi %sign3A_1845, %sign3A_1848 : i32
        %ne3A_1850 = arith.cmpi ne, %sign3A_1842, %sign3A_1849 : i32
        %rem3A_1851 = arith.remsi %add3A_1833, %jit3A_1834 : i32
        %ne3A_1852 = arith.constant 0 : i32
        %ne3A_1853 = arith.cmpi ne, %rem3A_1851, %ne3A_1852 : i32
        %and3A_1854 = arith.andi %ne3A_1850, %ne3A_1853 : i1
        %sub3A_1855 = arith.constant 1 : i32
        %sub3A_1856 = arith.subi %div3A_1835, %sub3A_1855 : i32
        %select_n3A_1857 = arith.select %and3A_1854, %sub3A_1856, %div3A_1835 : i32
        %jit3A_1858 = arith.constant 2 : i32
        %eq3A_1859 = arith.constant 0 : i32
        %eq3A_1860 = arith.cmpi eq, %jit3A_1858, %eq3A_1859 : i32
        %jit3A_1861 = arith.constant 1 : i32
        %select_n3A_1862 = arith.select %eq3A_1860, %jit3A_1861, %jit3A_1858 : i32
        %rem3A_1863 = arith.remsi %add3A_1833, %select_n3A_1862 : i32
        %ne3A_1864 = arith.constant 0 : i32
        %ne3A_1865 = arith.cmpi ne, %rem3A_1863, %ne3A_1864 : i32
        %lt3A_1866 = arith.constant 0 : i32
        %lt3A_1867 = arith.cmpi slt, %rem3A_1863, %lt3A_1866 : i32
        %lt3A_1868 = arith.constant 0 : i32
        %lt3A_1869 = arith.cmpi slt, %select_n3A_1862, %lt3A_1868 : i32
        %ne3A_1870 = arith.xori %lt3A_1867, %lt3A_1869 : i1
        %and3A_1871 = arith.andi %ne3A_1870, %ne3A_1865 : i1
        %add3A_1872 = arith.addi %rem3A_1863, %select_n3A_1862 : i32
        %select_n3A_1873 = arith.select %and3A_1871, %add3A_1872, %rem3A_1863 : i32
        %mul3A_1874 = arith.constant 64 : i32
        %mul3A_1875 = arith.muli %select_n3A_1873, %mul3A_1874 : i32
        %dma_start3A_1876 = arith.constant 6 : i32
        %dma_start3A_1877 = arith.constant 6 : i32
        %dma_start3A_1878 = arith.constant 0 : i32
        %dma_start3A_1879 = arith.constant 0 : i32
        %dma_start3A_1880 = tpu.memref_slice %arg6[%dma_start3A_1876, %dma_start3A_1878, %dma_start3A_1879] : memref<10x64x128xf32, #tpu.memory_space<vmem>> -> memref<1x64x128xf32, #tpu.memory_space<vmem>>
        %dma_start3A_1881 = tpu.memref_squeeze %dma_start3A_1880 : memref<1x64x128xf32, #tpu.memory_space<vmem>> -> memref<64x128xf32, #tpu.memory_space<vmem>>
        %dma_start3A_1882 = arith.constant 0 : i32
        %dma_start3A_1883 = tpu.memref_slice %arg5[%select_n3A_1857, %dma_start3A_1882] : memref<50x128xi32, #tpu.memory_space<vmem>> -> memref<1x128xi32, #tpu.memory_space<vmem>>
        %dma_start3A_1884 = tpu.memref_squeeze %dma_start3A_1883 : memref<1x128xi32, #tpu.memory_space<vmem>> -> memref<128xi32, #tpu.memory_space<vmem>>
        %dma_start3A_1885 = tpu.memref_slice %dma_start3A_1884[%mul3A_1875] : memref<128xi32, #tpu.memory_space<vmem>> -> memref<64xi32, #tpu.memory_space<vmem>>
        %dma_start3A_1886 = arith.constant 0 : i32
        %dma_start3A_1887 = arith.constant 0 : i32
        %dma_start3A_1888 = tpu.memref_slice %arg2[%dma_start3A_1886, %dma_start3A_1887] : memref<100000x128xf32, #tpu.memory_space<hbm>> -> memref<100000x128xf32, #tpu.memory_space<hbm>>
        %dma_start3A_1889 = tpu.memref_slice %arg7[%dma_start3A_1877] : memref<10x!tpu.dma_semaphore, #tpu.memory_space<semaphore_mem>> -> memref<1x!tpu.dma_semaphore, #tpu.memory_space<semaphore_mem>>
        %dma_start3A_1890 = tpu.memref_squeeze %dma_start3A_1889 : memref<1x!tpu.dma_semaphore, #tpu.memory_space<semaphore_mem>> -> memref<!tpu.dma_semaphore, #tpu.memory_space<semaphore_mem>>
        tpu.enqueue_indirect_dma source(%dma_start3A_1888 : memref<100000x128xf32, #tpu.memory_space<hbm>>) target(%dma_start3A_1881 : memref<64x128xf32, #tpu.memory_space<vmem>>) offsets(%dma_start3A_1885 : memref<64xi32, #tpu.memory_space<vmem>>) semaphore(%dma_start3A_1890 : memref<!tpu.dma_semaphore, #tpu.memory_space<semaphore_mem>>)
      } else {
      }
      %mul3A_1366 = arith.constant 10 : i32
      %mul3A_1367 = arith.muli %scan3A_446, %mul3A_1366 : i32
      %add3A_1368 = arith.constant 7 : i32
      %add3A_1369 = arith.addi %mul3A_1367, %add3A_1368 : i32
      %jit3A_1370 = arith.constant 2 : i32
      %div3A_1371 = arith.divsi %add3A_1369, %jit3A_1370 : i32
      %sign3A_1372 = arith.constant 0 : i32
      %sign3A_1373 = arith.cmpi sgt, %add3A_1369, %sign3A_1372 : i32
      %sign3A_1374 = arith.extui %sign3A_1373 : i1 to i32
      %sign3A_1375 = arith.constant 0 : i32
      %sign3A_1376 = arith.cmpi slt, %add3A_1369, %sign3A_1375 : i32
      %sign3A_1377 = arith.extui %sign3A_1376 : i1 to i32
      %sign3A_1378 = arith.subi %sign3A_1374, %sign3A_1377 : i32
      %sign3A_1379 = arith.constant 0 : i32
      %sign3A_1380 = arith.cmpi sgt, %jit3A_1370, %sign3A_1379 : i32
      %sign3A_1381 = arith.extui %sign3A_1380 : i1 to i32
      %sign3A_1382 = arith.constant 0 : i32
      %sign3A_1383 = arith.cmpi slt, %jit3A_1370, %sign3A_1382 : i32
      %sign3A_1384 = arith.extui %sign3A_1383 : i1 to i32
      %sign3A_1385 = arith.subi %sign3A_1381, %sign3A_1384 : i32
      %ne3A_1386 = arith.cmpi ne, %sign3A_1378, %sign3A_1385 : i32
      %rem3A_1387 = arith.remsi %add3A_1369, %jit3A_1370 : i32
      %ne3A_1388 = arith.constant 0 : i32
      %ne3A_1389 = arith.cmpi ne, %rem3A_1387, %ne3A_1388 : i32
      %and3A_1390 = arith.andi %ne3A_1386, %ne3A_1389 : i1
      %sub3A_1391 = arith.constant 1 : i32
      %sub3A_1392 = arith.subi %div3A_1371, %sub3A_1391 : i32
      %select_n3A_1393 = arith.select %and3A_1390, %sub3A_1392, %div3A_1371 : i32
      %jit3A_1394 = arith.constant 2 : i32
      %eq3A_1395 = arith.constant 0 : i32
      %eq3A_1396 = arith.cmpi eq, %jit3A_1394, %eq3A_1395 : i32
      %jit3A_1397 = arith.constant 1 : i32
      %select_n3A_1398 = arith.select %eq3A_1396, %jit3A_1397, %jit3A_1394 : i32
      %rem3A_1399 = arith.remsi %add3A_1369, %select_n3A_1398 : i32
      %ne3A_1400 = arith.constant 0 : i32
      %ne3A_1401 = arith.cmpi ne, %rem3A_1399, %ne3A_1400 : i32
      %lt3A_1402 = arith.constant 0 : i32
      %lt3A_1403 = arith.cmpi slt, %rem3A_1399, %lt3A_1402 : i32
      %lt3A_1404 = arith.constant 0 : i32
      %lt3A_1405 = arith.cmpi slt, %select_n3A_1398, %lt3A_1404 : i32
      %ne3A_1406 = arith.xori %lt3A_1403, %lt3A_1405 : i1
      %and3A_1407 = arith.andi %ne3A_1406, %ne3A_1401 : i1
      %add3A_1408 = arith.addi %rem3A_1399, %select_n3A_1398 : i32
      %select_n3A_1409 = arith.select %and3A_1407, %add3A_1408, %rem3A_1399 : i32
      %mul3A_1410 = arith.constant 64 : i32
      %mul3A_1411 = arith.muli %select_n3A_1409, %mul3A_1410 : i32
      %dma_wait3A_1412 = arith.constant 7 : i32
      %dma_wait3A_1413 = arith.constant 7 : i32
      %dma_wait3A_1414 = arith.constant 0 : i32
      %dma_wait3A_1415 = arith.constant 0 : i32
      %dma_wait3A_1416 = tpu.memref_slice %arg6[%dma_wait3A_1412, %dma_wait3A_1414, %dma_wait3A_1415] : memref<10x64x128xf32, #tpu.memory_space<vmem>> -> memref<1x64x128xf32, #tpu.memory_space<vmem>>
      %dma_wait3A_1417 = tpu.memref_squeeze %dma_wait3A_1416 : memref<1x64x128xf32, #tpu.memory_space<vmem>> -> memref<64x128xf32, #tpu.memory_space<vmem>>
      %dma_wait3A_1418 = arith.constant 0 : i32
      %dma_wait3A_1419 = tpu.memref_slice %arg5[%select_n3A_1393, %dma_wait3A_1418] : memref<50x128xi32, #tpu.memory_space<vmem>> -> memref<1x128xi32, #tpu.memory_space<vmem>>
      %dma_wait3A_1420 = tpu.memref_squeeze %dma_wait3A_1419 : memref<1x128xi32, #tpu.memory_space<vmem>> -> memref<128xi32, #tpu.memory_space<vmem>>
      %dma_wait3A_1421 = tpu.memref_slice %dma_wait3A_1420[%mul3A_1411] : memref<128xi32, #tpu.memory_space<vmem>> -> memref<64xi32, #tpu.memory_space<vmem>>
      %dma_wait3A_1422 = arith.constant 0 : i32
      %dma_wait3A_1423 = arith.constant 0 : i32
      %dma_wait3A_1424 = tpu.memref_slice %arg2[%dma_wait3A_1422, %dma_wait3A_1423] : memref<100000x128xf32, #tpu.memory_space<hbm>> -> memref<100000x128xf32, #tpu.memory_space<hbm>>
      %dma_wait3A_1425 = tpu.memref_slice %arg7[%dma_wait3A_1413] : memref<10x!tpu.dma_semaphore, #tpu.memory_space<semaphore_mem>> -> memref<1x!tpu.dma_semaphore, #tpu.memory_space<semaphore_mem>>
      %dma_wait3A_1426 = tpu.memref_squeeze %dma_wait3A_1425 : memref<1x!tpu.dma_semaphore, #tpu.memory_space<semaphore_mem>> -> memref<!tpu.dma_semaphore, #tpu.memory_space<semaphore_mem>>
      tpu.wait_indirect_dma semaphore(%dma_wait3A_1426 : memref<!tpu.dma_semaphore, #tpu.memory_space<semaphore_mem>>) src(%dma_wait3A_1424 : memref<100000x128xf32, #tpu.memory_space<hbm>>) dst(%dma_wait3A_1417 : memref<64x128xf32, #tpu.memory_space<vmem>>)
      %jit3A_1427 = arith.constant 2 : i32
      %div3A_1428 = arith.divsi %add3A_1369, %jit3A_1427 : i32
      %sign3A_1429 = arith.constant 0 : i32
      %sign3A_1430 = arith.cmpi sgt, %add3A_1369, %sign3A_1429 : i32
      %sign3A_1431 = arith.extui %sign3A_1430 : i1 to i32
      %sign3A_1432 = arith.constant 0 : i32
      %sign3A_1433 = arith.cmpi slt, %add3A_1369, %sign3A_1432 : i32
      %sign3A_1434 = arith.extui %sign3A_1433 : i1 to i32
      %sign3A_1435 = arith.subi %sign3A_1431, %sign3A_1434 : i32
      %sign3A_1436 = arith.constant 0 : i32
      %sign3A_1437 = arith.cmpi sgt, %jit3A_1427, %sign3A_1436 : i32
      %sign3A_1438 = arith.extui %sign3A_1437 : i1 to i32
      %sign3A_1439 = arith.constant 0 : i32
      %sign3A_1440 = arith.cmpi slt, %jit3A_1427, %sign3A_1439 : i32
      %sign3A_1441 = arith.extui %sign3A_1440 : i1 to i32
      %sign3A_1442 = arith.subi %sign3A_1438, %sign3A_1441 : i32
      %ne3A_1443 = arith.cmpi ne, %sign3A_1435, %sign3A_1442 : i32
      %rem3A_1444 = arith.remsi %add3A_1369, %jit3A_1427 : i32
      %ne3A_1445 = arith.constant 0 : i32
      %ne3A_1446 = arith.cmpi ne, %rem3A_1444, %ne3A_1445 : i32
      %and3A_1447 = arith.andi %ne3A_1443, %ne3A_1446 : i1
      %sub3A_1448 = arith.constant 1 : i32
      %sub3A_1449 = arith.subi %div3A_1428, %sub3A_1448 : i32
      %select_n3A_1450 = arith.select %and3A_1447, %sub3A_1449, %div3A_1428 : i32
      %jit3A_1451 = arith.constant 2 : i32
      %eq3A_1452 = arith.constant 0 : i32
      %eq3A_1453 = arith.cmpi eq, %jit3A_1451, %eq3A_1452 : i32
      %jit3A_1454 = arith.constant 1 : i32
      %select_n3A_1455 = arith.select %eq3A_1453, %jit3A_1454, %jit3A_1451 : i32
      %rem3A_1456 = arith.remsi %add3A_1369, %select_n3A_1455 : i32
      %ne3A_1457 = arith.constant 0 : i32
      %ne3A_1458 = arith.cmpi ne, %rem3A_1456, %ne3A_1457 : i32
      %lt3A_1459 = arith.constant 0 : i32
      %lt3A_1460 = arith.cmpi slt, %rem3A_1456, %lt3A_1459 : i32
      %lt3A_1461 = arith.constant 0 : i32
      %lt3A_1462 = arith.cmpi slt, %select_n3A_1455, %lt3A_1461 : i32
      %ne3A_1463 = arith.xori %lt3A_1460, %lt3A_1462 : i1
      %and3A_1464 = arith.andi %ne3A_1463, %ne3A_1458 : i1
      %add3A_1465 = arith.addi %rem3A_1456, %select_n3A_1455 : i32
      %select_n3A_1466 = arith.select %and3A_1464, %add3A_1465, %rem3A_1456 : i32
      %mul3A_1467 = arith.constant 64 : i32
      %mul3A_1468 = arith.muli %select_n3A_1466, %mul3A_1467 : i32
      %add3A_1469 = arith.addi %mul3A_2, %mul3A_1468 : i32
      %dma_start3A_1470 = arith.constant 7 : i32
      %dma_start3A_1471 = arith.constant 7 : i32
      %dma_start3A_1472 = arith.constant 0 : i32
      %dma_start3A_1473 = arith.constant 0 : i32
      %dma_start3A_1474 = tpu.memref_slice %arg6[%dma_start3A_1470, %dma_start3A_1472, %dma_start3A_1473] : memref<10x64x128xf32, #tpu.memory_space<vmem>> -> memref<1x64x128xf32, #tpu.memory_space<vmem>>
      %dma_start3A_1475 = tpu.memref_squeeze %dma_start3A_1474 : memref<1x64x128xf32, #tpu.memory_space<vmem>> -> memref<64x128xf32, #tpu.memory_space<vmem>>
      %dma_start3A_1476 = arith.constant 0 : i32
      %dma_start3A_1477 = arith.constant 0 : i32
      %dma_start3A_1478 = tpu.memref_slice %arg4[%select_n3A_1450, %dma_start3A_1476, %dma_start3A_1477] : memref<50x4096x128xf32, #tpu.memory_space<hbm>> -> memref<1x4096x128xf32, #tpu.memory_space<hbm>>
      %dma_start3A_1479 = tpu.memref_squeeze %dma_start3A_1478 : memref<1x4096x128xf32, #tpu.memory_space<hbm>> -> memref<4096x128xf32, #tpu.memory_space<hbm>>
      %dma_start3A_1480 = arith.constant 0 : i32
      %dma_start3A_1481 = tpu.memref_slice %dma_start3A_1479[%add3A_1469, %dma_start3A_1480] : memref<4096x128xf32, #tpu.memory_space<hbm>> -> memref<64x128xf32, #tpu.memory_space<hbm>>
      %dma_start3A_1482 = tpu.memref_slice %arg8[%dma_start3A_1471] : memref<10x!tpu.dma_semaphore, #tpu.memory_space<semaphore_mem>> -> memref<1x!tpu.dma_semaphore, #tpu.memory_space<semaphore_mem>>
      %dma_start3A_1483 = tpu.memref_squeeze %dma_start3A_1482 : memref<1x!tpu.dma_semaphore, #tpu.memory_space<semaphore_mem>> -> memref<!tpu.dma_semaphore, #tpu.memory_space<semaphore_mem>>
      %dma_start3A_1484 = arith.constant 0 : i32
      %dma_start3A_1485 = arith.constant 0 : i32
      %dma_start3A_1486 = tpu.memref_slice %arg4[%select_n3A_1450, %dma_start3A_1484, %dma_start3A_1485] : memref<50x4096x128xf32, #tpu.memory_space<hbm>> -> memref<1x4096x128xf32, #tpu.memory_space<hbm>>
      %dma_start3A_1487 = tpu.memref_squeeze %dma_start3A_1486 : memref<1x4096x128xf32, #tpu.memory_space<hbm>> -> memref<4096x128xf32, #tpu.memory_space<hbm>>
      %dma_start3A_1488 = arith.constant 0 : i32
      %dma_start3A_1489 = tpu.memref_slice %dma_start3A_1487[%add3A_1469, %dma_start3A_1488] : memref<4096x128xf32, #tpu.memory_space<hbm>> -> memref<64x128xf32, #tpu.memory_space<hbm>>
      %dma_start3A_1490 = arith.constant 0 : i32
      %dma_start3A_1491 = arith.constant 0 : i32
      %dma_start3A_1492 = tpu.memref_slice %arg6[%dma_start3A_1470, %dma_start3A_1490, %dma_start3A_1491] : memref<10x64x128xf32, #tpu.memory_space<vmem>> -> memref<1x64x128xf32, #tpu.memory_space<vmem>>
      %dma_start3A_1493 = tpu.memref_squeeze %dma_start3A_1492 : memref<1x64x128xf32, #tpu.memory_space<vmem>> -> memref<64x128xf32, #tpu.memory_space<vmem>>
      tpu.enqueue_dma source(%dma_start3A_1493 : memref<64x128xf32, #tpu.memory_space<vmem>>) target(%dma_start3A_1489 : memref<64x128xf32, #tpu.memory_space<hbm>>) target_semaphore(%dma_start3A_1483 : memref<!tpu.dma_semaphore, #tpu.memory_space<semaphore_mem>>)
      %lt3A_1494 = arith.constant 9 : i32
      %lt3A_1495 = arith.cmpi slt, %scan3A_446, %lt3A_1494 : i32
      %convert_element_type3A_1496 = arith.extui %lt3A_1495 : i1 to i32
      %cond3A_1497 = arith.constant 0 : i32
      %cond3A_1498 = arith.cmpi ne, %convert_element_type3A_1496, %cond3A_1497 : i32
      scf.if %cond3A_1498 {
        %jit3A_1765 = arith.constant 2 : i32
        %div3A_1766 = arith.divsi %add3A_1369, %jit3A_1765 : i32
        %sign3A_1767 = arith.constant 0 : i32
        %sign3A_1768 = arith.cmpi sgt, %add3A_1369, %sign3A_1767 : i32
        %sign3A_1769 = arith.extui %sign3A_1768 : i1 to i32
        %sign3A_1770 = arith.constant 0 : i32
        %sign3A_1771 = arith.cmpi slt, %add3A_1369, %sign3A_1770 : i32
        %sign3A_1772 = arith.extui %sign3A_1771 : i1 to i32
        %sign3A_1773 = arith.subi %sign3A_1769, %sign3A_1772 : i32
        %sign3A_1774 = arith.constant 0 : i32
        %sign3A_1775 = arith.cmpi sgt, %jit3A_1765, %sign3A_1774 : i32
        %sign3A_1776 = arith.extui %sign3A_1775 : i1 to i32
        %sign3A_1777 = arith.constant 0 : i32
        %sign3A_1778 = arith.cmpi slt, %jit3A_1765, %sign3A_1777 : i32
        %sign3A_1779 = arith.extui %sign3A_1778 : i1 to i32
        %sign3A_1780 = arith.subi %sign3A_1776, %sign3A_1779 : i32
        %ne3A_1781 = arith.cmpi ne, %sign3A_1773, %sign3A_1780 : i32
        %rem3A_1782 = arith.remsi %add3A_1369, %jit3A_1765 : i32
        %ne3A_1783 = arith.constant 0 : i32
        %ne3A_1784 = arith.cmpi ne, %rem3A_1782, %ne3A_1783 : i32
        %and3A_1785 = arith.andi %ne3A_1781, %ne3A_1784 : i1
        %sub3A_1786 = arith.constant 1 : i32
        %sub3A_1787 = arith.subi %div3A_1766, %sub3A_1786 : i32
        %select_n3A_1788 = arith.select %and3A_1785, %sub3A_1787, %div3A_1766 : i32
        %jit3A_1789 = arith.constant 2 : i32
        %eq3A_1790 = arith.constant 0 : i32
        %eq3A_1791 = arith.cmpi eq, %jit3A_1789, %eq3A_1790 : i32
        %jit3A_1792 = arith.constant 1 : i32
        %select_n3A_1793 = arith.select %eq3A_1791, %jit3A_1792, %jit3A_1789 : i32
        %rem3A_1794 = arith.remsi %add3A_1369, %select_n3A_1793 : i32
        %ne3A_1795 = arith.constant 0 : i32
        %ne3A_1796 = arith.cmpi ne, %rem3A_1794, %ne3A_1795 : i32
        %lt3A_1797 = arith.constant 0 : i32
        %lt3A_1798 = arith.cmpi slt, %rem3A_1794, %lt3A_1797 : i32
        %lt3A_1799 = arith.constant 0 : i32
        %lt3A_1800 = arith.cmpi slt, %select_n3A_1793, %lt3A_1799 : i32
        %ne3A_1801 = arith.xori %lt3A_1798, %lt3A_1800 : i1
        %and3A_1802 = arith.andi %ne3A_1801, %ne3A_1796 : i1
        %add3A_1803 = arith.addi %rem3A_1794, %select_n3A_1793 : i32
        %select_n3A_1804 = arith.select %and3A_1802, %add3A_1803, %rem3A_1794 : i32
        %mul3A_1805 = arith.constant 64 : i32
        %mul3A_1806 = arith.muli %select_n3A_1804, %mul3A_1805 : i32
        %add3A_1807 = arith.addi %mul3A_2, %mul3A_1806 : i32
        %dma_wait3A_1808 = arith.constant 7 : i32
        %dma_wait3A_1809 = arith.constant 7 : i32
        %dma_wait3A_1810 = arith.constant 0 : i32
        %dma_wait3A_1811 = arith.constant 0 : i32
        %dma_wait3A_1812 = tpu.memref_slice %arg6[%dma_wait3A_1808, %dma_wait3A_1810, %dma_wait3A_1811] : memref<10x64x128xf32, #tpu.memory_space<vmem>> -> memref<1x64x128xf32, #tpu.memory_space<vmem>>
        %dma_wait3A_1813 = tpu.memref_squeeze %dma_wait3A_1812 : memref<1x64x128xf32, #tpu.memory_space<vmem>> -> memref<64x128xf32, #tpu.memory_space<vmem>>
        %dma_wait3A_1814 = arith.constant 0 : i32
        %dma_wait3A_1815 = arith.constant 0 : i32
        %dma_wait3A_1816 = tpu.memref_slice %arg4[%select_n3A_1788, %dma_wait3A_1814, %dma_wait3A_1815] : memref<50x4096x128xf32, #tpu.memory_space<hbm>> -> memref<1x4096x128xf32, #tpu.memory_space<hbm>>
        %dma_wait3A_1817 = tpu.memref_squeeze %dma_wait3A_1816 : memref<1x4096x128xf32, #tpu.memory_space<hbm>> -> memref<4096x128xf32, #tpu.memory_space<hbm>>
        %dma_wait3A_1818 = arith.constant 0 : i32
        %dma_wait3A_1819 = tpu.memref_slice %dma_wait3A_1817[%add3A_1807, %dma_wait3A_1818] : memref<4096x128xf32, #tpu.memory_space<hbm>> -> memref<64x128xf32, #tpu.memory_space<hbm>>
        %dma_wait3A_1820 = tpu.memref_slice %arg8[%dma_wait3A_1809] : memref<10x!tpu.dma_semaphore, #tpu.memory_space<semaphore_mem>> -> memref<1x!tpu.dma_semaphore, #tpu.memory_space<semaphore_mem>>
        %dma_wait3A_1821 = tpu.memref_squeeze %dma_wait3A_1820 : memref<1x!tpu.dma_semaphore, #tpu.memory_space<semaphore_mem>> -> memref<!tpu.dma_semaphore, #tpu.memory_space<semaphore_mem>>
        %dma_wait3A_1822 = arith.constant 0 : i32
        %dma_wait3A_1823 = arith.constant 0 : i32
        %dma_wait3A_1824 = tpu.memref_slice %arg4[%select_n3A_1788, %dma_wait3A_1822, %dma_wait3A_1823] : memref<50x4096x128xf32, #tpu.memory_space<hbm>> -> memref<1x4096x128xf32, #tpu.memory_space<hbm>>
        %dma_wait3A_1825 = tpu.memref_squeeze %dma_wait3A_1824 : memref<1x4096x128xf32, #tpu.memory_space<hbm>> -> memref<4096x128xf32, #tpu.memory_space<hbm>>
        %dma_wait3A_1826 = arith.constant 0 : i32
        %dma_wait3A_1827 = tpu.memref_slice %dma_wait3A_1825[%add3A_1807, %dma_wait3A_1826] : memref<4096x128xf32, #tpu.memory_space<hbm>> -> memref<64x128xf32, #tpu.memory_space<hbm>>
        %dma_wait3A_1828 = arith.constant 0 : i32
        %dma_wait3A_1829 = arith.constant 0 : i32
        %dma_wait3A_1830 = tpu.memref_slice %arg6[%dma_wait3A_1808, %dma_wait3A_1828, %dma_wait3A_1829] : memref<10x64x128xf32, #tpu.memory_space<vmem>> -> memref<1x64x128xf32, #tpu.memory_space<vmem>>
        %dma_wait3A_1831 = tpu.memref_squeeze %dma_wait3A_1830 : memref<1x64x128xf32, #tpu.memory_space<vmem>> -> memref<64x128xf32, #tpu.memory_space<vmem>>
        tpu.wait_dma2 semaphore(%dma_wait3A_1821 : memref<!tpu.dma_semaphore, #tpu.memory_space<semaphore_mem>>) src(%dma_wait3A_1831 : memref<64x128xf32, #tpu.memory_space<vmem>>) dst(%dma_wait3A_1827 : memref<64x128xf32, #tpu.memory_space<hbm>>)
        %add3A_1832 = arith.constant 10 : i32
        %add3A_1833 = arith.addi %add3A_1369, %add3A_1832 : i32
        %jit3A_1834 = arith.constant 2 : i32
        %div3A_1835 = arith.divsi %add3A_1833, %jit3A_1834 : i32
        %sign3A_1836 = arith.constant 0 : i32
        %sign3A_1837 = arith.cmpi sgt, %add3A_1833, %sign3A_1836 : i32
        %sign3A_1838 = arith.extui %sign3A_1837 : i1 to i32
        %sign3A_1839 = arith.constant 0 : i32
        %sign3A_1840 = arith.cmpi slt, %add3A_1833, %sign3A_1839 : i32
        %sign3A_1841 = arith.extui %sign3A_1840 : i1 to i32
        %sign3A_1842 = arith.subi %sign3A_1838, %sign3A_1841 : i32
        %sign3A_1843 = arith.constant 0 : i32
        %sign3A_1844 = arith.cmpi sgt, %jit3A_1834, %sign3A_1843 : i32
        %sign3A_1845 = arith.extui %sign3A_1844 : i1 to i32
        %sign3A_1846 = arith.constant 0 : i32
        %sign3A_1847 = arith.cmpi slt, %jit3A_1834, %sign3A_1846 : i32
        %sign3A_1848 = arith.extui %sign3A_1847 : i1 to i32
        %sign3A_1849 = arith.subi %sign3A_1845, %sign3A_1848 : i32
        %ne3A_1850 = arith.cmpi ne, %sign3A_1842, %sign3A_1849 : i32
        %rem3A_1851 = arith.remsi %add3A_1833, %jit3A_1834 : i32
        %ne3A_1852 = arith.constant 0 : i32
        %ne3A_1853 = arith.cmpi ne, %rem3A_1851, %ne3A_1852 : i32
        %and3A_1854 = arith.andi %ne3A_1850, %ne3A_1853 : i1
        %sub3A_1855 = arith.constant 1 : i32
        %sub3A_1856 = arith.subi %div3A_1835, %sub3A_1855 : i32
        %select_n3A_1857 = arith.select %and3A_1854, %sub3A_1856, %div3A_1835 : i32
        %jit3A_1858 = arith.constant 2 : i32
        %eq3A_1859 = arith.constant 0 : i32
        %eq3A_1860 = arith.cmpi eq, %jit3A_1858, %eq3A_1859 : i32
        %jit3A_1861 = arith.constant 1 : i32
        %select_n3A_1862 = arith.select %eq3A_1860, %jit3A_1861, %jit3A_1858 : i32
        %rem3A_1863 = arith.remsi %add3A_1833, %select_n3A_1862 : i32
        %ne3A_1864 = arith.constant 0 : i32
        %ne3A_1865 = arith.cmpi ne, %rem3A_1863, %ne3A_1864 : i32
        %lt3A_1866 = arith.constant 0 : i32
        %lt3A_1867 = arith.cmpi slt, %rem3A_1863, %lt3A_1866 : i32
        %lt3A_1868 = arith.constant 0 : i32
        %lt3A_1869 = arith.cmpi slt, %select_n3A_1862, %lt3A_1868 : i32
        %ne3A_1870 = arith.xori %lt3A_1867, %lt3A_1869 : i1
        %and3A_1871 = arith.andi %ne3A_1870, %ne3A_1865 : i1
        %add3A_1872 = arith.addi %rem3A_1863, %select_n3A_1862 : i32
        %select_n3A_1873 = arith.select %and3A_1871, %add3A_1872, %rem3A_1863 : i32
        %mul3A_1874 = arith.constant 64 : i32
        %mul3A_1875 = arith.muli %select_n3A_1873, %mul3A_1874 : i32
        %dma_start3A_1876 = arith.constant 7 : i32
        %dma_start3A_1877 = arith.constant 7 : i32
        %dma_start3A_1878 = arith.constant 0 : i32
        %dma_start3A_1879 = arith.constant 0 : i32
        %dma_start3A_1880 = tpu.memref_slice %arg6[%dma_start3A_1876, %dma_start3A_1878, %dma_start3A_1879] : memref<10x64x128xf32, #tpu.memory_space<vmem>> -> memref<1x64x128xf32, #tpu.memory_space<vmem>>
        %dma_start3A_1881 = tpu.memref_squeeze %dma_start3A_1880 : memref<1x64x128xf32, #tpu.memory_space<vmem>> -> memref<64x128xf32, #tpu.memory_space<vmem>>
        %dma_start3A_1882 = arith.constant 0 : i32
        %dma_start3A_1883 = tpu.memref_slice %arg5[%select_n3A_1857, %dma_start3A_1882] : memref<50x128xi32, #tpu.memory_space<vmem>> -> memref<1x128xi32, #tpu.memory_space<vmem>>
        %dma_start3A_1884 = tpu.memref_squeeze %dma_start3A_1883 : memref<1x128xi32, #tpu.memory_space<vmem>> -> memref<128xi32, #tpu.memory_space<vmem>>
        %dma_start3A_1885 = tpu.memref_slice %dma_start3A_1884[%mul3A_1875] : memref<128xi32, #tpu.memory_space<vmem>> -> memref<64xi32, #tpu.memory_space<vmem>>
        %dma_start3A_1886 = arith.constant 0 : i32
        %dma_start3A_1887 = arith.constant 0 : i32
        %dma_start3A_1888 = tpu.memref_slice %arg2[%dma_start3A_1886, %dma_start3A_1887] : memref<100000x128xf32, #tpu.memory_space<hbm>> -> memref<100000x128xf32, #tpu.memory_space<hbm>>
        %dma_start3A_1889 = tpu.memref_slice %arg7[%dma_start3A_1877] : memref<10x!tpu.dma_semaphore, #tpu.memory_space<semaphore_mem>> -> memref<1x!tpu.dma_semaphore, #tpu.memory_space<semaphore_mem>>
        %dma_start3A_1890 = tpu.memref_squeeze %dma_start3A_1889 : memref<1x!tpu.dma_semaphore, #tpu.memory_space<semaphore_mem>> -> memref<!tpu.dma_semaphore, #tpu.memory_space<semaphore_mem>>
        tpu.enqueue_indirect_dma source(%dma_start3A_1888 : memref<100000x128xf32, #tpu.memory_space<hbm>>) target(%dma_start3A_1881 : memref<64x128xf32, #tpu.memory_space<vmem>>) offsets(%dma_start3A_1885 : memref<64xi32, #tpu.memory_space<vmem>>) semaphore(%dma_start3A_1890 : memref<!tpu.dma_semaphore, #tpu.memory_space<semaphore_mem>>)
      } else {
      }
      %mul3A_1499 = arith.constant 10 : i32
      %mul3A_1500 = arith.muli %scan3A_446, %mul3A_1499 : i32
      %add3A_1501 = arith.constant 8 : i32
      %add3A_1502 = arith.addi %mul3A_1500, %add3A_1501 : i32
      %jit3A_1503 = arith.constant 2 : i32
      %div3A_1504 = arith.divsi %add3A_1502, %jit3A_1503 : i32
      %sign3A_1505 = arith.constant 0 : i32
      %sign3A_1506 = arith.cmpi sgt, %add3A_1502, %sign3A_1505 : i32
      %sign3A_1507 = arith.extui %sign3A_1506 : i1 to i32
      %sign3A_1508 = arith.constant 0 : i32
      %sign3A_1509 = arith.cmpi slt, %add3A_1502, %sign3A_1508 : i32
      %sign3A_1510 = arith.extui %sign3A_1509 : i1 to i32
      %sign3A_1511 = arith.subi %sign3A_1507, %sign3A_1510 : i32
      %sign3A_1512 = arith.constant 0 : i32
      %sign3A_1513 = arith.cmpi sgt, %jit3A_1503, %sign3A_1512 : i32
      %sign3A_1514 = arith.extui %sign3A_1513 : i1 to i32
      %sign3A_1515 = arith.constant 0 : i32
      %sign3A_1516 = arith.cmpi slt, %jit3A_1503, %sign3A_1515 : i32
      %sign3A_1517 = arith.extui %sign3A_1516 : i1 to i32
      %sign3A_1518 = arith.subi %sign3A_1514, %sign3A_1517 : i32
      %ne3A_1519 = arith.cmpi ne, %sign3A_1511, %sign3A_1518 : i32
      %rem3A_1520 = arith.remsi %add3A_1502, %jit3A_1503 : i32
      %ne3A_1521 = arith.constant 0 : i32
      %ne3A_1522 = arith.cmpi ne, %rem3A_1520, %ne3A_1521 : i32
      %and3A_1523 = arith.andi %ne3A_1519, %ne3A_1522 : i1
      %sub3A_1524 = arith.constant 1 : i32
      %sub3A_1525 = arith.subi %div3A_1504, %sub3A_1524 : i32
      %select_n3A_1526 = arith.select %and3A_1523, %sub3A_1525, %div3A_1504 : i32
      %jit3A_1527 = arith.constant 2 : i32
      %eq3A_1528 = arith.constant 0 : i32
      %eq3A_1529 = arith.cmpi eq, %jit3A_1527, %eq3A_1528 : i32
      %jit3A_1530 = arith.constant 1 : i32
      %select_n3A_1531 = arith.select %eq3A_1529, %jit3A_1530, %jit3A_1527 : i32
      %rem3A_1532 = arith.remsi %add3A_1502, %select_n3A_1531 : i32
      %ne3A_1533 = arith.constant 0 : i32
      %ne3A_1534 = arith.cmpi ne, %rem3A_1532, %ne3A_1533 : i32
      %lt3A_1535 = arith.constant 0 : i32
      %lt3A_1536 = arith.cmpi slt, %rem3A_1532, %lt3A_1535 : i32
      %lt3A_1537 = arith.constant 0 : i32
      %lt3A_1538 = arith.cmpi slt, %select_n3A_1531, %lt3A_1537 : i32
      %ne3A_1539 = arith.xori %lt3A_1536, %lt3A_1538 : i1
      %and3A_1540 = arith.andi %ne3A_1539, %ne3A_1534 : i1
      %add3A_1541 = arith.addi %rem3A_1532, %select_n3A_1531 : i32
      %select_n3A_1542 = arith.select %and3A_1540, %add3A_1541, %rem3A_1532 : i32
      %mul3A_1543 = arith.constant 64 : i32
      %mul3A_1544 = arith.muli %select_n3A_1542, %mul3A_1543 : i32
      %dma_wait3A_1545 = arith.constant 8 : i32
      %dma_wait3A_1546 = arith.constant 8 : i32
      %dma_wait3A_1547 = arith.constant 0 : i32
      %dma_wait3A_1548 = arith.constant 0 : i32
      %dma_wait3A_1549 = tpu.memref_slice %arg6[%dma_wait3A_1545, %dma_wait3A_1547, %dma_wait3A_1548] : memref<10x64x128xf32, #tpu.memory_space<vmem>> -> memref<1x64x128xf32, #tpu.memory_space<vmem>>
      %dma_wait3A_1550 = tpu.memref_squeeze %dma_wait3A_1549 : memref<1x64x128xf32, #tpu.memory_space<vmem>> -> memref<64x128xf32, #tpu.memory_space<vmem>>
      %dma_wait3A_1551 = arith.constant 0 : i32
      %dma_wait3A_1552 = tpu.memref_slice %arg5[%select_n3A_1526, %dma_wait3A_1551] : memref<50x128xi32, #tpu.memory_space<vmem>> -> memref<1x128xi32, #tpu.memory_space<vmem>>
      %dma_wait3A_1553 = tpu.memref_squeeze %dma_wait3A_1552 : memref<1x128xi32, #tpu.memory_space<vmem>> -> memref<128xi32, #tpu.memory_space<vmem>>
      %dma_wait3A_1554 = tpu.memref_slice %dma_wait3A_1553[%mul3A_1544] : memref<128xi32, #tpu.memory_space<vmem>> -> memref<64xi32, #tpu.memory_space<vmem>>
      %dma_wait3A_1555 = arith.constant 0 : i32
      %dma_wait3A_1556 = arith.constant 0 : i32
      %dma_wait3A_1557 = tpu.memref_slice %arg2[%dma_wait3A_1555, %dma_wait3A_1556] : memref<100000x128xf32, #tpu.memory_space<hbm>> -> memref<100000x128xf32, #tpu.memory_space<hbm>>
      %dma_wait3A_1558 = tpu.memref_slice %arg7[%dma_wait3A_1546] : memref<10x!tpu.dma_semaphore, #tpu.memory_space<semaphore_mem>> -> memref<1x!tpu.dma_semaphore, #tpu.memory_space<semaphore_mem>>
      %dma_wait3A_1559 = tpu.memref_squeeze %dma_wait3A_1558 : memref<1x!tpu.dma_semaphore, #tpu.memory_space<semaphore_mem>> -> memref<!tpu.dma_semaphore, #tpu.memory_space<semaphore_mem>>
      tpu.wait_indirect_dma semaphore(%dma_wait3A_1559 : memref<!tpu.dma_semaphore, #tpu.memory_space<semaphore_mem>>) src(%dma_wait3A_1557 : memref<100000x128xf32, #tpu.memory_space<hbm>>) dst(%dma_wait3A_1550 : memref<64x128xf32, #tpu.memory_space<vmem>>)
      %jit3A_1560 = arith.constant 2 : i32
      %div3A_1561 = arith.divsi %add3A_1502, %jit3A_1560 : i32
      %sign3A_1562 = arith.constant 0 : i32
      %sign3A_1563 = arith.cmpi sgt, %add3A_1502, %sign3A_1562 : i32
      %sign3A_1564 = arith.extui %sign3A_1563 : i1 to i32
      %sign3A_1565 = arith.constant 0 : i32
      %sign3A_1566 = arith.cmpi slt, %add3A_1502, %sign3A_1565 : i32
      %sign3A_1567 = arith.extui %sign3A_1566 : i1 to i32
      %sign3A_1568 = arith.subi %sign3A_1564, %sign3A_1567 : i32
      %sign3A_1569 = arith.constant 0 : i32
      %sign3A_1570 = arith.cmpi sgt, %jit3A_1560, %sign3A_1569 : i32
      %sign3A_1571 = arith.extui %sign3A_1570 : i1 to i32
      %sign3A_1572 = arith.constant 0 : i32
      %sign3A_1573 = arith.cmpi slt, %jit3A_1560, %sign3A_1572 : i32
      %sign3A_1574 = arith.extui %sign3A_1573 : i1 to i32
      %sign3A_1575 = arith.subi %sign3A_1571, %sign3A_1574 : i32
      %ne3A_1576 = arith.cmpi ne, %sign3A_1568, %sign3A_1575 : i32
      %rem3A_1577 = arith.remsi %add3A_1502, %jit3A_1560 : i32
      %ne3A_1578 = arith.constant 0 : i32
      %ne3A_1579 = arith.cmpi ne, %rem3A_1577, %ne3A_1578 : i32
      %and3A_1580 = arith.andi %ne3A_1576, %ne3A_1579 : i1
      %sub3A_1581 = arith.constant 1 : i32
      %sub3A_1582 = arith.subi %div3A_1561, %sub3A_1581 : i32
      %select_n3A_1583 = arith.select %and3A_1580, %sub3A_1582, %div3A_1561 : i32
      %jit3A_1584 = arith.constant 2 : i32
      %eq3A_1585 = arith.constant 0 : i32
      %eq3A_1586 = arith.cmpi eq, %jit3A_1584, %eq3A_1585 : i32
      %jit3A_1587 = arith.constant 1 : i32
      %select_n3A_1588 = arith.select %eq3A_1586, %jit3A_1587, %jit3A_1584 : i32
      %rem3A_1589 = arith.remsi %add3A_1502, %select_n3A_1588 : i32
      %ne3A_1590 = arith.constant 0 : i32
      %ne3A_1591 = arith.cmpi ne, %rem3A_1589, %ne3A_1590 : i32
      %lt3A_1592 = arith.constant 0 : i32
      %lt3A_1593 = arith.cmpi slt, %rem3A_1589, %lt3A_1592 : i32
      %lt3A_1594 = arith.constant 0 : i32
      %lt3A_1595 = arith.cmpi slt, %select_n3A_1588, %lt3A_1594 : i32
      %ne3A_1596 = arith.xori %lt3A_1593, %lt3A_1595 : i1
      %and3A_1597 = arith.andi %ne3A_1596, %ne3A_1591 : i1
      %add3A_1598 = arith.addi %rem3A_1589, %select_n3A_1588 : i32
      %select_n3A_1599 = arith.select %and3A_1597, %add3A_1598, %rem3A_1589 : i32
      %mul3A_1600 = arith.constant 64 : i32
      %mul3A_1601 = arith.muli %select_n3A_1599, %mul3A_1600 : i32
      %add3A_1602 = arith.addi %mul3A_2, %mul3A_1601 : i32
      %dma_start3A_1603 = arith.constant 8 : i32
      %dma_start3A_1604 = arith.constant 8 : i32
      %dma_start3A_1605 = arith.constant 0 : i32
      %dma_start3A_1606 = arith.constant 0 : i32
      %dma_start3A_1607 = tpu.memref_slice %arg6[%dma_start3A_1603, %dma_start3A_1605, %dma_start3A_1606] : memref<10x64x128xf32, #tpu.memory_space<vmem>> -> memref<1x64x128xf32, #tpu.memory_space<vmem>>
      %dma_start3A_1608 = tpu.memref_squeeze %dma_start3A_1607 : memref<1x64x128xf32, #tpu.memory_space<vmem>> -> memref<64x128xf32, #tpu.memory_space<vmem>>
      %dma_start3A_1609 = arith.constant 0 : i32
      %dma_start3A_1610 = arith.constant 0 : i32
      %dma_start3A_1611 = tpu.memref_slice %arg4[%select_n3A_1583, %dma_start3A_1609, %dma_start3A_1610] : memref<50x4096x128xf32, #tpu.memory_space<hbm>> -> memref<1x4096x128xf32, #tpu.memory_space<hbm>>
      %dma_start3A_1612 = tpu.memref_squeeze %dma_start3A_1611 : memref<1x4096x128xf32, #tpu.memory_space<hbm>> -> memref<4096x128xf32, #tpu.memory_space<hbm>>
      %dma_start3A_1613 = arith.constant 0 : i32
      %dma_start3A_1614 = tpu.memref_slice %dma_start3A_1612[%add3A_1602, %dma_start3A_1613] : memref<4096x128xf32, #tpu.memory_space<hbm>> -> memref<64x128xf32, #tpu.memory_space<hbm>>
      %dma_start3A_1615 = tpu.memref_slice %arg8[%dma_start3A_1604] : memref<10x!tpu.dma_semaphore, #tpu.memory_space<semaphore_mem>> -> memref<1x!tpu.dma_semaphore, #tpu.memory_space<semaphore_mem>>
      %dma_start3A_1616 = tpu.memref_squeeze %dma_start3A_1615 : memref<1x!tpu.dma_semaphore, #tpu.memory_space<semaphore_mem>> -> memref<!tpu.dma_semaphore, #tpu.memory_space<semaphore_mem>>
      %dma_start3A_1617 = arith.constant 0 : i32
      %dma_start3A_1618 = arith.constant 0 : i32
      %dma_start3A_1619 = tpu.memref_slice %arg4[%select_n3A_1583, %dma_start3A_1617, %dma_start3A_1618] : memref<50x4096x128xf32, #tpu.memory_space<hbm>> -> memref<1x4096x128xf32, #tpu.memory_space<hbm>>
      %dma_start3A_1620 = tpu.memref_squeeze %dma_start3A_1619 : memref<1x4096x128xf32, #tpu.memory_space<hbm>> -> memref<4096x128xf32, #tpu.memory_space<hbm>>
      %dma_start3A_1621 = arith.constant 0 : i32
      %dma_start3A_1622 = tpu.memref_slice %dma_start3A_1620[%add3A_1602, %dma_start3A_1621] : memref<4096x128xf32, #tpu.memory_space<hbm>> -> memref<64x128xf32, #tpu.memory_space<hbm>>
      %dma_start3A_1623 = arith.constant 0 : i32
      %dma_start3A_1624 = arith.constant 0 : i32
      %dma_start3A_1625 = tpu.memref_slice %arg6[%dma_start3A_1603, %dma_start3A_1623, %dma_start3A_1624] : memref<10x64x128xf32, #tpu.memory_space<vmem>> -> memref<1x64x128xf32, #tpu.memory_space<vmem>>
      %dma_start3A_1626 = tpu.memref_squeeze %dma_start3A_1625 : memref<1x64x128xf32, #tpu.memory_space<vmem>> -> memref<64x128xf32, #tpu.memory_space<vmem>>
      tpu.enqueue_dma source(%dma_start3A_1626 : memref<64x128xf32, #tpu.memory_space<vmem>>) target(%dma_start3A_1622 : memref<64x128xf32, #tpu.memory_space<hbm>>) target_semaphore(%dma_start3A_1616 : memref<!tpu.dma_semaphore, #tpu.memory_space<semaphore_mem>>)
      %lt3A_1627 = arith.constant 9 : i32
      %lt3A_1628 = arith.cmpi slt, %scan3A_446, %lt3A_1627 : i32
      %convert_element_type3A_1629 = arith.extui %lt3A_1628 : i1 to i32
      %cond3A_1630 = arith.constant 0 : i32
      %cond3A_1631 = arith.cmpi ne, %convert_element_type3A_1629, %cond3A_1630 : i32
      scf.if %cond3A_1631 {
        %jit3A_1765 = arith.constant 2 : i32
        %div3A_1766 = arith.divsi %add3A_1502, %jit3A_1765 : i32
        %sign3A_1767 = arith.constant 0 : i32
        %sign3A_1768 = arith.cmpi sgt, %add3A_1502, %sign3A_1767 : i32
        %sign3A_1769 = arith.extui %sign3A_1768 : i1 to i32
        %sign3A_1770 = arith.constant 0 : i32
        %sign3A_1771 = arith.cmpi slt, %add3A_1502, %sign3A_1770 : i32
        %sign3A_1772 = arith.extui %sign3A_1771 : i1 to i32
        %sign3A_1773 = arith.subi %sign3A_1769, %sign3A_1772 : i32
        %sign3A_1774 = arith.constant 0 : i32
        %sign3A_1775 = arith.cmpi sgt, %jit3A_1765, %sign3A_1774 : i32
        %sign3A_1776 = arith.extui %sign3A_1775 : i1 to i32
        %sign3A_1777 = arith.constant 0 : i32
        %sign3A_1778 = arith.cmpi slt, %jit3A_1765, %sign3A_1777 : i32
        %sign3A_1779 = arith.extui %sign3A_1778 : i1 to i32
        %sign3A_1780 = arith.subi %sign3A_1776, %sign3A_1779 : i32
        %ne3A_1781 = arith.cmpi ne, %sign3A_1773, %sign3A_1780 : i32
        %rem3A_1782 = arith.remsi %add3A_1502, %jit3A_1765 : i32
        %ne3A_1783 = arith.constant 0 : i32
        %ne3A_1784 = arith.cmpi ne, %rem3A_1782, %ne3A_1783 : i32
        %and3A_1785 = arith.andi %ne3A_1781, %ne3A_1784 : i1
        %sub3A_1786 = arith.constant 1 : i32
        %sub3A_1787 = arith.subi %div3A_1766, %sub3A_1786 : i32
        %select_n3A_1788 = arith.select %and3A_1785, %sub3A_1787, %div3A_1766 : i32
        %jit3A_1789 = arith.constant 2 : i32
        %eq3A_1790 = arith.constant 0 : i32
        %eq3A_1791 = arith.cmpi eq, %jit3A_1789, %eq3A_1790 : i32
        %jit3A_1792 = arith.constant 1 : i32
        %select_n3A_1793 = arith.select %eq3A_1791, %jit3A_1792, %jit3A_1789 : i32
        %rem3A_1794 = arith.remsi %add3A_1502, %select_n3A_1793 : i32
        %ne3A_1795 = arith.constant 0 : i32
        %ne3A_1796 = arith.cmpi ne, %rem3A_1794, %ne3A_1795 : i32
        %lt3A_1797 = arith.constant 0 : i32
        %lt3A_1798 = arith.cmpi slt, %rem3A_1794, %lt3A_1797 : i32
        %lt3A_1799 = arith.constant 0 : i32
        %lt3A_1800 = arith.cmpi slt, %select_n3A_1793, %lt3A_1799 : i32
        %ne3A_1801 = arith.xori %lt3A_1798, %lt3A_1800 : i1
        %and3A_1802 = arith.andi %ne3A_1801, %ne3A_1796 : i1
        %add3A_1803 = arith.addi %rem3A_1794, %select_n3A_1793 : i32
        %select_n3A_1804 = arith.select %and3A_1802, %add3A_1803, %rem3A_1794 : i32
        %mul3A_1805 = arith.constant 64 : i32
        %mul3A_1806 = arith.muli %select_n3A_1804, %mul3A_1805 : i32
        %add3A_1807 = arith.addi %mul3A_2, %mul3A_1806 : i32
        %dma_wait3A_1808 = arith.constant 8 : i32
        %dma_wait3A_1809 = arith.constant 8 : i32
        %dma_wait3A_1810 = arith.constant 0 : i32
        %dma_wait3A_1811 = arith.constant 0 : i32
        %dma_wait3A_1812 = tpu.memref_slice %arg6[%dma_wait3A_1808, %dma_wait3A_1810, %dma_wait3A_1811] : memref<10x64x128xf32, #tpu.memory_space<vmem>> -> memref<1x64x128xf32, #tpu.memory_space<vmem>>
        %dma_wait3A_1813 = tpu.memref_squeeze %dma_wait3A_1812 : memref<1x64x128xf32, #tpu.memory_space<vmem>> -> memref<64x128xf32, #tpu.memory_space<vmem>>
        %dma_wait3A_1814 = arith.constant 0 : i32
        %dma_wait3A_1815 = arith.constant 0 : i32
        %dma_wait3A_1816 = tpu.memref_slice %arg4[%select_n3A_1788, %dma_wait3A_1814, %dma_wait3A_1815] : memref<50x4096x128xf32, #tpu.memory_space<hbm>> -> memref<1x4096x128xf32, #tpu.memory_space<hbm>>
        %dma_wait3A_1817 = tpu.memref_squeeze %dma_wait3A_1816 : memref<1x4096x128xf32, #tpu.memory_space<hbm>> -> memref<4096x128xf32, #tpu.memory_space<hbm>>
        %dma_wait3A_1818 = arith.constant 0 : i32
        %dma_wait3A_1819 = tpu.memref_slice %dma_wait3A_1817[%add3A_1807, %dma_wait3A_1818] : memref<4096x128xf32, #tpu.memory_space<hbm>> -> memref<64x128xf32, #tpu.memory_space<hbm>>
        %dma_wait3A_1820 = tpu.memref_slice %arg8[%dma_wait3A_1809] : memref<10x!tpu.dma_semaphore, #tpu.memory_space<semaphore_mem>> -> memref<1x!tpu.dma_semaphore, #tpu.memory_space<semaphore_mem>>
        %dma_wait3A_1821 = tpu.memref_squeeze %dma_wait3A_1820 : memref<1x!tpu.dma_semaphore, #tpu.memory_space<semaphore_mem>> -> memref<!tpu.dma_semaphore, #tpu.memory_space<semaphore_mem>>
        %dma_wait3A_1822 = arith.constant 0 : i32
        %dma_wait3A_1823 = arith.constant 0 : i32
        %dma_wait3A_1824 = tpu.memref_slice %arg4[%select_n3A_1788, %dma_wait3A_1822, %dma_wait3A_1823] : memref<50x4096x128xf32, #tpu.memory_space<hbm>> -> memref<1x4096x128xf32, #tpu.memory_space<hbm>>
        %dma_wait3A_1825 = tpu.memref_squeeze %dma_wait3A_1824 : memref<1x4096x128xf32, #tpu.memory_space<hbm>> -> memref<4096x128xf32, #tpu.memory_space<hbm>>
        %dma_wait3A_1826 = arith.constant 0 : i32
        %dma_wait3A_1827 = tpu.memref_slice %dma_wait3A_1825[%add3A_1807, %dma_wait3A_1826] : memref<4096x128xf32, #tpu.memory_space<hbm>> -> memref<64x128xf32, #tpu.memory_space<hbm>>
        %dma_wait3A_1828 = arith.constant 0 : i32
        %dma_wait3A_1829 = arith.constant 0 : i32
        %dma_wait3A_1830 = tpu.memref_slice %arg6[%dma_wait3A_1808, %dma_wait3A_1828, %dma_wait3A_1829] : memref<10x64x128xf32, #tpu.memory_space<vmem>> -> memref<1x64x128xf32, #tpu.memory_space<vmem>>
        %dma_wait3A_1831 = tpu.memref_squeeze %dma_wait3A_1830 : memref<1x64x128xf32, #tpu.memory_space<vmem>> -> memref<64x128xf32, #tpu.memory_space<vmem>>
        tpu.wait_dma2 semaphore(%dma_wait3A_1821 : memref<!tpu.dma_semaphore, #tpu.memory_space<semaphore_mem>>) src(%dma_wait3A_1831 : memref<64x128xf32, #tpu.memory_space<vmem>>) dst(%dma_wait3A_1827 : memref<64x128xf32, #tpu.memory_space<hbm>>)
        %add3A_1832 = arith.constant 10 : i32
        %add3A_1833 = arith.addi %add3A_1502, %add3A_1832 : i32
        %jit3A_1834 = arith.constant 2 : i32
        %div3A_1835 = arith.divsi %add3A_1833, %jit3A_1834 : i32
        %sign3A_1836 = arith.constant 0 : i32
        %sign3A_1837 = arith.cmpi sgt, %add3A_1833, %sign3A_1836 : i32
        %sign3A_1838 = arith.extui %sign3A_1837 : i1 to i32
        %sign3A_1839 = arith.constant 0 : i32
        %sign3A_1840 = arith.cmpi slt, %add3A_1833, %sign3A_1839 : i32
        %sign3A_1841 = arith.extui %sign3A_1840 : i1 to i32
        %sign3A_1842 = arith.subi %sign3A_1838, %sign3A_1841 : i32
        %sign3A_1843 = arith.constant 0 : i32
        %sign3A_1844 = arith.cmpi sgt, %jit3A_1834, %sign3A_1843 : i32
        %sign3A_1845 = arith.extui %sign3A_1844 : i1 to i32
        %sign3A_1846 = arith.constant 0 : i32
        %sign3A_1847 = arith.cmpi slt, %jit3A_1834, %sign3A_1846 : i32
        %sign3A_1848 = arith.extui %sign3A_1847 : i1 to i32
        %sign3A_1849 = arith.subi %sign3A_1845, %sign3A_1848 : i32
        %ne3A_1850 = arith.cmpi ne, %sign3A_1842, %sign3A_1849 : i32
        %rem3A_1851 = arith.remsi %add3A_1833, %jit3A_1834 : i32
        %ne3A_1852 = arith.constant 0 : i32
        %ne3A_1853 = arith.cmpi ne, %rem3A_1851, %ne3A_1852 : i32
        %and3A_1854 = arith.andi %ne3A_1850, %ne3A_1853 : i1
        %sub3A_1855 = arith.constant 1 : i32
        %sub3A_1856 = arith.subi %div3A_1835, %sub3A_1855 : i32
        %select_n3A_1857 = arith.select %and3A_1854, %sub3A_1856, %div3A_1835 : i32
        %jit3A_1858 = arith.constant 2 : i32
        %eq3A_1859 = arith.constant 0 : i32
        %eq3A_1860 = arith.cmpi eq, %jit3A_1858, %eq3A_1859 : i32
        %jit3A_1861 = arith.constant 1 : i32
        %select_n3A_1862 = arith.select %eq3A_1860, %jit3A_1861, %jit3A_1858 : i32
        %rem3A_1863 = arith.remsi %add3A_1833, %select_n3A_1862 : i32
        %ne3A_1864 = arith.constant 0 : i32
        %ne3A_1865 = arith.cmpi ne, %rem3A_1863, %ne3A_1864 : i32
        %lt3A_1866 = arith.constant 0 : i32
        %lt3A_1867 = arith.cmpi slt, %rem3A_1863, %lt3A_1866 : i32
        %lt3A_1868 = arith.constant 0 : i32
        %lt3A_1869 = arith.cmpi slt, %select_n3A_1862, %lt3A_1868 : i32
        %ne3A_1870 = arith.xori %lt3A_1867, %lt3A_1869 : i1
        %and3A_1871 = arith.andi %ne3A_1870, %ne3A_1865 : i1
        %add3A_1872 = arith.addi %rem3A_1863, %select_n3A_1862 : i32
        %select_n3A_1873 = arith.select %and3A_1871, %add3A_1872, %rem3A_1863 : i32
        %mul3A_1874 = arith.constant 64 : i32
        %mul3A_1875 = arith.muli %select_n3A_1873, %mul3A_1874 : i32
        %dma_start3A_1876 = arith.constant 8 : i32
        %dma_start3A_1877 = arith.constant 8 : i32
        %dma_start3A_1878 = arith.constant 0 : i32
        %dma_start3A_1879 = arith.constant 0 : i32
        %dma_start3A_1880 = tpu.memref_slice %arg6[%dma_start3A_1876, %dma_start3A_1878, %dma_start3A_1879] : memref<10x64x128xf32, #tpu.memory_space<vmem>> -> memref<1x64x128xf32, #tpu.memory_space<vmem>>
        %dma_start3A_1881 = tpu.memref_squeeze %dma_start3A_1880 : memref<1x64x128xf32, #tpu.memory_space<vmem>> -> memref<64x128xf32, #tpu.memory_space<vmem>>
        %dma_start3A_1882 = arith.constant 0 : i32
        %dma_start3A_1883 = tpu.memref_slice %arg5[%select_n3A_1857, %dma_start3A_1882] : memref<50x128xi32, #tpu.memory_space<vmem>> -> memref<1x128xi32, #tpu.memory_space<vmem>>
        %dma_start3A_1884 = tpu.memref_squeeze %dma_start3A_1883 : memref<1x128xi32, #tpu.memory_space<vmem>> -> memref<128xi32, #tpu.memory_space<vmem>>
        %dma_start3A_1885 = tpu.memref_slice %dma_start3A_1884[%mul3A_1875] : memref<128xi32, #tpu.memory_space<vmem>> -> memref<64xi32, #tpu.memory_space<vmem>>
        %dma_start3A_1886 = arith.constant 0 : i32
        %dma_start3A_1887 = arith.constant 0 : i32
        %dma_start3A_1888 = tpu.memref_slice %arg2[%dma_start3A_1886, %dma_start3A_1887] : memref<100000x128xf32, #tpu.memory_space<hbm>> -> memref<100000x128xf32, #tpu.memory_space<hbm>>
        %dma_start3A_1889 = tpu.memref_slice %arg7[%dma_start3A_1877] : memref<10x!tpu.dma_semaphore, #tpu.memory_space<semaphore_mem>> -> memref<1x!tpu.dma_semaphore, #tpu.memory_space<semaphore_mem>>
        %dma_start3A_1890 = tpu.memref_squeeze %dma_start3A_1889 : memref<1x!tpu.dma_semaphore, #tpu.memory_space<semaphore_mem>> -> memref<!tpu.dma_semaphore, #tpu.memory_space<semaphore_mem>>
        tpu.enqueue_indirect_dma source(%dma_start3A_1888 : memref<100000x128xf32, #tpu.memory_space<hbm>>) target(%dma_start3A_1881 : memref<64x128xf32, #tpu.memory_space<vmem>>) offsets(%dma_start3A_1885 : memref<64xi32, #tpu.memory_space<vmem>>) semaphore(%dma_start3A_1890 : memref<!tpu.dma_semaphore, #tpu.memory_space<semaphore_mem>>)
      } else {
      }
      %mul3A_1632 = arith.constant 10 : i32
      %mul3A_1633 = arith.muli %scan3A_446, %mul3A_1632 : i32
      %add3A_1634 = arith.constant 9 : i32
      %add3A_1635 = arith.addi %mul3A_1633, %add3A_1634 : i32
      %jit3A_1636 = arith.constant 2 : i32
      %div3A_1637 = arith.divsi %add3A_1635, %jit3A_1636 : i32
      %sign3A_1638 = arith.constant 0 : i32
      %sign3A_1639 = arith.cmpi sgt, %add3A_1635, %sign3A_1638 : i32
      %sign3A_1640 = arith.extui %sign3A_1639 : i1 to i32
      %sign3A_1641 = arith.constant 0 : i32
      %sign3A_1642 = arith.cmpi slt, %add3A_1635, %sign3A_1641 : i32
      %sign3A_1643 = arith.extui %sign3A_1642 : i1 to i32
      %sign3A_1644 = arith.subi %sign3A_1640, %sign3A_1643 : i32
      %sign3A_1645 = arith.constant 0 : i32
      %sign3A_1646 = arith.cmpi sgt, %jit3A_1636, %sign3A_1645 : i32
      %sign3A_1647 = arith.extui %sign3A_1646 : i1 to i32
      %sign3A_1648 = arith.constant 0 : i32
      %sign3A_1649 = arith.cmpi slt, %jit3A_1636, %sign3A_1648 : i32
      %sign3A_1650 = arith.extui %sign3A_1649 : i1 to i32
      %sign3A_1651 = arith.subi %sign3A_1647, %sign3A_1650 : i32
      %ne3A_1652 = arith.cmpi ne, %sign3A_1644, %sign3A_1651 : i32
      %rem3A_1653 = arith.remsi %add3A_1635, %jit3A_1636 : i32
      %ne3A_1654 = arith.constant 0 : i32
      %ne3A_1655 = arith.cmpi ne, %rem3A_1653, %ne3A_1654 : i32
      %and3A_1656 = arith.andi %ne3A_1652, %ne3A_1655 : i1
      %sub3A_1657 = arith.constant 1 : i32
      %sub3A_1658 = arith.subi %div3A_1637, %sub3A_1657 : i32
      %select_n3A_1659 = arith.select %and3A_1656, %sub3A_1658, %div3A_1637 : i32
      %jit3A_1660 = arith.constant 2 : i32
      %eq3A_1661 = arith.constant 0 : i32
      %eq3A_1662 = arith.cmpi eq, %jit3A_1660, %eq3A_1661 : i32
      %jit3A_1663 = arith.constant 1 : i32
      %select_n3A_1664 = arith.select %eq3A_1662, %jit3A_1663, %jit3A_1660 : i32
      %rem3A_1665 = arith.remsi %add3A_1635, %select_n3A_1664 : i32
      %ne3A_1666 = arith.constant 0 : i32
      %ne3A_1667 = arith.cmpi ne, %rem3A_1665, %ne3A_1666 : i32
      %lt3A_1668 = arith.constant 0 : i32
      %lt3A_1669 = arith.cmpi slt, %rem3A_1665, %lt3A_1668 : i32
      %lt3A_1670 = arith.constant 0 : i32
      %lt3A_1671 = arith.cmpi slt, %select_n3A_1664, %lt3A_1670 : i32
      %ne3A_1672 = arith.xori %lt3A_1669, %lt3A_1671 : i1
      %and3A_1673 = arith.andi %ne3A_1672, %ne3A_1667 : i1
      %add3A_1674 = arith.addi %rem3A_1665, %select_n3A_1664 : i32
      %select_n3A_1675 = arith.select %and3A_1673, %add3A_1674, %rem3A_1665 : i32
      %mul3A_1676 = arith.constant 64 : i32
      %mul3A_1677 = arith.muli %select_n3A_1675, %mul3A_1676 : i32
      %dma_wait3A_1678 = arith.constant 9 : i32
      %dma_wait3A_1679 = arith.constant 9 : i32
      %dma_wait3A_1680 = arith.constant 0 : i32
      %dma_wait3A_1681 = arith.constant 0 : i32
      %dma_wait3A_1682 = tpu.memref_slice %arg6[%dma_wait3A_1678, %dma_wait3A_1680, %dma_wait3A_1681] : memref<10x64x128xf32, #tpu.memory_space<vmem>> -> memref<1x64x128xf32, #tpu.memory_space<vmem>>
      %dma_wait3A_1683 = tpu.memref_squeeze %dma_wait3A_1682 : memref<1x64x128xf32, #tpu.memory_space<vmem>> -> memref<64x128xf32, #tpu.memory_space<vmem>>
      %dma_wait3A_1684 = arith.constant 0 : i32
      %dma_wait3A_1685 = tpu.memref_slice %arg5[%select_n3A_1659, %dma_wait3A_1684] : memref<50x128xi32, #tpu.memory_space<vmem>> -> memref<1x128xi32, #tpu.memory_space<vmem>>
      %dma_wait3A_1686 = tpu.memref_squeeze %dma_wait3A_1685 : memref<1x128xi32, #tpu.memory_space<vmem>> -> memref<128xi32, #tpu.memory_space<vmem>>
      %dma_wait3A_1687 = tpu.memref_slice %dma_wait3A_1686[%mul3A_1677] : memref<128xi32, #tpu.memory_space<vmem>> -> memref<64xi32, #tpu.memory_space<vmem>>
      %dma_wait3A_1688 = arith.constant 0 : i32
      %dma_wait3A_1689 = arith.constant 0 : i32
      %dma_wait3A_1690 = tpu.memref_slice %arg2[%dma_wait3A_1688, %dma_wait3A_1689] : memref<100000x128xf32, #tpu.memory_space<hbm>> -> memref<100000x128xf32, #tpu.memory_space<hbm>>
      %dma_wait3A_1691 = tpu.memref_slice %arg7[%dma_wait3A_1679] : memref<10x!tpu.dma_semaphore, #tpu.memory_space<semaphore_mem>> -> memref<1x!tpu.dma_semaphore, #tpu.memory_space<semaphore_mem>>
      %dma_wait3A_1692 = tpu.memref_squeeze %dma_wait3A_1691 : memref<1x!tpu.dma_semaphore, #tpu.memory_space<semaphore_mem>> -> memref<!tpu.dma_semaphore, #tpu.memory_space<semaphore_mem>>
      tpu.wait_indirect_dma semaphore(%dma_wait3A_1692 : memref<!tpu.dma_semaphore, #tpu.memory_space<semaphore_mem>>) src(%dma_wait3A_1690 : memref<100000x128xf32, #tpu.memory_space<hbm>>) dst(%dma_wait3A_1683 : memref<64x128xf32, #tpu.memory_space<vmem>>)
      %jit3A_1693 = arith.constant 2 : i32
      %div3A_1694 = arith.divsi %add3A_1635, %jit3A_1693 : i32
      %sign3A_1695 = arith.constant 0 : i32
      %sign3A_1696 = arith.cmpi sgt, %add3A_1635, %sign3A_1695 : i32
      %sign3A_1697 = arith.extui %sign3A_1696 : i1 to i32
      %sign3A_1698 = arith.constant 0 : i32
      %sign3A_1699 = arith.cmpi slt, %add3A_1635, %sign3A_1698 : i32
      %sign3A_1700 = arith.extui %sign3A_1699 : i1 to i32
      %sign3A_1701 = arith.subi %sign3A_1697, %sign3A_1700 : i32
      %sign3A_1702 = arith.constant 0 : i32
      %sign3A_1703 = arith.cmpi sgt, %jit3A_1693, %sign3A_1702 : i32
      %sign3A_1704 = arith.extui %sign3A_1703 : i1 to i32
      %sign3A_1705 = arith.constant 0 : i32
      %sign3A_1706 = arith.cmpi slt, %jit3A_1693, %sign3A_1705 : i32
      %sign3A_1707 = arith.extui %sign3A_1706 : i1 to i32
      %sign3A_1708 = arith.subi %sign3A_1704, %sign3A_1707 : i32
      %ne3A_1709 = arith.cmpi ne, %sign3A_1701, %sign3A_1708 : i32
      %rem3A_1710 = arith.remsi %add3A_1635, %jit3A_1693 : i32
      %ne3A_1711 = arith.constant 0 : i32
      %ne3A_1712 = arith.cmpi ne, %rem3A_1710, %ne3A_1711 : i32
      %and3A_1713 = arith.andi %ne3A_1709, %ne3A_1712 : i1
      %sub3A_1714 = arith.constant 1 : i32
      %sub3A_1715 = arith.subi %div3A_1694, %sub3A_1714 : i32
      %select_n3A_1716 = arith.select %and3A_1713, %sub3A_1715, %div3A_1694 : i32
      %jit3A_1717 = arith.constant 2 : i32
      %eq3A_1718 = arith.constant 0 : i32
      %eq3A_1719 = arith.cmpi eq, %jit3A_1717, %eq3A_1718 : i32
      %jit3A_1720 = arith.constant 1 : i32
      %select_n3A_1721 = arith.select %eq3A_1719, %jit3A_1720, %jit3A_1717 : i32
      %rem3A_1722 = arith.remsi %add3A_1635, %select_n3A_1721 : i32
      %ne3A_1723 = arith.constant 0 : i32
      %ne3A_1724 = arith.cmpi ne, %rem3A_1722, %ne3A_1723 : i32
      %lt3A_1725 = arith.constant 0 : i32
      %lt3A_1726 = arith.cmpi slt, %rem3A_1722, %lt3A_1725 : i32
      %lt3A_1727 = arith.constant 0 : i32
      %lt3A_1728 = arith.cmpi slt, %select_n3A_1721, %lt3A_1727 : i32
      %ne3A_1729 = arith.xori %lt3A_1726, %lt3A_1728 : i1
      %and3A_1730 = arith.andi %ne3A_1729, %ne3A_1724 : i1
      %add3A_1731 = arith.addi %rem3A_1722, %select_n3A_1721 : i32
      %select_n3A_1732 = arith.select %and3A_1730, %add3A_1731, %rem3A_1722 : i32
      %mul3A_1733 = arith.constant 64 : i32
      %mul3A_1734 = arith.muli %select_n3A_1732, %mul3A_1733 : i32
      %add3A_1735 = arith.addi %mul3A_2, %mul3A_1734 : i32
      %dma_start3A_1736 = arith.constant 9 : i32
      %dma_start3A_1737 = arith.constant 9 : i32
      %dma_start3A_1738 = arith.constant 0 : i32
      %dma_start3A_1739 = arith.constant 0 : i32
      %dma_start3A_1740 = tpu.memref_slice %arg6[%dma_start3A_1736, %dma_start3A_1738, %dma_start3A_1739] : memref<10x64x128xf32, #tpu.memory_space<vmem>> -> memref<1x64x128xf32, #tpu.memory_space<vmem>>
      %dma_start3A_1741 = tpu.memref_squeeze %dma_start3A_1740 : memref<1x64x128xf32, #tpu.memory_space<vmem>> -> memref<64x128xf32, #tpu.memory_space<vmem>>
      %dma_start3A_1742 = arith.constant 0 : i32
      %dma_start3A_1743 = arith.constant 0 : i32
      %dma_start3A_1744 = tpu.memref_slice %arg4[%select_n3A_1716, %dma_start3A_1742, %dma_start3A_1743] : memref<50x4096x128xf32, #tpu.memory_space<hbm>> -> memref<1x4096x128xf32, #tpu.memory_space<hbm>>
      %dma_start3A_1745 = tpu.memref_squeeze %dma_start3A_1744 : memref<1x4096x128xf32, #tpu.memory_space<hbm>> -> memref<4096x128xf32, #tpu.memory_space<hbm>>
      %dma_start3A_1746 = arith.constant 0 : i32
      %dma_start3A_1747 = tpu.memref_slice %dma_start3A_1745[%add3A_1735, %dma_start3A_1746] : memref<4096x128xf32, #tpu.memory_space<hbm>> -> memref<64x128xf32, #tpu.memory_space<hbm>>
      %dma_start3A_1748 = tpu.memref_slice %arg8[%dma_start3A_1737] : memref<10x!tpu.dma_semaphore, #tpu.memory_space<semaphore_mem>> -> memref<1x!tpu.dma_semaphore, #tpu.memory_space<semaphore_mem>>
      %dma_start3A_1749 = tpu.memref_squeeze %dma_start3A_1748 : memref<1x!tpu.dma_semaphore, #tpu.memory_space<semaphore_mem>> -> memref<!tpu.dma_semaphore, #tpu.memory_space<semaphore_mem>>
      %dma_start3A_1750 = arith.constant 0 : i32
      %dma_start3A_1751 = arith.constant 0 : i32
      %dma_start3A_1752 = tpu.memref_slice %arg4[%select_n3A_1716, %dma_start3A_1750, %dma_start3A_1751] : memref<50x4096x128xf32, #tpu.memory_space<hbm>> -> memref<1x4096x128xf32, #tpu.memory_space<hbm>>
      %dma_start3A_1753 = tpu.memref_squeeze %dma_start3A_1752 : memref<1x4096x128xf32, #tpu.memory_space<hbm>> -> memref<4096x128xf32, #tpu.memory_space<hbm>>
      %dma_start3A_1754 = arith.constant 0 : i32
      %dma_start3A_1755 = tpu.memref_slice %dma_start3A_1753[%add3A_1735, %dma_start3A_1754] : memref<4096x128xf32, #tpu.memory_space<hbm>> -> memref<64x128xf32, #tpu.memory_space<hbm>>
      %dma_start3A_1756 = arith.constant 0 : i32
      %dma_start3A_1757 = arith.constant 0 : i32
      %dma_start3A_1758 = tpu.memref_slice %arg6[%dma_start3A_1736, %dma_start3A_1756, %dma_start3A_1757] : memref<10x64x128xf32, #tpu.memory_space<vmem>> -> memref<1x64x128xf32, #tpu.memory_space<vmem>>
      %dma_start3A_1759 = tpu.memref_squeeze %dma_start3A_1758 : memref<1x64x128xf32, #tpu.memory_space<vmem>> -> memref<64x128xf32, #tpu.memory_space<vmem>>
      tpu.enqueue_dma source(%dma_start3A_1759 : memref<64x128xf32, #tpu.memory_space<vmem>>) target(%dma_start3A_1755 : memref<64x128xf32, #tpu.memory_space<hbm>>) target_semaphore(%dma_start3A_1749 : memref<!tpu.dma_semaphore, #tpu.memory_space<semaphore_mem>>)
      %lt3A_1760 = arith.constant 9 : i32
      %lt3A_1761 = arith.cmpi slt, %scan3A_446, %lt3A_1760 : i32
      %convert_element_type3A_1762 = arith.extui %lt3A_1761 : i1 to i32
      %cond3A_1763 = arith.constant 0 : i32
      %cond3A_1764 = arith.cmpi ne, %convert_element_type3A_1762, %cond3A_1763 : i32
      scf.if %cond3A_1764 {
        %jit3A_1765 = arith.constant 2 : i32
        %div3A_1766 = arith.divsi %add3A_1635, %jit3A_1765 : i32
        %sign3A_1767 = arith.constant 0 : i32
        %sign3A_1768 = arith.cmpi sgt, %add3A_1635, %sign3A_1767 : i32
        %sign3A_1769 = arith.extui %sign3A_1768 : i1 to i32
        %sign3A_1770 = arith.constant 0 : i32
        %sign3A_1771 = arith.cmpi slt, %add3A_1635, %sign3A_1770 : i32
        %sign3A_1772 = arith.extui %sign3A_1771 : i1 to i32
        %sign3A_1773 = arith.subi %sign3A_1769, %sign3A_1772 : i32
        %sign3A_1774 = arith.constant 0 : i32
        %sign3A_1775 = arith.cmpi sgt, %jit3A_1765, %sign3A_1774 : i32
        %sign3A_1776 = arith.extui %sign3A_1775 : i1 to i32
        %sign3A_1777 = arith.constant 0 : i32
        %sign3A_1778 = arith.cmpi slt, %jit3A_1765, %sign3A_1777 : i32
        %sign3A_1779 = arith.extui %sign3A_1778 : i1 to i32
        %sign3A_1780 = arith.subi %sign3A_1776, %sign3A_1779 : i32
        %ne3A_1781 = arith.cmpi ne, %sign3A_1773, %sign3A_1780 : i32
        %rem3A_1782 = arith.remsi %add3A_1635, %jit3A_1765 : i32
        %ne3A_1783 = arith.constant 0 : i32
        %ne3A_1784 = arith.cmpi ne, %rem3A_1782, %ne3A_1783 : i32
        %and3A_1785 = arith.andi %ne3A_1781, %ne3A_1784 : i1
        %sub3A_1786 = arith.constant 1 : i32
        %sub3A_1787 = arith.subi %div3A_1766, %sub3A_1786 : i32
        %select_n3A_1788 = arith.select %and3A_1785, %sub3A_1787, %div3A_1766 : i32
        %jit3A_1789 = arith.constant 2 : i32
        %eq3A_1790 = arith.constant 0 : i32
        %eq3A_1791 = arith.cmpi eq, %jit3A_1789, %eq3A_1790 : i32
        %jit3A_1792 = arith.constant 1 : i32
        %select_n3A_1793 = arith.select %eq3A_1791, %jit3A_1792, %jit3A_1789 : i32
        %rem3A_1794 = arith.remsi %add3A_1635, %select_n3A_1793 : i32
        %ne3A_1795 = arith.constant 0 : i32
        %ne3A_1796 = arith.cmpi ne, %rem3A_1794, %ne3A_1795 : i32
        %lt3A_1797 = arith.constant 0 : i32
        %lt3A_1798 = arith.cmpi slt, %rem3A_1794, %lt3A_1797 : i32
        %lt3A_1799 = arith.constant 0 : i32
        %lt3A_1800 = arith.cmpi slt, %select_n3A_1793, %lt3A_1799 : i32
        %ne3A_1801 = arith.xori %lt3A_1798, %lt3A_1800 : i1
        %and3A_1802 = arith.andi %ne3A_1801, %ne3A_1796 : i1
        %add3A_1803 = arith.addi %rem3A_1794, %select_n3A_1793 : i32
        %select_n3A_1804 = arith.select %and3A_1802, %add3A_1803, %rem3A_1794 : i32
        %mul3A_1805 = arith.constant 64 : i32
        %mul3A_1806 = arith.muli %select_n3A_1804, %mul3A_1805 : i32
        %add3A_1807 = arith.addi %mul3A_2, %mul3A_1806 : i32
        %dma_wait3A_1808 = arith.constant 9 : i32
        %dma_wait3A_1809 = arith.constant 9 : i32
        %dma_wait3A_1810 = arith.constant 0 : i32
        %dma_wait3A_1811 = arith.constant 0 : i32
        %dma_wait3A_1812 = tpu.memref_slice %arg6[%dma_wait3A_1808, %dma_wait3A_1810, %dma_wait3A_1811] : memref<10x64x128xf32, #tpu.memory_space<vmem>> -> memref<1x64x128xf32, #tpu.memory_space<vmem>>
        %dma_wait3A_1813 = tpu.memref_squeeze %dma_wait3A_1812 : memref<1x64x128xf32, #tpu.memory_space<vmem>> -> memref<64x128xf32, #tpu.memory_space<vmem>>
        %dma_wait3A_1814 = arith.constant 0 : i32
        %dma_wait3A_1815 = arith.constant 0 : i32
        %dma_wait3A_1816 = tpu.memref_slice %arg4[%select_n3A_1788, %dma_wait3A_1814, %dma_wait3A_1815] : memref<50x4096x128xf32, #tpu.memory_space<hbm>> -> memref<1x4096x128xf32, #tpu.memory_space<hbm>>
        %dma_wait3A_1817 = tpu.memref_squeeze %dma_wait3A_1816 : memref<1x4096x128xf32, #tpu.memory_space<hbm>> -> memref<4096x128xf32, #tpu.memory_space<hbm>>
        %dma_wait3A_1818 = arith.constant 0 : i32
        %dma_wait3A_1819 = tpu.memref_slice %dma_wait3A_1817[%add3A_1807, %dma_wait3A_1818] : memref<4096x128xf32, #tpu.memory_space<hbm>> -> memref<64x128xf32, #tpu.memory_space<hbm>>
        %dma_wait3A_1820 = tpu.memref_slice %arg8[%dma_wait3A_1809] : memref<10x!tpu.dma_semaphore, #tpu.memory_space<semaphore_mem>> -> memref<1x!tpu.dma_semaphore, #tpu.memory_space<semaphore_mem>>
        %dma_wait3A_1821 = tpu.memref_squeeze %dma_wait3A_1820 : memref<1x!tpu.dma_semaphore, #tpu.memory_space<semaphore_mem>> -> memref<!tpu.dma_semaphore, #tpu.memory_space<semaphore_mem>>
        %dma_wait3A_1822 = arith.constant 0 : i32
        %dma_wait3A_1823 = arith.constant 0 : i32
        %dma_wait3A_1824 = tpu.memref_slice %arg4[%select_n3A_1788, %dma_wait3A_1822, %dma_wait3A_1823] : memref<50x4096x128xf32, #tpu.memory_space<hbm>> -> memref<1x4096x128xf32, #tpu.memory_space<hbm>>
        %dma_wait3A_1825 = tpu.memref_squeeze %dma_wait3A_1824 : memref<1x4096x128xf32, #tpu.memory_space<hbm>> -> memref<4096x128xf32, #tpu.memory_space<hbm>>
        %dma_wait3A_1826 = arith.constant 0 : i32
        %dma_wait3A_1827 = tpu.memref_slice %dma_wait3A_1825[%add3A_1807, %dma_wait3A_1826] : memref<4096x128xf32, #tpu.memory_space<hbm>> -> memref<64x128xf32, #tpu.memory_space<hbm>>
        %dma_wait3A_1828 = arith.constant 0 : i32
        %dma_wait3A_1829 = arith.constant 0 : i32
        %dma_wait3A_1830 = tpu.memref_slice %arg6[%dma_wait3A_1808, %dma_wait3A_1828, %dma_wait3A_1829] : memref<10x64x128xf32, #tpu.memory_space<vmem>> -> memref<1x64x128xf32, #tpu.memory_space<vmem>>
        %dma_wait3A_1831 = tpu.memref_squeeze %dma_wait3A_1830 : memref<1x64x128xf32, #tpu.memory_space<vmem>> -> memref<64x128xf32, #tpu.memory_space<vmem>>
        tpu.wait_dma2 semaphore(%dma_wait3A_1821 : memref<!tpu.dma_semaphore, #tpu.memory_space<semaphore_mem>>) src(%dma_wait3A_1831 : memref<64x128xf32, #tpu.memory_space<vmem>>) dst(%dma_wait3A_1827 : memref<64x128xf32, #tpu.memory_space<hbm>>)
        %add3A_1832 = arith.constant 10 : i32
        %add3A_1833 = arith.addi %add3A_1635, %add3A_1832 : i32
        %jit3A_1834 = arith.constant 2 : i32
        %div3A_1835 = arith.divsi %add3A_1833, %jit3A_1834 : i32
        %sign3A_1836 = arith.constant 0 : i32
        %sign3A_1837 = arith.cmpi sgt, %add3A_1833, %sign3A_1836 : i32
        %sign3A_1838 = arith.extui %sign3A_1837 : i1 to i32
        %sign3A_1839 = arith.constant 0 : i32
        %sign3A_1840 = arith.cmpi slt, %add3A_1833, %sign3A_1839 : i32
        %sign3A_1841 = arith.extui %sign3A_1840 : i1 to i32
        %sign3A_1842 = arith.subi %sign3A_1838, %sign3A_1841 : i32
        %sign3A_1843 = arith.constant 0 : i32
        %sign3A_1844 = arith.cmpi sgt, %jit3A_1834, %sign3A_1843 : i32
        %sign3A_1845 = arith.extui %sign3A_1844 : i1 to i32
        %sign3A_1846 = arith.constant 0 : i32
        %sign3A_1847 = arith.cmpi slt, %jit3A_1834, %sign3A_1846 : i32
        %sign3A_1848 = arith.extui %sign3A_1847 : i1 to i32
        %sign3A_1849 = arith.subi %sign3A_1845, %sign3A_1848 : i32
        %ne3A_1850 = arith.cmpi ne, %sign3A_1842, %sign3A_1849 : i32
        %rem3A_1851 = arith.remsi %add3A_1833, %jit3A_1834 : i32
        %ne3A_1852 = arith.constant 0 : i32
        %ne3A_1853 = arith.cmpi ne, %rem3A_1851, %ne3A_1852 : i32
        %and3A_1854 = arith.andi %ne3A_1850, %ne3A_1853 : i1
        %sub3A_1855 = arith.constant 1 : i32
        %sub3A_1856 = arith.subi %div3A_1835, %sub3A_1855 : i32
        %select_n3A_1857 = arith.select %and3A_1854, %sub3A_1856, %div3A_1835 : i32
        %jit3A_1858 = arith.constant 2 : i32
        %eq3A_1859 = arith.constant 0 : i32
        %eq3A_1860 = arith.cmpi eq, %jit3A_1858, %eq3A_1859 : i32
        %jit3A_1861 = arith.constant 1 : i32
        %select_n3A_1862 = arith.select %eq3A_1860, %jit3A_1861, %jit3A_1858 : i32
        %rem3A_1863 = arith.remsi %add3A_1833, %select_n3A_1862 : i32
        %ne3A_1864 = arith.constant 0 : i32
        %ne3A_1865 = arith.cmpi ne, %rem3A_1863, %ne3A_1864 : i32
        %lt3A_1866 = arith.constant 0 : i32
        %lt3A_1867 = arith.cmpi slt, %rem3A_1863, %lt3A_1866 : i32
        %lt3A_1868 = arith.constant 0 : i32
        %lt3A_1869 = arith.cmpi slt, %select_n3A_1862, %lt3A_1868 : i32
        %ne3A_1870 = arith.xori %lt3A_1867, %lt3A_1869 : i1
        %and3A_1871 = arith.andi %ne3A_1870, %ne3A_1865 : i1
        %add3A_1872 = arith.addi %rem3A_1863, %select_n3A_1862 : i32
        %select_n3A_1873 = arith.select %and3A_1871, %add3A_1872, %rem3A_1863 : i32
        %mul3A_1874 = arith.constant 64 : i32
        %mul3A_1875 = arith.muli %select_n3A_1873, %mul3A_1874 : i32
        %dma_start3A_1876 = arith.constant 9 : i32
        %dma_start3A_1877 = arith.constant 9 : i32
        %dma_start3A_1878 = arith.constant 0 : i32
        %dma_start3A_1879 = arith.constant 0 : i32
        %dma_start3A_1880 = tpu.memref_slice %arg6[%dma_start3A_1876, %dma_start3A_1878, %dma_start3A_1879] : memref<10x64x128xf32, #tpu.memory_space<vmem>> -> memref<1x64x128xf32, #tpu.memory_space<vmem>>
        %dma_start3A_1881 = tpu.memref_squeeze %dma_start3A_1880 : memref<1x64x128xf32, #tpu.memory_space<vmem>> -> memref<64x128xf32, #tpu.memory_space<vmem>>
        %dma_start3A_1882 = arith.constant 0 : i32
        %dma_start3A_1883 = tpu.memref_slice %arg5[%select_n3A_1857, %dma_start3A_1882] : memref<50x128xi32, #tpu.memory_space<vmem>> -> memref<1x128xi32, #tpu.memory_space<vmem>>
        %dma_start3A_1884 = tpu.memref_squeeze %dma_start3A_1883 : memref<1x128xi32, #tpu.memory_space<vmem>> -> memref<128xi32, #tpu.memory_space<vmem>>
        %dma_start3A_1885 = tpu.memref_slice %dma_start3A_1884[%mul3A_1875] : memref<128xi32, #tpu.memory_space<vmem>> -> memref<64xi32, #tpu.memory_space<vmem>>
        %dma_start3A_1886 = arith.constant 0 : i32
        %dma_start3A_1887 = arith.constant 0 : i32
        %dma_start3A_1888 = tpu.memref_slice %arg2[%dma_start3A_1886, %dma_start3A_1887] : memref<100000x128xf32, #tpu.memory_space<hbm>> -> memref<100000x128xf32, #tpu.memory_space<hbm>>
        %dma_start3A_1889 = tpu.memref_slice %arg7[%dma_start3A_1877] : memref<10x!tpu.dma_semaphore, #tpu.memory_space<semaphore_mem>> -> memref<1x!tpu.dma_semaphore, #tpu.memory_space<semaphore_mem>>
        %dma_start3A_1890 = tpu.memref_squeeze %dma_start3A_1889 : memref<1x!tpu.dma_semaphore, #tpu.memory_space<semaphore_mem>> -> memref<!tpu.dma_semaphore, #tpu.memory_space<semaphore_mem>>
        tpu.enqueue_indirect_dma source(%dma_start3A_1888 : memref<100000x128xf32, #tpu.memory_space<hbm>>) target(%dma_start3A_1881 : memref<64x128xf32, #tpu.memory_space<vmem>>) offsets(%dma_start3A_1885 : memref<64xi32, #tpu.memory_space<vmem>>) semaphore(%dma_start3A_1890 : memref<!tpu.dma_semaphore, #tpu.memory_space<semaphore_mem>>)
      } else {
      }
    }
    %scan3A_176 = arith.constant 10 : i32
    %add3A_177 = arith.constant 0 : i32
    %add3A_178 = arith.addi %mul3A_2, %add3A_177 : i32
    %dma_wait3A = arith.constant 0 : i32
    %dma_wait3A_179 = arith.constant 45 : i32
    %dma_wait3A_180 = arith.constant 0 : i32
    %dma_wait3A_181 = arith.constant 0 : i32
    %dma_wait3A_182 = arith.constant 0 : i32
    %dma_wait3A_183 = tpu.memref_slice %arg6[%dma_wait3A, %dma_wait3A_181, %dma_wait3A_182] : memref<10x64x128xf32, #tpu.memory_space<vmem>> -> memref<1x64x128xf32, #tpu.memory_space<vmem>>
    %dma_wait3A_184 = tpu.memref_squeeze %dma_wait3A_183 : memref<1x64x128xf32, #tpu.memory_space<vmem>> -> memref<64x128xf32, #tpu.memory_space<vmem>>
    %dma_wait3A_185 = arith.constant 0 : i32
    %dma_wait3A_186 = arith.constant 0 : i32
    %dma_wait3A_187 = tpu.memref_slice %arg4[%dma_wait3A_179, %dma_wait3A_185, %dma_wait3A_186] : memref<50x4096x128xf32, #tpu.memory_space<hbm>> -> memref<1x4096x128xf32, #tpu.memory_space<hbm>>
    %dma_wait3A_188 = tpu.memref_squeeze %dma_wait3A_187 : memref<1x4096x128xf32, #tpu.memory_space<hbm>> -> memref<4096x128xf32, #tpu.memory_space<hbm>>
    %dma_wait3A_189 = arith.constant 0 : i32
    %dma_wait3A_190 = tpu.memref_slice %dma_wait3A_188[%add3A_178, %dma_wait3A_189] : memref<4096x128xf32, #tpu.memory_space<hbm>> -> memref<64x128xf32, #tpu.memory_space<hbm>>
    %dma_wait3A_191 = tpu.memref_slice %arg8[%dma_wait3A_180] : memref<10x!tpu.dma_semaphore, #tpu.memory_space<semaphore_mem>> -> memref<1x!tpu.dma_semaphore, #tpu.memory_space<semaphore_mem>>
    %dma_wait3A_192 = tpu.memref_squeeze %dma_wait3A_191 : memref<1x!tpu.dma_semaphore, #tpu.memory_space<semaphore_mem>> -> memref<!tpu.dma_semaphore, #tpu.memory_space<semaphore_mem>>
    %dma_wait3A_193 = arith.constant 0 : i32
    %dma_wait3A_194 = arith.constant 0 : i32
    %dma_wait3A_195 = tpu.memref_slice %arg4[%dma_wait3A_179, %dma_wait3A_193, %dma_wait3A_194] : memref<50x4096x128xf32, #tpu.memory_space<hbm>> -> memref<1x4096x128xf32, #tpu.memory_space<hbm>>
    %dma_wait3A_196 = tpu.memref_squeeze %dma_wait3A_195 : memref<1x4096x128xf32, #tpu.memory_space<hbm>> -> memref<4096x128xf32, #tpu.memory_space<hbm>>
    %dma_wait3A_197 = arith.constant 0 : i32
    %dma_wait3A_198 = tpu.memref_slice %dma_wait3A_196[%add3A_178, %dma_wait3A_197] : memref<4096x128xf32, #tpu.memory_space<hbm>> -> memref<64x128xf32, #tpu.memory_space<hbm>>
    %dma_wait3A_199 = arith.constant 0 : i32
    %dma_wait3A_200 = arith.constant 0 : i32
    %dma_wait3A_201 = tpu.memref_slice %arg6[%dma_wait3A, %dma_wait3A_199, %dma_wait3A_200] : memref<10x64x128xf32, #tpu.memory_space<vmem>> -> memref<1x64x128xf32, #tpu.memory_space<vmem>>
    %dma_wait3A_202 = tpu.memref_squeeze %dma_wait3A_201 : memref<1x64x128xf32, #tpu.memory_space<vmem>> -> memref<64x128xf32, #tpu.memory_space<vmem>>
    tpu.wait_dma2 semaphore(%dma_wait3A_192 : memref<!tpu.dma_semaphore, #tpu.memory_space<semaphore_mem>>) src(%dma_wait3A_202 : memref<64x128xf32, #tpu.memory_space<vmem>>) dst(%dma_wait3A_198 : memref<64x128xf32, #tpu.memory_space<hbm>>)
    %add3A_203 = arith.constant 64 : i32
    %add3A_204 = arith.addi %mul3A_2, %add3A_203 : i32
    %dma_wait3A_205 = arith.constant 1 : i32
    %dma_wait3A_206 = arith.constant 45 : i32
    %dma_wait3A_207 = arith.constant 1 : i32
    %dma_wait3A_208 = arith.constant 0 : i32
    %dma_wait3A_209 = arith.constant 0 : i32
    %dma_wait3A_210 = tpu.memref_slice %arg6[%dma_wait3A_205, %dma_wait3A_208, %dma_wait3A_209] : memref<10x64x128xf32, #tpu.memory_space<vmem>> -> memref<1x64x128xf32, #tpu.memory_space<vmem>>
    %dma_wait3A_211 = tpu.memref_squeeze %dma_wait3A_210 : memref<1x64x128xf32, #tpu.memory_space<vmem>> -> memref<64x128xf32, #tpu.memory_space<vmem>>
    %dma_wait3A_212 = arith.constant 0 : i32
    %dma_wait3A_213 = arith.constant 0 : i32
    %dma_wait3A_214 = tpu.memref_slice %arg4[%dma_wait3A_206, %dma_wait3A_212, %dma_wait3A_213] : memref<50x4096x128xf32, #tpu.memory_space<hbm>> -> memref<1x4096x128xf32, #tpu.memory_space<hbm>>
    %dma_wait3A_215 = tpu.memref_squeeze %dma_wait3A_214 : memref<1x4096x128xf32, #tpu.memory_space<hbm>> -> memref<4096x128xf32, #tpu.memory_space<hbm>>
    %dma_wait3A_216 = arith.constant 0 : i32
    %dma_wait3A_217 = tpu.memref_slice %dma_wait3A_215[%add3A_204, %dma_wait3A_216] : memref<4096x128xf32, #tpu.memory_space<hbm>> -> memref<64x128xf32, #tpu.memory_space<hbm>>
    %dma_wait3A_218 = tpu.memref_slice %arg8[%dma_wait3A_207] : memref<10x!tpu.dma_semaphore, #tpu.memory_space<semaphore_mem>> -> memref<1x!tpu.dma_semaphore, #tpu.memory_space<semaphore_mem>>
    %dma_wait3A_219 = tpu.memref_squeeze %dma_wait3A_218 : memref<1x!tpu.dma_semaphore, #tpu.memory_space<semaphore_mem>> -> memref<!tpu.dma_semaphore, #tpu.memory_space<semaphore_mem>>
    %dma_wait3A_220 = arith.constant 0 : i32
    %dma_wait3A_221 = arith.constant 0 : i32
    %dma_wait3A_222 = tpu.memref_slice %arg4[%dma_wait3A_206, %dma_wait3A_220, %dma_wait3A_221] : memref<50x4096x128xf32, #tpu.memory_space<hbm>> -> memref<1x4096x128xf32, #tpu.memory_space<hbm>>
    %dma_wait3A_223 = tpu.memref_squeeze %dma_wait3A_222 : memref<1x4096x128xf32, #tpu.memory_space<hbm>> -> memref<4096x128xf32, #tpu.memory_space<hbm>>
    %dma_wait3A_224 = arith.constant 0 : i32
    %dma_wait3A_225 = tpu.memref_slice %dma_wait3A_223[%add3A_204, %dma_wait3A_224] : memref<4096x128xf32, #tpu.memory_space<hbm>> -> memref<64x128xf32, #tpu.memory_space<hbm>>
    %dma_wait3A_226 = arith.constant 0 : i32
    %dma_wait3A_227 = arith.constant 0 : i32
    %dma_wait3A_228 = tpu.memref_slice %arg6[%dma_wait3A_205, %dma_wait3A_226, %dma_wait3A_227] : memref<10x64x128xf32, #tpu.memory_space<vmem>> -> memref<1x64x128xf32, #tpu.memory_space<vmem>>
    %dma_wait3A_229 = tpu.memref_squeeze %dma_wait3A_228 : memref<1x64x128xf32, #tpu.memory_space<vmem>> -> memref<64x128xf32, #tpu.memory_space<vmem>>
    tpu.wait_dma2 semaphore(%dma_wait3A_219 : memref<!tpu.dma_semaphore, #tpu.memory_space<semaphore_mem>>) src(%dma_wait3A_229 : memref<64x128xf32, #tpu.memory_space<vmem>>) dst(%dma_wait3A_225 : memref<64x128xf32, #tpu.memory_space<hbm>>)
    %add3A_230 = arith.constant 0 : i32
    %add3A_231 = arith.addi %mul3A_2, %add3A_230 : i32
    %dma_wait3A_232 = arith.constant 2 : i32
    %dma_wait3A_233 = arith.constant 46 : i32
    %dma_wait3A_234 = arith.constant 2 : i32
    %dma_wait3A_235 = arith.constant 0 : i32
    %dma_wait3A_236 = arith.constant 0 : i32
    %dma_wait3A_237 = tpu.memref_slice %arg6[%dma_wait3A_232, %dma_wait3A_235, %dma_wait3A_236] : memref<10x64x128xf32, #tpu.memory_space<vmem>> -> memref<1x64x128xf32, #tpu.memory_space<vmem>>
    %dma_wait3A_238 = tpu.memref_squeeze %dma_wait3A_237 : memref<1x64x128xf32, #tpu.memory_space<vmem>> -> memref<64x128xf32, #tpu.memory_space<vmem>>
    %dma_wait3A_239 = arith.constant 0 : i32
    %dma_wait3A_240 = arith.constant 0 : i32
    %dma_wait3A_241 = tpu.memref_slice %arg4[%dma_wait3A_233, %dma_wait3A_239, %dma_wait3A_240] : memref<50x4096x128xf32, #tpu.memory_space<hbm>> -> memref<1x4096x128xf32, #tpu.memory_space<hbm>>
    %dma_wait3A_242 = tpu.memref_squeeze %dma_wait3A_241 : memref<1x4096x128xf32, #tpu.memory_space<hbm>> -> memref<4096x128xf32, #tpu.memory_space<hbm>>
    %dma_wait3A_243 = arith.constant 0 : i32
    %dma_wait3A_244 = tpu.memref_slice %dma_wait3A_242[%add3A_231, %dma_wait3A_243] : memref<4096x128xf32, #tpu.memory_space<hbm>> -> memref<64x128xf32, #tpu.memory_space<hbm>>
    %dma_wait3A_245 = tpu.memref_slice %arg8[%dma_wait3A_234] : memref<10x!tpu.dma_semaphore, #tpu.memory_space<semaphore_mem>> -> memref<1x!tpu.dma_semaphore, #tpu.memory_space<semaphore_mem>>
    %dma_wait3A_246 = tpu.memref_squeeze %dma_wait3A_245 : memref<1x!tpu.dma_semaphore, #tpu.memory_space<semaphore_mem>> -> memref<!tpu.dma_semaphore, #tpu.memory_space<semaphore_mem>>
    %dma_wait3A_247 = arith.constant 0 : i32
    %dma_wait3A_248 = arith.constant 0 : i32
    %dma_wait3A_249 = tpu.memref_slice %arg4[%dma_wait3A_233, %dma_wait3A_247, %dma_wait3A_248] : memref<50x4096x128xf32, #tpu.memory_space<hbm>> -> memref<1x4096x128xf32, #tpu.memory_space<hbm>>
    %dma_wait3A_250 = tpu.memref_squeeze %dma_wait3A_249 : memref<1x4096x128xf32, #tpu.memory_space<hbm>> -> memref<4096x128xf32, #tpu.memory_space<hbm>>
    %dma_wait3A_251 = arith.constant 0 : i32
    %dma_wait3A_252 = tpu.memref_slice %dma_wait3A_250[%add3A_231, %dma_wait3A_251] : memref<4096x128xf32, #tpu.memory_space<hbm>> -> memref<64x128xf32, #tpu.memory_space<hbm>>
    %dma_wait3A_253 = arith.constant 0 : i32
    %dma_wait3A_254 = arith.constant 0 : i32
    %dma_wait3A_255 = tpu.memref_slice %arg6[%dma_wait3A_232, %dma_wait3A_253, %dma_wait3A_254] : memref<10x64x128xf32, #tpu.memory_space<vmem>> -> memref<1x64x128xf32, #tpu.memory_space<vmem>>
    %dma_wait3A_256 = tpu.memref_squeeze %dma_wait3A_255 : memref<1x64x128xf32, #tpu.memory_space<vmem>> -> memref<64x128xf32, #tpu.memory_space<vmem>>
    tpu.wait_dma2 semaphore(%dma_wait3A_246 : memref<!tpu.dma_semaphore, #tpu.memory_space<semaphore_mem>>) src(%dma_wait3A_256 : memref<64x128xf32, #tpu.memory_space<vmem>>) dst(%dma_wait3A_252 : memref<64x128xf32, #tpu.memory_space<hbm>>)
    %add3A_257 = arith.constant 64 : i32
    %add3A_258 = arith.addi %mul3A_2, %add3A_257 : i32
    %dma_wait3A_259 = arith.constant 3 : i32
    %dma_wait3A_260 = arith.constant 46 : i32
    %dma_wait3A_261 = arith.constant 3 : i32
    %dma_wait3A_262 = arith.constant 0 : i32
    %dma_wait3A_263 = arith.constant 0 : i32
    %dma_wait3A_264 = tpu.memref_slice %arg6[%dma_wait3A_259, %dma_wait3A_262, %dma_wait3A_263] : memref<10x64x128xf32, #tpu.memory_space<vmem>> -> memref<1x64x128xf32, #tpu.memory_space<vmem>>
    %dma_wait3A_265 = tpu.memref_squeeze %dma_wait3A_264 : memref<1x64x128xf32, #tpu.memory_space<vmem>> -> memref<64x128xf32, #tpu.memory_space<vmem>>
    %dma_wait3A_266 = arith.constant 0 : i32
    %dma_wait3A_267 = arith.constant 0 : i32
    %dma_wait3A_268 = tpu.memref_slice %arg4[%dma_wait3A_260, %dma_wait3A_266, %dma_wait3A_267] : memref<50x4096x128xf32, #tpu.memory_space<hbm>> -> memref<1x4096x128xf32, #tpu.memory_space<hbm>>
    %dma_wait3A_269 = tpu.memref_squeeze %dma_wait3A_268 : memref<1x4096x128xf32, #tpu.memory_space<hbm>> -> memref<4096x128xf32, #tpu.memory_space<hbm>>
    %dma_wait3A_270 = arith.constant 0 : i32
    %dma_wait3A_271 = tpu.memref_slice %dma_wait3A_269[%add3A_258, %dma_wait3A_270] : memref<4096x128xf32, #tpu.memory_space<hbm>> -> memref<64x128xf32, #tpu.memory_space<hbm>>
    %dma_wait3A_272 = tpu.memref_slice %arg8[%dma_wait3A_261] : memref<10x!tpu.dma_semaphore, #tpu.memory_space<semaphore_mem>> -> memref<1x!tpu.dma_semaphore, #tpu.memory_space<semaphore_mem>>
    %dma_wait3A_273 = tpu.memref_squeeze %dma_wait3A_272 : memref<1x!tpu.dma_semaphore, #tpu.memory_space<semaphore_mem>> -> memref<!tpu.dma_semaphore, #tpu.memory_space<semaphore_mem>>
    %dma_wait3A_274 = arith.constant 0 : i32
    %dma_wait3A_275 = arith.constant 0 : i32
    %dma_wait3A_276 = tpu.memref_slice %arg4[%dma_wait3A_260, %dma_wait3A_274, %dma_wait3A_275] : memref<50x4096x128xf32, #tpu.memory_space<hbm>> -> memref<1x4096x128xf32, #tpu.memory_space<hbm>>
    %dma_wait3A_277 = tpu.memref_squeeze %dma_wait3A_276 : memref<1x4096x128xf32, #tpu.memory_space<hbm>> -> memref<4096x128xf32, #tpu.memory_space<hbm>>
    %dma_wait3A_278 = arith.constant 0 : i32
    %dma_wait3A_279 = tpu.memref_slice %dma_wait3A_277[%add3A_258, %dma_wait3A_278] : memref<4096x128xf32, #tpu.memory_space<hbm>> -> memref<64x128xf32, #tpu.memory_space<hbm>>
    %dma_wait3A_280 = arith.constant 0 : i32
    %dma_wait3A_281 = arith.constant 0 : i32
    %dma_wait3A_282 = tpu.memref_slice %arg6[%dma_wait3A_259, %dma_wait3A_280, %dma_wait3A_281] : memref<10x64x128xf32, #tpu.memory_space<vmem>> -> memref<1x64x128xf32, #tpu.memory_space<vmem>>
    %dma_wait3A_283 = tpu.memref_squeeze %dma_wait3A_282 : memref<1x64x128xf32, #tpu.memory_space<vmem>> -> memref<64x128xf32, #tpu.memory_space<vmem>>
    tpu.wait_dma2 semaphore(%dma_wait3A_273 : memref<!tpu.dma_semaphore, #tpu.memory_space<semaphore_mem>>) src(%dma_wait3A_283 : memref<64x128xf32, #tpu.memory_space<vmem>>) dst(%dma_wait3A_279 : memref<64x128xf32, #tpu.memory_space<hbm>>)
    %add3A_284 = arith.constant 0 : i32
    %add3A_285 = arith.addi %mul3A_2, %add3A_284 : i32
    %dma_wait3A_286 = arith.constant 4 : i32
    %dma_wait3A_287 = arith.constant 47 : i32
    %dma_wait3A_288 = arith.constant 4 : i32
    %dma_wait3A_289 = arith.constant 0 : i32
    %dma_wait3A_290 = arith.constant 0 : i32
    %dma_wait3A_291 = tpu.memref_slice %arg6[%dma_wait3A_286, %dma_wait3A_289, %dma_wait3A_290] : memref<10x64x128xf32, #tpu.memory_space<vmem>> -> memref<1x64x128xf32, #tpu.memory_space<vmem>>
    %dma_wait3A_292 = tpu.memref_squeeze %dma_wait3A_291 : memref<1x64x128xf32, #tpu.memory_space<vmem>> -> memref<64x128xf32, #tpu.memory_space<vmem>>
    %dma_wait3A_293 = arith.constant 0 : i32
    %dma_wait3A_294 = arith.constant 0 : i32
    %dma_wait3A_295 = tpu.memref_slice %arg4[%dma_wait3A_287, %dma_wait3A_293, %dma_wait3A_294] : memref<50x4096x128xf32, #tpu.memory_space<hbm>> -> memref<1x4096x128xf32, #tpu.memory_space<hbm>>
    %dma_wait3A_296 = tpu.memref_squeeze %dma_wait3A_295 : memref<1x4096x128xf32, #tpu.memory_space<hbm>> -> memref<4096x128xf32, #tpu.memory_space<hbm>>
    %dma_wait3A_297 = arith.constant 0 : i32
    %dma_wait3A_298 = tpu.memref_slice %dma_wait3A_296[%add3A_285, %dma_wait3A_297] : memref<4096x128xf32, #tpu.memory_space<hbm>> -> memref<64x128xf32, #tpu.memory_space<hbm>>
    %dma_wait3A_299 = tpu.memref_slice %arg8[%dma_wait3A_288] : memref<10x!tpu.dma_semaphore, #tpu.memory_space<semaphore_mem>> -> memref<1x!tpu.dma_semaphore, #tpu.memory_space<semaphore_mem>>
    %dma_wait3A_300 = tpu.memref_squeeze %dma_wait3A_299 : memref<1x!tpu.dma_semaphore, #tpu.memory_space<semaphore_mem>> -> memref<!tpu.dma_semaphore, #tpu.memory_space<semaphore_mem>>
    %dma_wait3A_301 = arith.constant 0 : i32
    %dma_wait3A_302 = arith.constant 0 : i32
    %dma_wait3A_303 = tpu.memref_slice %arg4[%dma_wait3A_287, %dma_wait3A_301, %dma_wait3A_302] : memref<50x4096x128xf32, #tpu.memory_space<hbm>> -> memref<1x4096x128xf32, #tpu.memory_space<hbm>>
    %dma_wait3A_304 = tpu.memref_squeeze %dma_wait3A_303 : memref<1x4096x128xf32, #tpu.memory_space<hbm>> -> memref<4096x128xf32, #tpu.memory_space<hbm>>
    %dma_wait3A_305 = arith.constant 0 : i32
    %dma_wait3A_306 = tpu.memref_slice %dma_wait3A_304[%add3A_285, %dma_wait3A_305] : memref<4096x128xf32, #tpu.memory_space<hbm>> -> memref<64x128xf32, #tpu.memory_space<hbm>>
    %dma_wait3A_307 = arith.constant 0 : i32
    %dma_wait3A_308 = arith.constant 0 : i32
    %dma_wait3A_309 = tpu.memref_slice %arg6[%dma_wait3A_286, %dma_wait3A_307, %dma_wait3A_308] : memref<10x64x128xf32, #tpu.memory_space<vmem>> -> memref<1x64x128xf32, #tpu.memory_space<vmem>>
    %dma_wait3A_310 = tpu.memref_squeeze %dma_wait3A_309 : memref<1x64x128xf32, #tpu.memory_space<vmem>> -> memref<64x128xf32, #tpu.memory_space<vmem>>
    tpu.wait_dma2 semaphore(%dma_wait3A_300 : memref<!tpu.dma_semaphore, #tpu.memory_space<semaphore_mem>>) src(%dma_wait3A_310 : memref<64x128xf32, #tpu.memory_space<vmem>>) dst(%dma_wait3A_306 : memref<64x128xf32, #tpu.memory_space<hbm>>)
    %add3A_311 = arith.constant 64 : i32
    %add3A_312 = arith.addi %mul3A_2, %add3A_311 : i32
    %dma_wait3A_313 = arith.constant 5 : i32
    %dma_wait3A_314 = arith.constant 47 : i32
    %dma_wait3A_315 = arith.constant 5 : i32
    %dma_wait3A_316 = arith.constant 0 : i32
    %dma_wait3A_317 = arith.constant 0 : i32
    %dma_wait3A_318 = tpu.memref_slice %arg6[%dma_wait3A_313, %dma_wait3A_316, %dma_wait3A_317] : memref<10x64x128xf32, #tpu.memory_space<vmem>> -> memref<1x64x128xf32, #tpu.memory_space<vmem>>
    %dma_wait3A_319 = tpu.memref_squeeze %dma_wait3A_318 : memref<1x64x128xf32, #tpu.memory_space<vmem>> -> memref<64x128xf32, #tpu.memory_space<vmem>>
    %dma_wait3A_320 = arith.constant 0 : i32
    %dma_wait3A_321 = arith.constant 0 : i32
    %dma_wait3A_322 = tpu.memref_slice %arg4[%dma_wait3A_314, %dma_wait3A_320, %dma_wait3A_321] : memref<50x4096x128xf32, #tpu.memory_space<hbm>> -> memref<1x4096x128xf32, #tpu.memory_space<hbm>>
    %dma_wait3A_323 = tpu.memref_squeeze %dma_wait3A_322 : memref<1x4096x128xf32, #tpu.memory_space<hbm>> -> memref<4096x128xf32, #tpu.memory_space<hbm>>
    %dma_wait3A_324 = arith.constant 0 : i32
    %dma_wait3A_325 = tpu.memref_slice %dma_wait3A_323[%add3A_312, %dma_wait3A_324] : memref<4096x128xf32, #tpu.memory_space<hbm>> -> memref<64x128xf32, #tpu.memory_space<hbm>>
    %dma_wait3A_326 = tpu.memref_slice %arg8[%dma_wait3A_315] : memref<10x!tpu.dma_semaphore, #tpu.memory_space<semaphore_mem>> -> memref<1x!tpu.dma_semaphore, #tpu.memory_space<semaphore_mem>>
    %dma_wait3A_327 = tpu.memref_squeeze %dma_wait3A_326 : memref<1x!tpu.dma_semaphore, #tpu.memory_space<semaphore_mem>> -> memref<!tpu.dma_semaphore, #tpu.memory_space<semaphore_mem>>
    %dma_wait3A_328 = arith.constant 0 : i32
    %dma_wait3A_329 = arith.constant 0 : i32
    %dma_wait3A_330 = tpu.memref_slice %arg4[%dma_wait3A_314, %dma_wait3A_328, %dma_wait3A_329] : memref<50x4096x128xf32, #tpu.memory_space<hbm>> -> memref<1x4096x128xf32, #tpu.memory_space<hbm>>
    %dma_wait3A_331 = tpu.memref_squeeze %dma_wait3A_330 : memref<1x4096x128xf32, #tpu.memory_space<hbm>> -> memref<4096x128xf32, #tpu.memory_space<hbm>>
    %dma_wait3A_332 = arith.constant 0 : i32
    %dma_wait3A_333 = tpu.memref_slice %dma_wait3A_331[%add3A_312, %dma_wait3A_332] : memref<4096x128xf32, #tpu.memory_space<hbm>> -> memref<64x128xf32, #tpu.memory_space<hbm>>
    %dma_wait3A_334 = arith.constant 0 : i32
    %dma_wait3A_335 = arith.constant 0 : i32
    %dma_wait3A_336 = tpu.memref_slice %arg6[%dma_wait3A_313, %dma_wait3A_334, %dma_wait3A_335] : memref<10x64x128xf32, #tpu.memory_space<vmem>> -> memref<1x64x128xf32, #tpu.memory_space<vmem>>
    %dma_wait3A_337 = tpu.memref_squeeze %dma_wait3A_336 : memref<1x64x128xf32, #tpu.memory_space<vmem>> -> memref<64x128xf32, #tpu.memory_space<vmem>>
    tpu.wait_dma2 semaphore(%dma_wait3A_327 : memref<!tpu.dma_semaphore, #tpu.memory_space<semaphore_mem>>) src(%dma_wait3A_337 : memref<64x128xf32, #tpu.memory_space<vmem>>) dst(%dma_wait3A_333 : memref<64x128xf32, #tpu.memory_space<hbm>>)
    %add3A_338 = arith.constant 0 : i32
    %add3A_339 = arith.addi %mul3A_2, %add3A_338 : i32
    %dma_wait3A_340 = arith.constant 6 : i32
    %dma_wait3A_341 = arith.constant 48 : i32
    %dma_wait3A_342 = arith.constant 6 : i32
    %dma_wait3A_343 = arith.constant 0 : i32
    %dma_wait3A_344 = arith.constant 0 : i32
    %dma_wait3A_345 = tpu.memref_slice %arg6[%dma_wait3A_340, %dma_wait3A_343, %dma_wait3A_344] : memref<10x64x128xf32, #tpu.memory_space<vmem>> -> memref<1x64x128xf32, #tpu.memory_space<vmem>>
    %dma_wait3A_346 = tpu.memref_squeeze %dma_wait3A_345 : memref<1x64x128xf32, #tpu.memory_space<vmem>> -> memref<64x128xf32, #tpu.memory_space<vmem>>
    %dma_wait3A_347 = arith.constant 0 : i32
    %dma_wait3A_348 = arith.constant 0 : i32
    %dma_wait3A_349 = tpu.memref_slice %arg4[%dma_wait3A_341, %dma_wait3A_347, %dma_wait3A_348] : memref<50x4096x128xf32, #tpu.memory_space<hbm>> -> memref<1x4096x128xf32, #tpu.memory_space<hbm>>
    %dma_wait3A_350 = tpu.memref_squeeze %dma_wait3A_349 : memref<1x4096x128xf32, #tpu.memory_space<hbm>> -> memref<4096x128xf32, #tpu.memory_space<hbm>>
    %dma_wait3A_351 = arith.constant 0 : i32
    %dma_wait3A_352 = tpu.memref_slice %dma_wait3A_350[%add3A_339, %dma_wait3A_351] : memref<4096x128xf32, #tpu.memory_space<hbm>> -> memref<64x128xf32, #tpu.memory_space<hbm>>
    %dma_wait3A_353 = tpu.memref_slice %arg8[%dma_wait3A_342] : memref<10x!tpu.dma_semaphore, #tpu.memory_space<semaphore_mem>> -> memref<1x!tpu.dma_semaphore, #tpu.memory_space<semaphore_mem>>
    %dma_wait3A_354 = tpu.memref_squeeze %dma_wait3A_353 : memref<1x!tpu.dma_semaphore, #tpu.memory_space<semaphore_mem>> -> memref<!tpu.dma_semaphore, #tpu.memory_space<semaphore_mem>>
    %dma_wait3A_355 = arith.constant 0 : i32
    %dma_wait3A_356 = arith.constant 0 : i32
    %dma_wait3A_357 = tpu.memref_slice %arg4[%dma_wait3A_341, %dma_wait3A_355, %dma_wait3A_356] : memref<50x4096x128xf32, #tpu.memory_space<hbm>> -> memref<1x4096x128xf32, #tpu.memory_space<hbm>>
    %dma_wait3A_358 = tpu.memref_squeeze %dma_wait3A_357 : memref<1x4096x128xf32, #tpu.memory_space<hbm>> -> memref<4096x128xf32, #tpu.memory_space<hbm>>
    %dma_wait3A_359 = arith.constant 0 : i32
    %dma_wait3A_360 = tpu.memref_slice %dma_wait3A_358[%add3A_339, %dma_wait3A_359] : memref<4096x128xf32, #tpu.memory_space<hbm>> -> memref<64x128xf32, #tpu.memory_space<hbm>>
    %dma_wait3A_361 = arith.constant 0 : i32
    %dma_wait3A_362 = arith.constant 0 : i32
    %dma_wait3A_363 = tpu.memref_slice %arg6[%dma_wait3A_340, %dma_wait3A_361, %dma_wait3A_362] : memref<10x64x128xf32, #tpu.memory_space<vmem>> -> memref<1x64x128xf32, #tpu.memory_space<vmem>>
    %dma_wait3A_364 = tpu.memref_squeeze %dma_wait3A_363 : memref<1x64x128xf32, #tpu.memory_space<vmem>> -> memref<64x128xf32, #tpu.memory_space<vmem>>
    tpu.wait_dma2 semaphore(%dma_wait3A_354 : memref<!tpu.dma_semaphore, #tpu.memory_space<semaphore_mem>>) src(%dma_wait3A_364 : memref<64x128xf32, #tpu.memory_space<vmem>>) dst(%dma_wait3A_360 : memref<64x128xf32, #tpu.memory_space<hbm>>)
    %add3A_365 = arith.constant 64 : i32
    %add3A_366 = arith.addi %mul3A_2, %add3A_365 : i32
    %dma_wait3A_367 = arith.constant 7 : i32
    %dma_wait3A_368 = arith.constant 48 : i32
    %dma_wait3A_369 = arith.constant 7 : i32
    %dma_wait3A_370 = arith.constant 0 : i32
    %dma_wait3A_371 = arith.constant 0 : i32
    %dma_wait3A_372 = tpu.memref_slice %arg6[%dma_wait3A_367, %dma_wait3A_370, %dma_wait3A_371] : memref<10x64x128xf32, #tpu.memory_space<vmem>> -> memref<1x64x128xf32, #tpu.memory_space<vmem>>
    %dma_wait3A_373 = tpu.memref_squeeze %dma_wait3A_372 : memref<1x64x128xf32, #tpu.memory_space<vmem>> -> memref<64x128xf32, #tpu.memory_space<vmem>>
    %dma_wait3A_374 = arith.constant 0 : i32
    %dma_wait3A_375 = arith.constant 0 : i32
    %dma_wait3A_376 = tpu.memref_slice %arg4[%dma_wait3A_368, %dma_wait3A_374, %dma_wait3A_375] : memref<50x4096x128xf32, #tpu.memory_space<hbm>> -> memref<1x4096x128xf32, #tpu.memory_space<hbm>>
    %dma_wait3A_377 = tpu.memref_squeeze %dma_wait3A_376 : memref<1x4096x128xf32, #tpu.memory_space<hbm>> -> memref<4096x128xf32, #tpu.memory_space<hbm>>
    %dma_wait3A_378 = arith.constant 0 : i32
    %dma_wait3A_379 = tpu.memref_slice %dma_wait3A_377[%add3A_366, %dma_wait3A_378] : memref<4096x128xf32, #tpu.memory_space<hbm>> -> memref<64x128xf32, #tpu.memory_space<hbm>>
    %dma_wait3A_380 = tpu.memref_slice %arg8[%dma_wait3A_369] : memref<10x!tpu.dma_semaphore, #tpu.memory_space<semaphore_mem>> -> memref<1x!tpu.dma_semaphore, #tpu.memory_space<semaphore_mem>>
    %dma_wait3A_381 = tpu.memref_squeeze %dma_wait3A_380 : memref<1x!tpu.dma_semaphore, #tpu.memory_space<semaphore_mem>> -> memref<!tpu.dma_semaphore, #tpu.memory_space<semaphore_mem>>
    %dma_wait3A_382 = arith.constant 0 : i32
    %dma_wait3A_383 = arith.constant 0 : i32
    %dma_wait3A_384 = tpu.memref_slice %arg4[%dma_wait3A_368, %dma_wait3A_382, %dma_wait3A_383] : memref<50x4096x128xf32, #tpu.memory_space<hbm>> -> memref<1x4096x128xf32, #tpu.memory_space<hbm>>
    %dma_wait3A_385 = tpu.memref_squeeze %dma_wait3A_384 : memref<1x4096x128xf32, #tpu.memory_space<hbm>> -> memref<4096x128xf32, #tpu.memory_space<hbm>>
    %dma_wait3A_386 = arith.constant 0 : i32
    %dma_wait3A_387 = tpu.memref_slice %dma_wait3A_385[%add3A_366, %dma_wait3A_386] : memref<4096x128xf32, #tpu.memory_space<hbm>> -> memref<64x128xf32, #tpu.memory_space<hbm>>
    %dma_wait3A_388 = arith.constant 0 : i32
    %dma_wait3A_389 = arith.constant 0 : i32
    %dma_wait3A_390 = tpu.memref_slice %arg6[%dma_wait3A_367, %dma_wait3A_388, %dma_wait3A_389] : memref<10x64x128xf32, #tpu.memory_space<vmem>> -> memref<1x64x128xf32, #tpu.memory_space<vmem>>
    %dma_wait3A_391 = tpu.memref_squeeze %dma_wait3A_390 : memref<1x64x128xf32, #tpu.memory_space<vmem>> -> memref<64x128xf32, #tpu.memory_space<vmem>>
    tpu.wait_dma2 semaphore(%dma_wait3A_381 : memref<!tpu.dma_semaphore, #tpu.memory_space<semaphore_mem>>) src(%dma_wait3A_391 : memref<64x128xf32, #tpu.memory_space<vmem>>) dst(%dma_wait3A_387 : memref<64x128xf32, #tpu.memory_space<hbm>>)
    %add3A_392 = arith.constant 0 : i32
    %add3A_393 = arith.addi %mul3A_2, %add3A_392 : i32
    %dma_wait3A_394 = arith.constant 8 : i32
    %dma_wait3A_395 = arith.constant 49 : i32
    %dma_wait3A_396 = arith.constant 8 : i32
    %dma_wait3A_397 = arith.constant 0 : i32
    %dma_wait3A_398 = arith.constant 0 : i32
    %dma_wait3A_399 = tpu.memref_slice %arg6[%dma_wait3A_394, %dma_wait3A_397, %dma_wait3A_398] : memref<10x64x128xf32, #tpu.memory_space<vmem>> -> memref<1x64x128xf32, #tpu.memory_space<vmem>>
    %dma_wait3A_400 = tpu.memref_squeeze %dma_wait3A_399 : memref<1x64x128xf32, #tpu.memory_space<vmem>> -> memref<64x128xf32, #tpu.memory_space<vmem>>
    %dma_wait3A_401 = arith.constant 0 : i32
    %dma_wait3A_402 = arith.constant 0 : i32
    %dma_wait3A_403 = tpu.memref_slice %arg4[%dma_wait3A_395, %dma_wait3A_401, %dma_wait3A_402] : memref<50x4096x128xf32, #tpu.memory_space<hbm>> -> memref<1x4096x128xf32, #tpu.memory_space<hbm>>
    %dma_wait3A_404 = tpu.memref_squeeze %dma_wait3A_403 : memref<1x4096x128xf32, #tpu.memory_space<hbm>> -> memref<4096x128xf32, #tpu.memory_space<hbm>>
    %dma_wait3A_405 = arith.constant 0 : i32
    %dma_wait3A_406 = tpu.memref_slice %dma_wait3A_404[%add3A_393, %dma_wait3A_405] : memref<4096x128xf32, #tpu.memory_space<hbm>> -> memref<64x128xf32, #tpu.memory_space<hbm>>
    %dma_wait3A_407 = tpu.memref_slice %arg8[%dma_wait3A_396] : memref<10x!tpu.dma_semaphore, #tpu.memory_space<semaphore_mem>> -> memref<1x!tpu.dma_semaphore, #tpu.memory_space<semaphore_mem>>
    %dma_wait3A_408 = tpu.memref_squeeze %dma_wait3A_407 : memref<1x!tpu.dma_semaphore, #tpu.memory_space<semaphore_mem>> -> memref<!tpu.dma_semaphore, #tpu.memory_space<semaphore_mem>>
    %dma_wait3A_409 = arith.constant 0 : i32
    %dma_wait3A_410 = arith.constant 0 : i32
    %dma_wait3A_411 = tpu.memref_slice %arg4[%dma_wait3A_395, %dma_wait3A_409, %dma_wait3A_410] : memref<50x4096x128xf32, #tpu.memory_space<hbm>> -> memref<1x4096x128xf32, #tpu.memory_space<hbm>>
    %dma_wait3A_412 = tpu.memref_squeeze %dma_wait3A_411 : memref<1x4096x128xf32, #tpu.memory_space<hbm>> -> memref<4096x128xf32, #tpu.memory_space<hbm>>
    %dma_wait3A_413 = arith.constant 0 : i32
    %dma_wait3A_414 = tpu.memref_slice %dma_wait3A_412[%add3A_393, %dma_wait3A_413] : memref<4096x128xf32, #tpu.memory_space<hbm>> -> memref<64x128xf32, #tpu.memory_space<hbm>>
    %dma_wait3A_415 = arith.constant 0 : i32
    %dma_wait3A_416 = arith.constant 0 : i32
    %dma_wait3A_417 = tpu.memref_slice %arg6[%dma_wait3A_394, %dma_wait3A_415, %dma_wait3A_416] : memref<10x64x128xf32, #tpu.memory_space<vmem>> -> memref<1x64x128xf32, #tpu.memory_space<vmem>>
    %dma_wait3A_418 = tpu.memref_squeeze %dma_wait3A_417 : memref<1x64x128xf32, #tpu.memory_space<vmem>> -> memref<64x128xf32, #tpu.memory_space<vmem>>
    tpu.wait_dma2 semaphore(%dma_wait3A_408 : memref<!tpu.dma_semaphore, #tpu.memory_space<semaphore_mem>>) src(%dma_wait3A_418 : memref<64x128xf32, #tpu.memory_space<vmem>>) dst(%dma_wait3A_414 : memref<64x128xf32, #tpu.memory_space<hbm>>)
    %add3A_419 = arith.constant 64 : i32
    %add3A_420 = arith.addi %mul3A_2, %add3A_419 : i32
    %dma_wait3A_421 = arith.constant 9 : i32
    %dma_wait3A_422 = arith.constant 49 : i32
    %dma_wait3A_423 = arith.constant 9 : i32
    %dma_wait3A_424 = arith.constant 0 : i32
    %dma_wait3A_425 = arith.constant 0 : i32
    %dma_wait3A_426 = tpu.memref_slice %arg6[%dma_wait3A_421, %dma_wait3A_424, %dma_wait3A_425] : memref<10x64x128xf32, #tpu.memory_space<vmem>> -> memref<1x64x128xf32, #tpu.memory_space<vmem>>
    %dma_wait3A_427 = tpu.memref_squeeze %dma_wait3A_426 : memref<1x64x128xf32, #tpu.memory_space<vmem>> -> memref<64x128xf32, #tpu.memory_space<vmem>>
    %dma_wait3A_428 = arith.constant 0 : i32
    %dma_wait3A_429 = arith.constant 0 : i32
    %dma_wait3A_430 = tpu.memref_slice %arg4[%dma_wait3A_422, %dma_wait3A_428, %dma_wait3A_429] : memref<50x4096x128xf32, #tpu.memory_space<hbm>> -> memref<1x4096x128xf32, #tpu.memory_space<hbm>>
    %dma_wait3A_431 = tpu.memref_squeeze %dma_wait3A_430 : memref<1x4096x128xf32, #tpu.memory_space<hbm>> -> memref<4096x128xf32, #tpu.memory_space<hbm>>
    %dma_wait3A_432 = arith.constant 0 : i32
    %dma_wait3A_433 = tpu.memref_slice %dma_wait3A_431[%add3A_420, %dma_wait3A_432] : memref<4096x128xf32, #tpu.memory_space<hbm>> -> memref<64x128xf32, #tpu.memory_space<hbm>>
    %dma_wait3A_434 = tpu.memref_slice %arg8[%dma_wait3A_423] : memref<10x!tpu.dma_semaphore, #tpu.memory_space<semaphore_mem>> -> memref<1x!tpu.dma_semaphore, #tpu.memory_space<semaphore_mem>>
    %dma_wait3A_435 = tpu.memref_squeeze %dma_wait3A_434 : memref<1x!tpu.dma_semaphore, #tpu.memory_space<semaphore_mem>> -> memref<!tpu.dma_semaphore, #tpu.memory_space<semaphore_mem>>
    %dma_wait3A_436 = arith.constant 0 : i32
    %dma_wait3A_437 = arith.constant 0 : i32
    %dma_wait3A_438 = tpu.memref_slice %arg4[%dma_wait3A_422, %dma_wait3A_436, %dma_wait3A_437] : memref<50x4096x128xf32, #tpu.memory_space<hbm>> -> memref<1x4096x128xf32, #tpu.memory_space<hbm>>
    %dma_wait3A_439 = tpu.memref_squeeze %dma_wait3A_438 : memref<1x4096x128xf32, #tpu.memory_space<hbm>> -> memref<4096x128xf32, #tpu.memory_space<hbm>>
    %dma_wait3A_440 = arith.constant 0 : i32
    %dma_wait3A_441 = tpu.memref_slice %dma_wait3A_439[%add3A_420, %dma_wait3A_440] : memref<4096x128xf32, #tpu.memory_space<hbm>> -> memref<64x128xf32, #tpu.memory_space<hbm>>
    %dma_wait3A_442 = arith.constant 0 : i32
    %dma_wait3A_443 = arith.constant 0 : i32
    %dma_wait3A_444 = tpu.memref_slice %arg6[%dma_wait3A_421, %dma_wait3A_442, %dma_wait3A_443] : memref<10x64x128xf32, #tpu.memory_space<vmem>> -> memref<1x64x128xf32, #tpu.memory_space<vmem>>
    %dma_wait3A_445 = tpu.memref_squeeze %dma_wait3A_444 : memref<1x64x128xf32, #tpu.memory_space<vmem>> -> memref<64x128xf32, #tpu.memory_space<vmem>>
    tpu.wait_dma2 semaphore(%dma_wait3A_435 : memref<!tpu.dma_semaphore, #tpu.memory_space<semaphore_mem>>) src(%dma_wait3A_445 : memref<64x128xf32, #tpu.memory_space<vmem>>) dst(%dma_wait3A_441 : memref<64x128xf32, #tpu.memory_space<hbm>>)
    return
  }
}

</mosaic_0001>

<sc_bundles>
// kernel: kernel.3.cloned.1.call-start
scs
__scs_entry_jumppad:
0x0: {  	(pc) =	sbr.rel $0x88, $3  }
0x1: {  	(tag) =	ssettag $0x0;
	lr =	simm.s32 $0x1  }
0x2: {  	[smem:$0x3F9F] =	sst lr;
	_ =	strace $0xD0000000  }
0x3: {  	_ = 	snop  }
0x4: {  	_ = 	snop  }
0x5: {  	_ = 	snop  }
0x6: {  	_ = 	snop  }
0x7: {  	_ = 	snop  }
__scs_overlays_trampoline_lowered:
0x8: {  	[smem:$0x3FAE] =	sst s0  }
0x9: {  	[smem:$0x3FAF] =	sst s1  }
0xa: {  	[smem:$0x3FB0] =	sst s2  }
0xb: {  	[smem:$0x3FB1] =	sst s3  }
0xc: {  	[smem:$0x3FB2] =	sst s4  }
0xd: {  	[smem:$0x3FB3] =	sst s5  }
0xe: {  	[smem:$0x3FB4] =	sst s6  }
0xf: {  	[smem:$0x3FB5] =	sst s7  }
0x10: {  	[smem:$0x3FB6] =	sst s8  }
0x11: {  	[smem:$0x3FB7] =	sst s9;
	s0 =	simm.s32 @!p0 $0x0  }
0x12: {  	s1 =	sld [smem:$0x3F9D];
	s0 =	simm.s32 @p0 $0x1  }
0x13: {  	[smem:$0x3FB8] =	sst s0;
	s0 =	simm.s32 @!p1 $0x0  }
0x14: {  	s2 =	sld [smem:$0x3F9C];
	s0 =	simm.s32 @p1 $0x1  }
0x15: {  	[smem:$0x3FB9] =	sst s0;
	s0 =	simm.s32 @!p2 $0x0  }
0x16: {  	s3 =	sld [smem:$0x3FDB];
	s0 =	simm.s32 @p2 $0x1  }
0x17: {  	s4 =	simm.s32 $0x1BF5;
	[smem:$0x3FBB] =	sst s0  }
0x18: {  	s0 =	sld [smem:$0x3F9E];
	_ =	swait.ge [sflag:s4], $0x0  }
0x19: {  	s7 =	sld [smem:$0x3F9F]  }
0x1a: {  	s8 =	sadd.s32 $0xFFFFE003, lr  }
0x1b: {  	s9 =	sadd.s32 $0xFFFFFEF7, lr;
	s5 =	simm.s32 $0xFFFFFFFF;
	p2 =	slt.u32 s8, $0xFFFFF086  }
0x1c: {  	p1 =	slt.u32 s9, $0xF7A;
	s5 =	simm.s32 @!p2 $0x0  }
0x1d: {  	s5 =	simm.s32 @p1 $0x1;
	p0 =	seq.s32 s7, s2  }
0x1e: {  	s7 =	smul.u32 @!p0 $0xF7A, s2;
	p2 =	seq.s32 @!p0 s5, $0x0  }
0x1f: {  	s9 =	smul.u32 $0xF7A, s1;
	s8 =	simm.s32 @!p0 $0x1BF5;
	p2 =	por !p2, p0  }
0x20: {  	[sflag:s8] =	ssyncset.s32 @!p0 $0xFFFFF086;
	s6 =	sadd.s32 @!p0 s3, s7;
	s7 =	simm.s32 @!p0 $0x108  }
0x21: {  	s3 =	sadd.s32 s3, s9;
	s6 =	sadd.s32 @!p0 $0x88, s6;
	s7 =	simm.s32 @p2 $0x1082  }
0x22: {  	[simem:s7], [sflag:s8] =	dma.local @!p0 [hbm:s6], $0xF7A  }
0x23: {  	s9 =	sor.u32 $0xD0000000, s2;
	s6 =	simm.s32 $0x108;
	_ =	swait.ge @!p0 [sflag:s8], $0x0  }
0x24: {  	s3 =	sadd.s32 $0x88, s3;
	s6 =	simm.s32 @!p1 $0x1082;
	[sflag:s4] =	ssyncset.s32 $0xFFFFF086  }
0x25: {  	[simem:s6], [sflag:s4] =	dma.local [hbm:s3], $0xF7A  }
0x26: {  	[smem:$0x3F9F] =	sst s1;
	(tag) =	ssettag s2;
	_ =	strace s9  }
0x27: {  	s1 =	sld [smem:$0x3FAF]  }
0x28: {  	s2 =	sld [smem:$0x3FB0]  }
0x29: {  	s4 =	sld [smem:$0x3FB2]  }
0x2a: {  	p0 =	seq.s32 s5, $0x0;
	s5 =	sld [smem:$0x3FB3]  }
0x2b: {  	s6 =	sld [smem:$0x3FB4]  }
0x2c: {  	s7 =	sld [smem:$0x3FB5]  }
0x2d: {  	s3 =	simm.s32 $0x108;
	s8 =	sld [smem:$0x3FB6]  }
0x2e: {  	s3 =	simm.s32 @!p0 $0x1082;
	s9 =	sld [smem:$0x3FB7]  }
0x2f: {  	lr =	sadd.s32 s0, s3;
	s0 =	sld [smem:$0x3FAE]  }
0x30: {  	s3 =	sld [smem:$0x3FB1]  }
0x31: {  	[smem:$0x3FBA] =	sst s10  }
0x32: {  	s10 =	sld [smem:$0x3FB8];
	_ =	sdelay $0x3  }
0x33: {  	p0 =	seq.s32 s10, $0x1;
	s10 =	sld [smem:$0x3FBA];
	_ =	sdelay $0x3  }
0x34: {  	[smem:$0x3FBA] =	sst s10  }
0x35: {  	s10 =	sld [smem:$0x3FB9];
	_ =	sdelay $0x3  }
0x36: {  	p1 =	seq.s32 s10, $0x1;
	s10 =	sld [smem:$0x3FBA];
	_ =	sdelay $0x3  }
0x37: {  	[smem:$0x3FBA] =	sst s10  }
0x38: {  	s10 =	sld [smem:$0x3FBB]  }
0x39: {  	_ = 	snop;
	(pc) =	sbr.ind lr, $3  }
0x3a: {  	_ = 	snop  }
0x3b: {  	_ = 	snop  }
0x3c: {  	p2 =	seq.s32 s10, $0x1;
	s10 =	sld [smem:$0x3FBA]  }
0x3d: {  	_ =	shalt  }
0x3e: {  	_ =	shalt  }
0x3f: {  	_ =	shalt  }
0x40: {  	_ =	shalt  }
0x41: {  	_ =	shalt  }
0x42: {  	_ =	shalt  }
0x43: {  	_ =	shalt  }
0x44: {  	_ =	shalt  }
0x45: {  	_ =	shalt  }
0x46: {  	_ =	shalt  }
0x47: {  	_ =	shalt  }
0x48: {  	_ =	shalt  }
0x49: {  	_ =	shalt  }
0x4a: {  	_ =	shalt  }
0x4b: {  	_ =	shalt  }
0x4c: {  	_ =	shalt  }
0x4d: {  	_ =	shalt  }
0x4e: {  	_ =	shalt  }
0x4f: {  	_ =	shalt  }
0x50: {  	_ =	shalt  }
0x51: {  	_ =	shalt  }
0x52: {  	_ =	shalt  }
0x53: {  	_ =	shalt  }
0x54: {  	_ =	shalt  }
0x55: {  	_ =	shalt  }
0x56: {  	_ =	shalt  }
0x57: {  	_ =	shalt  }
0x58: {  	_ =	shalt  }
0x59: {  	_ =	shalt  }
0x5a: {  	_ =	shalt  }
0x5b: {  	_ =	shalt  }
0x5c: {  	_ =	shalt  }
0x5d: {  	_ =	shalt  }
0x5e: {  	_ =	shalt  }
0x5f: {  	_ =	shalt  }
0x60: {  	_ =	shalt  }
0x61: {  	_ =	shalt  }
0x62: {  	_ =	shalt  }
0x63: {  	_ =	shalt  }
0x64: {  	_ =	shalt  }
0x65: {  	_ =	shalt  }
0x66: {  	_ =	shalt  }
0x67: {  	_ =	shalt  }
0x68: {  	_ =	shalt  }
0x69: {  	_ =	shalt  }
0x6a: {  	_ =	shalt  }
0x6b: {  	_ =	shalt  }
0x6c: {  	_ =	shalt  }
0x6d: {  	_ =	shalt  }
0x6e: {  	_ =	shalt  }
0x6f: {  	_ =	shalt  }
0x70: {  	_ =	shalt  }
0x71: {  	_ =	shalt  }
0x72: {  	_ =	shalt  }
0x73: {  	_ =	shalt  }
0x74: {  	_ =	shalt  }
0x75: {  	_ =	shalt  }
0x76: {  	_ =	shalt  }
0x77: {  	_ =	shalt  }
0x78: {  	_ =	shalt  }
0x79: {  	_ =	shalt  }
0x7a: {  	_ =	shalt  }
0x7b: {  	_ =	shalt  }
0x7c: {  	_ =	shalt  }
0x7d: {  	_ =	shalt  }
0x7e: {  	_ =	shalt  }
0x7f: {  	_ =	shalt  }
0x80: {  	_ =	shalt  }
0x81: {  	_ =	shalt  }
0x82: {  	_ =	shalt  }
0x83: {  	_ =	shalt  }
0x84: {  	_ =	shalt  }
0x85: {  	_ =	shalt  }
0x86: {  	_ =	shalt  }
0x87: {  	_ =	shalt  }
.Lfunc_end0:
.L_simem_size_0:
called_computation_lowered:
.L_overlay_start_0:
0x88: {  	s2 =	sld [smem:$0x3FD9]  }
0x89: {  	s3 =	sld [smem:$0x3FFE];
	_ =	sdelay $0x1  }
0x8a: {  	s1 =	srdreg.scid  }
0x8b: {  	s0 =	sand.u32 $0x1, s1  }
0x8c: {  	s18 =	sshll.u32 s0, $0xA;
	s2 =	sadd.s32 s3, s2  }
0x8d: {  	s2 =	sadd.s32 s2, s18  }
0x8e: {  	[smem:$0x3FC6] =	sst s2  }
0x8f: {  	_ = 	snop  }
0x90: {  	s2 =	sld [smem:$0x3FC9]  }
0x91: {  	s19 =	sld [smem:$0x3FC8]  }
0x92: {  	s4 =	sld [smem:$0x3FD0];
	(tm) =	ssettm $0x1  }
0x93: {  	s5 =	sld [smem:$0x3FFB];
	_ =	sdelay $0x3  }
0x94: {  	_ =	strace s5  }
0x95: {  	s5 =	sld [smem:$0x3FFC];
	_ =	sdelay $0x3  }
0x96: {  	_ =	strace s5  }
0x97: {  	s5 =	sld [smem:$0x3FFD];
	_ =	sdelay $0x3  }
0x98: {  	_ =	strace s5  }
0x99: {  	_ =	strace $0x8FFFFFFF  }
0x9a: {  	s20 =	sld [smem:$0x3FDB];
	_ =	sdelay $0x1  }
0x9b: {  	s6 =	simm.s32 $_scs_section_size  }
0x9c: {  	s7 =	simm.s32 $_size__tile_overlayer_lowered;
	s8 =	simm.s32 $_tile_overlayer_lowered  }
0x9d: {  	s23 =	simm.s32 $0x1BFF;
	s22 =	sshll.u32 s8, $0x1;
	s5 =	sadd.s32 s6, s20  }
0x9e: {  	s9 =	simm.s32 $0x0;
	s21 =	sshll.u32 s7, $0x1;
	s7 =	sadd.s32 s22, s5  }
0x9f: {  	[timem:s9], [sflag:s23] =	dma.local [hbm:s7], s21  }
0xa0: {  	_ =	swait.ge [sflag:s23], s21  }
0xa1: {  	s6 =	ssub.s32 $0x0, s21;
	[sflag:s23] =	ssyncset.done $0x0  }
0xa2: {  	[sflag:s23] =	ssyncadd.s32 s6;
	_ =	sdelay $0x1  }
0xa3: {  	s24 =	simm.s32 $0x1B8B  }
0xa4: {  	_ =	swait.ge [sflag:s24], $0x1  }
0xa5: {  	[sflag:s24] =	ssyncset.done $0x0  }
0xa6: {  	s25 =	simm.s32 $0x1B8E;
	[sflag:s24] =	ssyncadd.s32 $0xFFFFFFFF  }
0xa7: {  	s26 =	simm.s32 $execute0_lowered;
	[smem:$0x3FD2] =	sst s25  }
0xa8: {  	s6 =	sshll.u32 s26, $0x1;
	_ =	strace $0x80000046;
	[dreg:$0x1] =	wrdreg $0xFFFFFFFF  }
0xa9: {  	s28 =	simm.s32 $_size_execute0_lowered;
	s5 =	sadd.s32 s5, s6;
	[dreg:$0x0] =	wrdreg $0x0  }
0xaa: {  	s6 =	sshll.u32 s28, $0x1;
	[dreg:$0x2] =	wrdreg s5  }
0xab: {  	[dreg:$0x3] =	wrdreg s6  }
0xac: {  	[dreg:$0x4] =	wrdreg $0xC0  }
0xad: {  	_ =	task [dreg:s9], $0x5FFFF  }
0xae: {  	[dreg:$0x1] =	wrdreg $0xFFFFFFFF  }
0xaf: {  	[dreg:$0x0] =	wrdreg $0x60  }
0xb0: {  	[dreg:$0x2] =	wrdreg s19  }
0xb1: {  	[dreg:$0x3] =	wrdreg s2  }
0xb2: {  	[dreg:$0x4] =	wrdreg s4  }
0xb3: {  	[dreg:$0x5] =	wrdreg $0x9  }
0xb4: {  	_ =	task.clear_ibuf [dreg:s9], $0x6FFFF;
	_ =	strace $0x90000046  }
0xb5: {  	s29 =	simm.s32 $0x9;
	_ =	strace $0x80000048  }
0xb6: {  	_ =	swait.ge [sflag:s29], $0x1  }
0xb7: {  	[sflag:s29] =	ssyncadd.s32 $0xFFFFFFFF  }
0xb8: {  	_ =	strace $0x90000048  }
0xb9: {  	_ =	sfence  }
0xba: {  	s30 =	sld [smem:$0x0];
	_ =	sdelay $0x2  }
0xbb: {  	s31 =	sshll.u32 s1, $0xD;
	s1 =	sshrl.u32 s1, $0x2  }
0xbc: {  	s3 =	sand.u32 $0x4000, s31;
	s1 =	sadd.s32 s1, s30  }
0xbd: {  	s0 =	sor.u32 s3, s0;
	s1 =	sshll.u32 s1, $0x11  }
0xbe: {  	s0 =	sor.u32 s1, s0  }
0xbf: {  	s0 =	sadd.s32 $0x8F2B, s0  }
0xc0: {  	[sflag:s0] =	ssyncadd.remote.s32 $0x1  }
0xc1: {  	_ =	sfence.sel $0xFFFF  }
0xc2: {  	[dreg:$0x0] =	wrdreg $0xFFFFFFFF;
	(pc) =	sbr.abs _section_cstart, $3  }
0xc3: {  	[dreg:$0x1] =	wrdreg $0xFFFFFFFF  }
0xc4: {  	_ =	task.clear_ibuf [dreg:s9], $0x2FFFF;
	_ =	strace $0x9FFFFFFF  }
0xc5: {  	(tm) =	ssettm $0x7FFFFFFF  }
tec
execute0_lowered:
.L_overlay_start_1:
0x0: {  	(tag) =	ssettag $0x1  }
0x1: {  	s1 =	rddreg [dreg:$0x0]  }
0x2: {  	s0 =	rddreg [dreg:$0x1]  }
0x3: {  	s2 =	rddreg [dreg:$0x2];
	s4 =	srdreg.scid  }
0x4: {  	s3 =	simm.s32 $0x0;
	s5 =	stileid.u32;
	s14 =	simm.s32 $0x40  }
0x5: {  	s18 =	simm.s32 $0x5C00;
	s20 =	simm.s32 $0x7C00;
	s22 =	simm.s32 $0x9C00  }
0x6: {  	s24 =	simm.s32 $0xBC00;
	s29 =	simm.s32 $0xFC00;
	s31 =	simm.s32 $0x11C00  }
0x7: {  	s10 =	simm.s32 $0x1;
	s11 =	simm.s32 $0x3;
	s12 =	simm.s32 $0x4  }
0x8: {  	s16 =	simm.s32 $0x5;
	s17 =	simm.s32 $0x6;
	s19 =	simm.s32 $0x7  }
0x9: {  	s21 =	simm.s32 $0x8;
	s23 =	simm.s32 $0x9;
	s30 =	simm.s32 $0x14  }
0xa: {  	s4 =	sand.u32 $0x1, s4;
	[smem:$0x7FF] =	sst s3;
	s5 =	sshll.u32 s5, $0x8  }
0xb: {  	s2 =	sadd.s32 $0x40000, s2;
	s6 =	sshll.u32 s4, $0x7;
	_ =	strace $0x80000047  }
0xc: {  	s4 =	ssub.s32 $0x2, s4;
	[dreg:$0x6] =	wrdreg s2;
	s2 =	simm.s32 $0x13C00  }
.Ltmp0:
0xd: {  	s5 =	sor.u32 s6, s5;
	s25 =	sshrl.u32 s4, $0x1;
	(pc) =	sbr.rel .LBB2_1-.Ltmp0, $4  }
0xe: {  	s7 =	sadd.s32 s0, s5;
	s5 =	sshll.u32 s5, $0x4;
	s26 =	ssub.s32 s4, s25  }
0xf: {  	s25 =	simm.s32 $0xA;
	[dreg:$0x4] =	wrdreg s7;
	s28 =	sadd.s32 $0x6000, s7  }
0x10: {  	s4 =	simm.s32 $0x0;
	s0 =	smax.u32 s26, $0x1;
	[dreg:$0x5] =	wrdreg s28  }
0x11: {  	s7 =	sor.u32 $0x400, s5;
	s26 =	simm.s32 $0xDC00;
	[dreg:$0x7] =	wrdreg s0  }
.LBB2_4:
0x12: {  	s0 =	simm.s32 $0xB  }
0x13: {  	_ =	swait.ge [sflag:s0], $0x2000  }
0x14: {  	[sflag:s0] =	ssyncset.done $0x0  }
0x15: {  	s15 =	simm.s32 $0xC;
	[sflag:s0] =	ssyncadd.s32 $0xFFFFE000  }
0x16: {  	_ =	swait.ge [sflag:s15], $0x2000  }
0x17: {  	[sflag:s15] =	ssyncset.done $0x0  }
0x18: {  	s28 =	simm.s32 $0xD;
	[sflag:s15] =	ssyncadd.s32 $0xFFFFE000  }
0x19: {  	_ =	swait.ge [sflag:s28], $0x2000  }
0x1a: {  	[sflag:s28] =	ssyncset.done $0x0  }
0x1b: {  	s4 =	simm.s32 $0xE;
	[sflag:s28] =	ssyncadd.s32 $0xFFFFE000  }
0x1c: {  	_ =	swait.ge [sflag:s4], $0x2000  }
0x1d: {  	[sflag:s4] =	ssyncset.done $0x0  }
0x1e: {  	s6 =	simm.s32 $0xF;
	[sflag:s4] =	ssyncadd.s32 $0xFFFFE000  }
0x1f: {  	_ =	swait.ge [sflag:s6], $0x2000  }
0x20: {  	[sflag:s6] =	ssyncset.done $0x0  }
0x21: {  	s8 =	simm.s32 $0x10;
	[sflag:s6] =	ssyncadd.s32 $0xFFFFE000  }
0x22: {  	_ =	swait.ge [sflag:s8], $0x2000  }
0x23: {  	[sflag:s8] =	ssyncset.done $0x0  }
0x24: {  	s9 =	simm.s32 $0x11;
	[sflag:s8] =	ssyncadd.s32 $0xFFFFE000  }
0x25: {  	_ =	swait.ge [sflag:s9], $0x2000  }
0x26: {  	[sflag:s9] =	ssyncset.done $0x0  }
0x27: {  	s13 =	simm.s32 $0x12;
	[sflag:s9] =	ssyncadd.s32 $0xFFFFE000  }
0x28: {  	_ =	swait.ge [sflag:s13], $0x2000  }
0x29: {  	[sflag:s13] =	ssyncset.done $0x0  }
0x2a: {  	s15 =	simm.s32 $0x13;
	[sflag:s13] =	ssyncadd.s32 $0xFFFFE000  }
0x2b: {  	_ =	swait.ge [sflag:s15], $0x2000  }
0x2c: {  	[sflag:s15] =	ssyncset.done $0x0  }
0x2d: {  	[sflag:s15] =	ssyncadd.s32 $0xFFFFE000  }
0x2e: {  	_ =	swait.ge [sflag:s30], $0x2000  }
0x2f: {  	s4 =	rddreg [dreg:$0x8]  }
0x30: {  	s28 =	rddreg [dreg:$0x7];
	s4 =	sadd.s32 $0x1, s4  }
0x31: {  	p0 =	sne.s32 s4, s28  }
.Ltmp1:
0x32: {  	_ = 	snop;
	(pc) =	sbr.rel @!p0 .LBB2_5-.Ltmp1, $3  }
0x33: {  	_ =	sdelay $0x1  }
0x34: {  	[sflag:s30] =	ssyncset.done $0x0  }
0x35: {  	[sflag:s30] =	ssyncadd.s32 $0xFFFFE000  }
.LBB2_1:
0x36: {  	[dreg:$0x8] =	wrdreg s4  }
0x37: {  	s0 =	rddreg [dreg:$0x4];
	s28 =	simm.s32 $0x400;
	s6 =	simm.s32 $0x8000  }
0x38: {  	[tilespmem:s3], [sflag:$0x15] =	stream.strided.gather [hbm4b:s0+s28], $0x1800, s6, s28, $0x38;
	[tilespmem:$0x15C00] =	vst v63  }
0x39: {  	s8 =	simm.s32 $0x1800;
	s9 =	simm.s32 $0x15;
	s6 =	rddreg [dreg:$0x5]  }
0x3a: {  	[tilespmem:s8], [sflag:$0x15] =	stream.linear.gather [hbm4b:s6+s3], $0x100, $0x38;
	[tilespmem:$0x15C00] =	vst v63  }
0x3b: {  	_ =	swait.ge [sflag:s9], $0x1900  }
0x3c: {  	[sflag:s9] =	ssyncset.done $0x0  }
0x3d: {  	s13 =	simm.s32 $0x1C00;
	[sflag:s9] =	ssyncadd.s32 $0xFFFFE700  }
0x3e: {  	[tilespmem:s13], [sflag:$0x1] =	stream.indirect.gather [hbm4b:s1+s14], $0x80, s3, s14, $0xb8;
	[tilespmem:$0x15C00] =	vst v63  }
0x3f: {  	s15 =	simm.s32 $0x3C00  }
0x40: {  	[tilespmem:s15], [sflag:$0x2] =	stream.indirect.gather [hbm4b:s1+s14], $0x80, s14, s14, $0xb8;
	[tilespmem:$0x15C00] =	vst v63  }
0x41: {  	s28 =	simm.s32 $0x80  }
0x42: {  	[tilespmem:s18], [sflag:$0x3] =	stream.indirect.gather [hbm4b:s1+s14], $0x80, s28, s14, $0xb8;
	[tilespmem:$0x15C00] =	vst v63  }
0x43: {  	s4 =	simm.s32 $0xC0  }
0x44: {  	[tilespmem:s20], [sflag:$0x4] =	stream.indirect.gather [hbm4b:s1+s14], $0x80, s4, s14, $0xb8;
	[tilespmem:$0x15C00] =	vst v63  }
0x45: {  	s6 =	simm.s32 $0x100  }
0x46: {  	[tilespmem:s22], [sflag:$0x5] =	stream.indirect.gather [hbm4b:s1+s14], $0x80, s6, s14, $0xb8;
	[tilespmem:$0x15C00] =	vst v63  }
0x47: {  	s8 =	simm.s32 $0x140  }
0x48: {  	[tilespmem:s24], [sflag:$0x6] =	stream.indirect.gather [hbm4b:s1+s14], $0x80, s8, s14, $0xb8;
	[tilespmem:$0x15C00] =	vst v63  }
0x49: {  	s9 =	simm.s32 $0x180  }
0x4a: {  	[tilespmem:s26], [sflag:$0x7] =	stream.indirect.gather [hbm4b:s1+s14], $0x80, s9, s14, $0xb8;
	[tilespmem:$0x15C00] =	vst v63  }
0x4b: {  	s13 =	simm.s32 $0x1C0  }
0x4c: {  	[tilespmem:s29], [sflag:$0x8] =	stream.indirect.gather [hbm4b:s1+s14], $0x80, s13, s14, $0xb8;
	[tilespmem:$0x15C00] =	vst v63  }
0x4d: {  	s15 =	simm.s32 $0x200  }
0x4e: {  	[tilespmem:s31], [sflag:$0x9] =	stream.indirect.gather [hbm4b:s1+s14], $0x80, s15, s14, $0xb8;
	[tilespmem:$0x15C00] =	vst v63  }
0x4f: {  	s28 =	simm.s32 $0x240;
	s6 =	rddreg [dreg:$0x6];
	s9 =	simm.s32 $0x0  }
0x50: {  	[tilespmem:s2], [sflag:$0xA] =	stream.indirect.gather [hbm4b:s1+s14], $0x80, s28, s14, $0xb8;
	[tilespmem:$0x15C00] =	vst v63  }
.LBB2_2:
0x51: {  	_ =	swait.ge [sflag:s10], $0x2000  }
0x52: {  	s13 =	sadd.s32 $0xFFFC0000, s6;
	s0 =	simm.s32 $0x1C00;
	[sflag:s10] =	ssyncset.done $0x0  }
0x53: {  	p0 =	seq.s32 s9, $0x5A00;
	s4 =	sadd.s32 s5, s13;
	[sflag:s10] =	ssyncadd.s32 $0xFFFFE000  }
0x54: {  	[hbm4b:s4+s3] =	stream.linear.scatter [tilespmem:s0], [sflag:$0xB], $0x2000, $0x38;
	[tilespmem:$0x15C00] =	vst v63  }
0x55: {  	s4 =	simm.s32 @p0 $0x2  }
0x56: {  	_ =	swait.ge @p0 [sflag:s4], $0x2000  }
0x57: {  	s8 =	simm.s32 @p0 $0x0;
	[sflag:s4] =	ssyncset.done @p0 $0x0  }
0x58: {  	s28 =	simm.s32 @p0 $0x3C00;
	[sflag:s4] =	ssyncadd.s32 @p0 $0xFFFFE000;
	s4 =	sadd.s32 @p0 s7, s13  }
0x59: {  	[hbm4b:s4+s8] =	stream.linear.scatter @p0 [tilespmem:s28], [sflag:$0xC], $0x2000, $0x38;
	[tilespmem:$0x15C00] =	vst v63  }
0x5a: {  	s4 =	simm.s32 @!p0 $0xB  }
0x5b: {  	_ =	swait.ge @!p0 [sflag:s4], $0x2000  }
0x5c: {  	s0 =	simm.s32 @!p0 $0x1C00;
	s8 =	sshra.s32 @!p0 s9, $0x2;
	[sflag:s4] =	ssyncset.done @!p0 $0x0  }
0x5d: {  	s28 =	sadd.s32 @!p0 $0x280, s8;
	[sflag:s4] =	ssyncadd.s32 @!p0 $0xFFFFE000;
	s4 =	simm.s32 @!p0 $0x40  }
0x5e: {  	[tilespmem:s0], [sflag:$0x1] =	stream.indirect.gather @!p0 [hbm4b:s1+s4], $0x80, s28, s4, $0xb8;
	[tilespmem:$0x15C00] =	vst v63  }
0x5f: {  	s0 =	simm.s32 @!p0 $0x2  }
0x60: {  	_ =	swait.ge @!p0 [sflag:s0], $0x2000  }
0x61: {  	s28 =	simm.s32 @!p0 $0x3C00;
	[sflag:s0] =	ssyncset.done @!p0 $0x0  }
0x62: {  	[sflag:s0] =	ssyncadd.s32 @!p0 $0xFFFFE000;
	s0 =	sadd.s32 @!p0 s7, s13;
	s13 =	simm.s32 @!p0 $0x0  }
0x63: {  	[hbm4b:s0+s13] =	stream.linear.scatter @!p0 [tilespmem:s28], [sflag:$0xC], $0x2000, $0x38;
	[tilespmem:$0x15C00] =	vst v63  }
0x64: {  	s0 =	simm.s32 @!p0 $0xC  }
0x65: {  	_ =	swait.ge @!p0 [sflag:s0], $0x2000  }
0x66: {  	[sflag:s0] =	ssyncset.done @!p0 $0x0  }
0x67: {  	[sflag:s0] =	ssyncadd.s32 @!p0 $0xFFFFE000;
	s0 =	sadd.s32 @!p0 $0x2C0, s8  }
0x68: {  	[tilespmem:s28], [sflag:$0x2] =	stream.indirect.gather @!p0 [hbm4b:s1+s4], $0x80, s0, s4, $0xb8;
	[tilespmem:$0x15C00] =	vst v63  }
0x69: {  	_ =	swait.ge [sflag:s11], $0x2000  }
0x6a: {  	s13 =	sadd.s32 s5, s6;
	[sflag:s11] =	ssyncset.done $0x0  }
0x6b: {  	s28 =	sadd.s32 $0xFFFD0000, s13;
	s0 =	simm.s32 @!p0 $0xD;
	[sflag:s11] =	ssyncadd.s32 $0xFFFFE000  }
0x6c: {  	[hbm4b:s28+s3] =	stream.linear.scatter [tilespmem:s18], [sflag:$0xD], $0x2000, $0x38;
	[tilespmem:$0x15C00] =	vst v63  }
0x6d: {  	_ =	swait.ge @!p0 [sflag:s0], $0x2000  }
0x6e: {  	[sflag:s0] =	ssyncset.done @!p0 $0x0  }
0x6f: {  	s28 =	simm.s32 @!p0 $0x5C00;
	[sflag:s0] =	ssyncadd.s32 @!p0 $0xFFFFE000;
	s0 =	sadd.s32 @!p0 $0x300, s8  }
0x70: {  	[tilespmem:s28], [sflag:$0x3] =	stream.indirect.gather @!p0 [hbm4b:s1+s4], $0x80, s0, s4, $0xb8;
	[tilespmem:$0x15C00] =	vst v63  }
0x71: {  	_ =	swait.ge [sflag:s12], $0x2000  }
0x72: {  	s28 =	sadd.s32 s7, s6;
	[sflag:s12] =	ssyncset.done $0x0  }
0x73: {  	s0 =	simm.s32 @!p0 $0xE;
	s15 =	sadd.s32 $0xFFFD0000, s28;
	[sflag:s12] =	ssyncadd.s32 $0xFFFFE000  }
0x74: {  	[hbm4b:s15+s3] =	stream.linear.scatter [tilespmem:s20], [sflag:$0xE], $0x2000, $0x38;
	[tilespmem:$0x15C00] =	vst v63  }
0x75: {  	_ =	swait.ge @!p0 [sflag:s0], $0x2000  }
0x76: {  	[sflag:s0] =	ssyncset.done @!p0 $0x0  }
0x77: {  	s15 =	simm.s32 @!p0 $0x7C00;
	[sflag:s0] =	ssyncadd.s32 @!p0 $0xFFFFE000;
	s0 =	sadd.s32 @!p0 $0x340, s8  }
0x78: {  	[tilespmem:s15], [sflag:$0x4] =	stream.indirect.gather @!p0 [hbm4b:s1+s4], $0x80, s0, s4, $0xb8;
	[tilespmem:$0x15C00] =	vst v63  }
0x79: {  	_ =	swait.ge [sflag:s16], $0x2000  }
0x7a: {  	[sflag:s16] =	ssyncset.done $0x0  }
0x7b: {  	s15 =	sadd.s32 $0xFFFE0000, s13;
	s0 =	simm.s32 @!p0 $0xF;
	[sflag:s16] =	ssyncadd.s32 $0xFFFFE000  }
0x7c: {  	[hbm4b:s15+s3] =	stream.linear.scatter [tilespmem:s22], [sflag:$0xF], $0x2000, $0x38;
	[tilespmem:$0x15C00] =	vst v63  }
0x7d: {  	_ =	swait.ge @!p0 [sflag:s0], $0x2000  }
0x7e: {  	[sflag:s0] =	ssyncset.done @!p0 $0x0  }
0x7f: {  	s15 =	simm.s32 @!p0 $0x9C00;
	[sflag:s0] =	ssyncadd.s32 @!p0 $0xFFFFE000;
	s0 =	sadd.s32 @!p0 $0x380, s8  }
0x80: {  	[tilespmem:s15], [sflag:$0x5] =	stream.indirect.gather @!p0 [hbm4b:s1+s4], $0x80, s0, s4, $0xb8;
	[tilespmem:$0x15C00] =	vst v63  }
0x81: {  	_ =	swait.ge [sflag:s17], $0x2000  }
0x82: {  	[sflag:s17] =	ssyncset.done $0x0  }
0x83: {  	s15 =	sadd.s32 $0xFFFE0000, s28;
	s0 =	simm.s32 @!p0 $0x10;
	[sflag:s17] =	ssyncadd.s32 $0xFFFFE000  }
0x84: {  	[hbm4b:s15+s3] =	stream.linear.scatter [tilespmem:s24], [sflag:$0x10], $0x2000, $0x38;
	[tilespmem:$0x15C00] =	vst v63  }
0x85: {  	_ =	swait.ge @!p0 [sflag:s0], $0x2000  }
0x86: {  	[sflag:s0] =	ssyncset.done @!p0 $0x0  }
0x87: {  	s15 =	simm.s32 @!p0 $0xBC00;
	[sflag:s0] =	ssyncadd.s32 @!p0 $0xFFFFE000;
	s0 =	sadd.s32 @!p0 $0x3C0, s8  }
0x88: {  	[tilespmem:s15], [sflag:$0x6] =	stream.indirect.gather @!p0 [hbm4b:s1+s4], $0x80, s0, s4, $0xb8;
	[tilespmem:$0x15C00] =	vst v63  }
0x89: {  	_ =	swait.ge [sflag:s19], $0x2000  }
0x8a: {  	[sflag:s19] =	ssyncset.done $0x0  }
0x8b: {  	s15 =	sadd.s32 $0xFFFF0000, s13;
	s0 =	simm.s32 @!p0 $0x11;
	[sflag:s19] =	ssyncadd.s32 $0xFFFFE000  }
0x8c: {  	[hbm4b:s15+s3] =	stream.linear.scatter [tilespmem:s26], [sflag:$0x11], $0x2000, $0x38;
	[tilespmem:$0x15C00] =	vst v63  }
0x8d: {  	_ =	swait.ge @!p0 [sflag:s0], $0x2000  }
0x8e: {  	[sflag:s0] =	ssyncset.done @!p0 $0x0  }
0x8f: {  	s15 =	simm.s32 @!p0 $0xDC00;
	[sflag:s0] =	ssyncadd.s32 @!p0 $0xFFFFE000;
	s0 =	sadd.s32 @!p0 $0x400, s8  }
0x90: {  	[tilespmem:s15], [sflag:$0x7] =	stream.indirect.gather @!p0 [hbm4b:s1+s4], $0x80, s0, s4, $0xb8;
	[tilespmem:$0x15C00] =	vst v63  }
0x91: {  	_ =	swait.ge [sflag:s21], $0x2000  }
0x92: {  	[sflag:s21] =	ssyncset.done $0x0  }
0x93: {  	s15 =	sadd.s32 $0xFFFF0000, s28;
	s0 =	simm.s32 @!p0 $0x12;
	[sflag:s21] =	ssyncadd.s32 $0xFFFFE000  }
0x94: {  	[hbm4b:s15+s3] =	stream.linear.scatter [tilespmem:s29], [sflag:$0x12], $0x2000, $0x38;
	[tilespmem:$0x15C00] =	vst v63  }
0x95: {  	_ =	swait.ge @!p0 [sflag:s0], $0x2000  }
0x96: {  	[sflag:s0] =	ssyncset.done @!p0 $0x0  }
0x97: {  	s15 =	simm.s32 @!p0 $0xFC00;
	[sflag:s0] =	ssyncadd.s32 @!p0 $0xFFFFE000;
	s0 =	sadd.s32 @!p0 $0x440, s8  }
0x98: {  	[tilespmem:s15], [sflag:$0x8] =	stream.indirect.gather @!p0 [hbm4b:s1+s4], $0x80, s0, s4, $0xb8;
	[tilespmem:$0x15C00] =	vst v63  }
0x99: {  	_ =	swait.ge [sflag:s23], $0x2000  }
0x9a: {  	[sflag:s23] =	ssyncset.done $0x0  }
0x9b: {  	s0 =	simm.s32 @!p0 $0x13;
	[sflag:s23] =	ssyncadd.s32 $0xFFFFE000  }
0x9c: {  	[hbm4b:s13+s3] =	stream.linear.scatter [tilespmem:s31], [sflag:$0x13], $0x2000, $0x38;
	[tilespmem:$0x15C00] =	vst v63  }
0x9d: {  	_ =	swait.ge @!p0 [sflag:s0], $0x2000  }
0x9e: {  	[sflag:s0] =	ssyncset.done @!p0 $0x0  }
0x9f: {  	[sflag:s0] =	ssyncadd.s32 @!p0 $0xFFFFE000;
	s0 =	sadd.s32 @!p0 $0x480, s8;
	s8 =	simm.s32 @!p0 $0x11C00  }
0xa0: {  	[tilespmem:s8], [sflag:$0x9] =	stream.indirect.gather @!p0 [hbm4b:s1+s4], $0x80, s0, s4, $0xb8;
	[tilespmem:$0x15C00] =	vst v63  }
.Ltmp2:
0xa1: {  	_ = 	snop;
	(pc) =	sbr.rel @p0 .LBB2_4-.Ltmp2, $4  }
0xa2: {  	_ =	swait.ge [sflag:s25], $0x2000  }
0xa3: {  	[sflag:s25] =	ssyncset.done $0x0  }
0xa4: {  	[sflag:s25] =	ssyncadd.s32 $0xFFFFE000  }
0xa5: {  	[hbm4b:s28+s3] =	stream.linear.scatter [tilespmem:s2], [sflag:$0x14], $0x2000, $0x38;
	[tilespmem:$0x15C00] =	vst v63  }
.Ltmp3:
0xa6: {  	(pc) =	sbr.rel .LBB2_2-.Ltmp3, $4  }
0xa7: {  	_ =	swait.ge [sflag:s30], $0x2000  }
0xa8: {  	s0 =	sshra.s32 s9, $0x2;
	s9 =	sadd.s32 $0xA00, s9;
	[sflag:s30] =	ssyncset.done $0x0  }
0xa9: {  	s6 =	sadd.s32 $0x50000, s6;
	s0 =	sadd.s32 $0x4C0, s0;
	[sflag:s30] =	ssyncadd.s32 $0xFFFFE000  }
0xaa: {  	[tilespmem:s2], [sflag:$0xA] =	stream.indirect.gather [hbm4b:s1+s14], $0x80, s0, s14, $0xb8;
	[tilespmem:$0x15C00] =	vst v63  }
.LBB2_5:
0xab: {  	_ =	sfence.sel $0x180000  }
0xac: {  	[bflag:$0x0] =	sbarrier.arrive $0xFFFF  }
0xad: {  	_ =	strace $0x90000047  }
0xae: {  	s0 =	stileid.u32;
	[bflag:$0x2] =	sbarrier.arrive $0xFFFF  }
0xaf: {  	p0 =	sne.s32 s0, $0x0;
	s0 =	rddreg [dreg:$0x3]  }
0xb0: {  	s0 =	sadd.s32 @!p0 $0x100000, s0  }
0xb1: {  	[sflag:s0] =	ssyncadd.tile.s32 @!p0 $0x1;
	_ =	shalt  }
.Lfunc_end2:
_tile_overlayer_lowered:
.L_overlay_start_2:
0xb2: {  	(tag) =	ssettag $0x2  }
0xb3: {  	s0 =	rddreg [dreg:$0x0];
	s2 =	stileid.u32  }
0xb4: {  	s1 =	rddreg [dreg:$0x1];
	p0 =	sne.s32 s2, $0x0  }
0xb5: {  	s3 =	rddreg [dreg:$0x2];
	[bflag:$0x3] =	sbarrier.arrive $0xFFFF;
	s2 =	simm.s32 @!p0 $0x1C15  }
0xb6: {  	[timem:s3], [sflag:s2] =	dma.local @!p0 [hbm:s0], s1  }
0xb7: {  	s0 =	simm.s32 @!p0 $0x15  }
0xb8: {  	_ =	swait.ge @!p0 [sflag:s0], s1  }
0xb9: {  	s1 =	ssub.s32 @!p0 $0x0, s1;
	[sflag:s0] =	ssyncset.done @!p0 $0x0  }
0xba: {  	[sflag:s0] =	ssyncadd.s32 @!p0 s1  }
0xbb: {  	[bflag:$0x3] =	sbarrier.arrive $0xFFFF  }
0xbc: {  	_ =	shalt  }

</sc_bundles>
